<compile_context>
chip_gen: v7x
topology: tpu7x:2x2x1
jax: 0.10.2.dev20260603
libtpu: 0.0.44.dev20260713+nightly
codegen_flags: <defaults>
</compile_context>

<pallas_src>
import dataclasses

import jax
import jax.numpy as jnp
from jax import lax
from jax.experimental import pallas as pl
from jax.experimental.pallas import tpu as pltpu
from jax.experimental.pallas import tpu_sc as plsc

N = 10000
E = 320000
NODE_DIM = 128
OUT_DIM = 128
N_HEADS = 4

def _sc_compiler_params():
    cp = pltpu.CompilerParams()
    if "needs_layout_passes" in pltpu.CompilerParams.__dataclass_fields__:
        cp = dataclasses.replace(cp, needs_layout_passes=False)
    return cp


NC = 2
NS = 16
NTILES = NC * NS
EPT = E // NTILES

CH2 = 2000
CH4 = 200
CW = 48

ROWS_MOST = 632
ROWS_LAST = N - 15 * ROWS_MOST


def _k1a_body(x_ref, w1_ref, wa1_ref, wa2_ref, we_ref, wt_ref, bm_ref,
              ba_ref, gam_ref, xw_ref, g_ref, acat_ref, c0_ref, sg_ref):
    x = x_ref[...]
    xw = jnp.dot(x, w1_ref[...], preferred_element_type=jnp.float32)
    xw_ref[...] = xw
    wa1 = wa1_ref[...]
    g1 = jnp.dot(xw, wa1, preferred_element_type=jnp.float32)
    g2 = jnp.dot(x, wa2_ref[...], preferred_element_type=jnp.float32)
    g_ref[...] = jnp.concatenate([g1, g2], axis=1)
    ae = jnp.dot(we_ref[...], wa1, preferred_element_type=jnp.float32)
    at = jnp.dot(wt_ref[...], wa1, preferred_element_type=jnp.float32)
    acat_ref[...] = jnp.concatenate([ae, at], axis=0)
    c0_ref[...] = (jnp.dot(bm_ref[...], wa1, preferred_element_type=jnp.float32)
                   + ba_ref[...])
    g = gam_ref[...]
    sg_ref[...] = jnp.maximum(g, 0.0) + jnp.log1p(jnp.exp(-jnp.abs(g)))


def _run_k1a(x, w1, wa1, wa2, we, wt, bm2, ba2, gam2):
    return pl.pallas_call(
        _k1a_body,
        out_shape=[
            jax.ShapeDtypeStruct((N, NODE_DIM), jnp.float32),
            jax.ShapeDtypeStruct((N, 8), jnp.float32),
            jax.ShapeDtypeStruct((32, N_HEADS), jnp.float32),
            jax.ShapeDtypeStruct((1, N_HEADS), jnp.float32),
            jax.ShapeDtypeStruct((16, 1), jnp.float32),
        ],
    )(x, w1, wa1, wa2, we, wt, bm2, ba2, gam2)


RB1E = 2000


def _k1e_body(ef_ref, wef_ref, o_ref):
    w = wef_ref[...]
    e = ef_ref[...]
    o_ref[...] = jnp.concatenate(
        [jnp.dot(e[:, 128 * i:128 * (i + 1)], w,
                 preferred_element_type=jnp.float32)
         for i in range(4)], axis=1)


def _run_k1e(ef512, wef):
    rows = E // 32
    return pl.pallas_call(
        _k1e_body,
        grid=(rows // RB1E,),
        in_specs=[pl.BlockSpec((RB1E, 512), lambda i: (i, 0)),
                  pl.BlockSpec((128, 32), lambda i: (0, 0))],
        out_specs=pl.BlockSpec((RB1E, 128), lambda i: (i, 0)),
        out_shape=jax.ShapeDtypeStruct((rows, 128), jnp.float32),
    )(ef512, wef)


EB = 32000


def _k1t_body(dt_ref, acat_ref, sg_ref, c0_ref, l0, l1, l2, l3):
    dtv = jnp.maximum(dt_ref[...], 0.0)
    te2 = jnp.exp(-sg_ref[...] * dtv)
    acat = acat_ref[...]
    outs = (l0, l1, l2, l3)
    for h in range(N_HEADS):
        at = acat[16:32, h:h + 1]
        acc = jnp.sum(at * te2, axis=0, keepdims=True)
        outs[h][...] = acc + c0_ref[0, h]


def _run_k1t(dt1, acat, sg, c0):
    nblk = E // EB
    o = jax.ShapeDtypeStruct((1, E), jnp.float32)
    return pl.pallas_call(
        _k1t_body,
        grid=(nblk,),
        in_specs=[
            pl.BlockSpec((1, EB), lambda i: (0, i)),
            pl.BlockSpec((32, N_HEADS), lambda i: (0, 0)),
            pl.BlockSpec((16, 1), lambda i: (0, 0)),
            pl.BlockSpec((1, N_HEADS), lambda i: (0, 0)),
        ],
        out_specs=[pl.BlockSpec((1, EB), lambda i: (0, i))] * 4,
        out_shape=[o, o, o, o],
    )(dt1, acat, sg, c0)


def _k2_body(g_hbm, src_hbm, dst_hbm, l0_hbm, l1_hbm, l2_hbm, l3_hbm,
             loce_hbm, l_hbm, gt, srcb, dstb, locb, lceb, lb):
    c = lax.axis_index("c")
    s = lax.axis_index("s")
    wid = c * NS + s
    base = wid * EPT
    pltpu.sync_copy(g_hbm, gt)
    hvecs = [jnp.full((16,), h, jnp.int32) for h in range(2 * N_HEADS)]
    iota4 = lax.iota(jnp.int32, 16) * 4
    loc_hbms = (l0_hbm, l1_hbm, l2_hbm, l3_hbm)

    @pl.loop(0, EPT, step=CH2)
    def _chunk(e0):
        gb = base + e0
        pltpu.sync_copy(src_hbm.at[pl.ds(gb, CH2)], srcb)
        pltpu.sync_copy(dst_hbm.at[pl.ds(gb, CH2)], dstb)
        pltpu.sync_copy(loce_hbm.at[pl.ds(4 * gb, 4 * CH2)], lceb)
        for h in range(N_HEADS):
            pltpu.sync_copy(loc_hbms[h].at[pl.ds(gb, CH2)],
                            locb.at[pl.ds(h * CH2, CH2)])

        @pl.loop(0, CH2, step=16)
        def _vec(cc):
            sv8 = srcb[pl.ds(cc, 16)] * 8
            dv8 = dstb[pl.ds(cc, 16)] * 8
            for h in range(N_HEADS):
                g1 = plsc.load_gather(gt, [sv8 + hvecs[h]])
                g2 = plsc.load_gather(gt, [dv8 + hvecs[h + N_HEADS]])
                lo = locb[pl.ds(h * CH2 + cc, 16)]
                le = plsc.load_gather(lceb, [iota4 + (4 * cc + h)])
                lb[pl.ds(h * CH2 + cc, 16)] = g1 + g2 + lo + le

        for h in range(N_HEADS):
            pltpu.sync_copy(lb.at[pl.ds(h * CH2, CH2)],
                            l_hbm.at[pl.ds(h * E + gb, CH2)])


def _run_k2(gflat, src, dst, l0, l1, l2, l3, loce):
    mesh = plsc.VectorSubcoreMesh(core_axis_name="c", subcore_axis_name="s")
    f = pl.kernel(
        _k2_body,
        out_type=jax.ShapeDtypeStruct((N_HEADS * E,), jnp.float32),
        mesh=mesh,
        compiler_params=_sc_compiler_params(),
        scratch_types=[
            pltpu.VMEM((N * 8,), jnp.float32),
            pltpu.VMEM((CH2,), jnp.int32),
            pltpu.VMEM((CH2,), jnp.int32),
            pltpu.VMEM((N_HEADS * CH2,), jnp.float32),
            pltpu.VMEM((N_HEADS * CH2,), jnp.float32),
            pltpu.VMEM((N_HEADS * CH2,), jnp.float32),
        ],
    )
    return f(gflat, src, dst, l0, l1, l2, l3, loce)


def _k3_body(l_ref, w_ref):
    l = l_ref[...]
    m = jnp.max(l, axis=(1, 2), keepdims=True)
    p = jnp.exp(l - m)
    z = jnp.sum(p, axis=(1, 2), keepdims=True)
    w_ref[...] = jnp.mean(p / z, axis=0)


def _run_k3(l3):
    return pl.pallas_call(
        _k3_body,
        out_shape=jax.ShapeDtypeStruct((E // 128, 128), jnp.float32),
    )(l3)


def _zero_rows(buf, nrows):
    zero16 = jnp.zeros((16,), jnp.float32)
    ncols = buf.shape[1]

    @pl.loop(0, nrows)
    def _z(i):
        for j in range(ncols // 16):
            buf[i, pl.ds(16 * j, 16)] = zero16


def _zero_shared(zbuf, sh, s):
    row0 = s * ROWS_MOST

    @pl.when(s < 15)
    def _zmost():
        for off, h in ((0, 200), (200, 200), (400, 200), (600, 32)):
            pltpu.sync_copy(zbuf.at[pl.ds(0, h)], sh.at[pl.ds(row0 + off, h)])

    @pl.when(s == 15)
    def _zlast():
        for off, h in ((0, 200), (200, 200), (400, 120)):
            pltpu.sync_copy(zbuf.at[pl.ds(0, h)], sh.at[pl.ds(row0 + off, h)])


def _copy_out_shared(sh, out_hbm, c, s):
    row0 = s * ROWS_MOST

    @pl.when(s < 15)
    def _omost():
        for off, h in ((0, 200), (200, 200), (400, 200), (600, 32)):
            pltpu.sync_copy(sh.at[pl.ds(row0 + off, h)],
                            out_hbm.at[c, pl.ds(row0 + off, h)])

    @pl.when(s == 15)
    def _olast():
        for off, h in ((0, 200), (200, 200), (400, 120)):
            pltpu.sync_copy(sh.at[pl.ds(row0 + off, h)],
                            out_hbm.at[c, pl.ds(row0 + off, h)])


def _k4a_body(xw_hbm, src_hbm, dst_hbm, w_hbm, ap_hbm,
              agg_sh, srcb, dstb, wb, r1):
    c = lax.axis_index("c")
    s = lax.axis_index("s")
    wid = c * NS + s

    _zero_rows(r1, 200)
    _zero_shared(r1, agg_sh, s)
    plsc.subcore_barrier()

    @pl.loop(0, EPT, step=CH4)
    def _chunk(e0):
        gb = wid * EPT + e0
        pltpu.sync_copy(src_hbm.at[pl.ds(gb, CH4)], srcb)
        pltpu.sync_copy(dst_hbm.at[pl.ds(gb, CH4)], dstb)
        pltpu.sync_copy(w_hbm.at[pl.ds(gb, CH4)], wb)
        pltpu.sync_copy(xw_hbm.at[srcb], r1)

        @pl.loop(0, CH4)
        def _edge(i):
            wv = plsc.load_gather(wb, [jnp.full((16,), i, jnp.int32)])
            for j in range(8):
                r1[i, pl.ds(16 * j, 16)] = r1[i, pl.ds(16 * j, 16)] * wv

        pltpu.sync_copy(r1, agg_sh.at[dstb], add=True)

    plsc.subcore_barrier()
    _copy_out_shared(agg_sh, ap_hbm, c, s)


def _run_k4a(xw, src, dst, w):
    mesh = plsc.VectorSubcoreMesh(core_axis_name="c", subcore_axis_name="s")
    f = pl.kernel(
        _k4a_body,
        out_type=jax.ShapeDtypeStruct((NC, N, NODE_DIM), jnp.float32),
        mesh=mesh,
        compiler_params=_sc_compiler_params(),
        scratch_types=[
            pltpu.VMEM_SHARED((N, NODE_DIM), jnp.float32),
            pltpu.VMEM((CH4,), jnp.int32),
            pltpu.VMEM((CH4,), jnp.int32),
            pltpu.VMEM((CH4,), jnp.float32),
            pltpu.VMEM((CH4, NODE_DIM), jnp.float32),
        ],
    )
    return f(xw, src, dst, w)


def _k4b_body(dst_hbm, w_hbm, dt_hbm, efe_hbm, sg_hbm, cp_hbm,
              c_sh, dstb, wb, dtb, eftb, sgb, r2):
    c = lax.axis_index("c")
    s = lax.axis_index("s")
    wid = c * NS + s
    onehot0 = jnp.where(lax.iota(jnp.int32, 16) == 0, 1.0, 0.0)

    pltpu.sync_copy(sg_hbm, sgb)
    negsg = -sgb[pl.ds(0, 16)]

    _zero_rows(r2, 200)
    _zero_shared(r2, c_sh, s)
    plsc.subcore_barrier()

    @pl.loop(0, EPT, step=CH4)
    def _chunk(e0):
        gb = wid * EPT + e0
        pltpu.sync_copy(dst_hbm.at[pl.ds(gb, CH4)], dstb)
        pltpu.sync_copy(w_hbm.at[pl.ds(gb, CH4)], wb)
        pltpu.sync_copy(dt_hbm.at[pl.ds(gb, CH4)], dtb)
        pltpu.sync_copy(efe_hbm.at[pl.ds(16 * gb, 16 * CH4)], eftb)

        @pl.loop(0, CH4)
        def _edge(i):
            iv = jnp.full((16,), i, jnp.int32)
            wv = plsc.load_gather(wb, [iv])
            dtv = jnp.maximum(plsc.load_gather(dtb, [iv]), 0.0)
            efv = eftb[pl.ds(16 * i, 16)]
            r2[i, pl.ds(0, 16)] = efv * wv
            r2[i, pl.ds(16, 16)] = jnp.exp(dtv * negsg) * wv
            r2[i, pl.ds(32, 16)] = onehot0 * wv

        pltpu.sync_copy(r2, c_sh.at[dstb], add=True)

    plsc.subcore_barrier()
    _copy_out_shared(c_sh, cp_hbm, c, s)


def _run_k4b(dst, w, dt, efe, sg):
    mesh = plsc.VectorSubcoreMesh(core_axis_name="c", subcore_axis_name="s")
    f = pl.kernel(
        _k4b_body,
        out_type=jax.ShapeDtypeStruct((NC, N, 128), jnp.float32),
        mesh=mesh,
        compiler_params=_sc_compiler_params(),
        scratch_types=[
            pltpu.VMEM_SHARED((N, 128), jnp.float32),
            pltpu.VMEM((CH4,), jnp.int32),
            pltpu.VMEM((CH4,), jnp.float32),
            pltpu.VMEM((CH4,), jnp.float32),
            pltpu.VMEM((16 * CH4,), jnp.float32),
            pltpu.VMEM((16,), jnp.float32),
            pltpu.VMEM((CH4, 128), jnp.float32),
        ],
    )
    return f(dst, w, dt, efe, sg)


def _k5_body(ap_ref, cp_ref, x_ref, we_ref, wt_ref, bm_ref, woa_ref, wox_ref,
             bo_ref, lnw_ref, lnb_ref, out_ref):
    agg = ap_ref[0] + ap_ref[1]
    cc = cp_ref[0] + cp_ref[1]
    f = cc[:, 0:16]
    t = cc[:, 16:32]
    sw = cc[:, 32:33]
    agg = (agg
           + jnp.dot(f, we_ref[...], preferred_element_type=jnp.float32)
           + jnp.dot(t, wt_ref[...], preferred_element_type=jnp.float32)
           + sw * bm_ref[...])
    h = (jnp.dot(agg, woa_ref[...], preferred_element_type=jnp.float32)
         + jnp.dot(x_ref[...], wox_ref[...], preferred_element_type=jnp.float32)
         + bo_ref[...])
    h = 0.5 * h * (1.0 + lax.erf(h * 0.7071067811865476))
    mu = jnp.mean(h, axis=-1, keepdims=True)
    hc = h - mu
    var = jnp.mean(hc * hc, axis=-1, keepdims=True)
    out_ref[...] = hc * lax.rsqrt(var + 1e-5) * lnw_ref[...] + lnb_ref[...]


def _run_k5(ap, cp, x, we, wt, bm2, woa, wox, bo2, lnw2, lnb2):
    return pl.pallas_call(
        _k5_body,
        out_shape=jax.ShapeDtypeStruct((N, OUT_DIM), jnp.float32),
    )(ap, cp, x, we, wt, bm2, woa, wox, bo2, lnw2, lnb2)


def kernel(x, edge_index, edge_feat, time_deltas, gammas, W_msg, b_msg,
           W_attn, b_attn, W_out, b_out, ln_w, ln_b):
    src = edge_index[0]
    dst = edge_index[1]
    w1 = W_msg[:NODE_DIM]
    we = W_msg[NODE_DIM:NODE_DIM + 16]
    wt = W_msg[NODE_DIM + 16:]
    wa1 = W_attn[:OUT_DIM]
    wa2 = W_attn[OUT_DIM:]

    xw, g, acat, c0, sg = _run_k1a(
        x, w1, wa1, wa2, we, wt, b_msg.reshape(1, OUT_DIM),
        b_attn.reshape(1, N_HEADS), gammas.reshape(16, 1))

    mask = (jnp.arange(128)[:, None] // 16) == (jnp.arange(32)[None, :] // 4)
    wef = jnp.where(mask, jnp.tile(acat[0:16], (8, 8)), 0.0)

    loce = _run_k1e(edge_feat.reshape(E // 32, 512), wef).reshape(-1)
    l0, l1, l2, l3 = _run_k1t(time_deltas.reshape(1, E), acat, sg, c0)

    le4 = loce.reshape(E, N_HEADS)
    logits = _run_k2(g.reshape(-1), src, dst,
                     l0.reshape(E) + le4[:, 0], l1.reshape(E) + le4[:, 1],
                     l2.reshape(E) + le4[:, 2], l3.reshape(E) + le4[:, 3],
                     jnp.zeros((4 * E,), jnp.float32))

    w = _run_k3(logits.reshape(N_HEADS, E // 128, 128)).reshape(E)

    ap = _run_k4a(xw, src, dst, w)
    cp = _run_k4b(dst, w, time_deltas, edge_feat.reshape(-1), sg.reshape(16))

    return _run_k5(ap, cp, x, we, wt, b_msg.reshape(1, OUT_DIM),
                   W_out[:OUT_DIM], W_out[OUT_DIM:],
                   b_out.reshape(1, OUT_DIM), ln_w.reshape(1, OUT_DIM),
                   ln_b.reshape(1, OUT_DIM))

# --- scband reference (transcript-rebuilt; emitter-appended) ---
"""Pipeline reference for scband-ctdgconv-21492016349930 (READ-ONLY COPY).

The authoritative reference and input builder live on the scoring server;
editing this copy changes nothing except your own understanding.
"""

import jax, jax.numpy as jnp
import numpy as np

N = 10000
E = 320000
NODE_DIM = 128
EDGE_DIM = 16
TIME_DIM = 16
OUT_DIM = 128
N_HEADS = 4


def setup_inputs(seed: int = 0) -> dict:
    key = jax.random.key(seed)
    ks = jax.random.split(key, 12)
    x = jax.random.normal(ks[0], (N, NODE_DIM), dtype=jnp.float32)
    edge_index = jax.random.randint(ks[1], (2, E), 0, N, dtype=jnp.int64 if jax.config.jax_enable_x64 else jnp.int32).astype(jnp.int32)
    edge_feat = jax.random.normal(ks[2], (E, EDGE_DIM), dtype=jnp.float32)
    time_deltas = jax.random.uniform(ks[3], (E,), dtype=jnp.float32)
    in_dim = NODE_DIM + EDGE_DIM + TIME_DIM
    gammas = jnp.full((TIME_DIM,), 1.0, dtype=jnp.float32)
    W_msg = jax.random.normal(ks[4], (in_dim, OUT_DIM), dtype=jnp.float32) * (1.0 / np.sqrt(in_dim))
    b_msg = jnp.zeros((OUT_DIM,), dtype=jnp.float32)
    W_attn = jax.random.normal(ks[5], (2 * OUT_DIM, N_HEADS), dtype=jnp.float32) * (1.0 / np.sqrt(2 * OUT_DIM))
    b_attn = jnp.zeros((N_HEADS,), dtype=jnp.float32)
    W_out = jax.random.normal(ks[6], (OUT_DIM + NODE_DIM, OUT_DIM), dtype=jnp.float32) * (1.0 / np.sqrt(OUT_DIM + NODE_DIM))
    b_out = jnp.zeros((OUT_DIM,), dtype=jnp.float32)
    ln_w = jnp.ones((OUT_DIM,), dtype=jnp.float32)
    ln_b = jnp.zeros((OUT_DIM,), dtype=jnp.float32)
    return {
        'x': x, 'edge_index': edge_index, 'edge_feat': edge_feat, 'time_deltas': time_deltas,
        'gammas': gammas, 'W_msg': W_msg, 'b_msg': b_msg, 'W_attn': W_attn, 'b_attn': b_attn,
        'W_out': W_out, 'b_out': b_out, 'ln_w': ln_w, 'ln_b': ln_b,
    }


def reference(x, edge_index, edge_feat, time_deltas, gammas, W_msg, b_msg, W_attn, b_attn, W_out, b_out, ln_w, ln_b):
    src = edge_index[0]
    dst = edge_index[1]
    # ExponentialTimeDecay: exp(-softplus(gamma) * clamp(dt, 0))
    dt = jnp.clip(time_deltas, 0.0, None)[:, None]
    time_enc = jnp.exp(-jax.nn.softplus(gammas)[None, :] * dt)
    # message projection (gather src features)
    msg_in = jnp.concatenate([jnp.take(x, src, axis=0), edge_feat, time_enc], axis=-1)
    msgs = msg_in @ W_msg + b_msg
    # attention over all edges (softmax over dim 0, per head), then head-mean
    attn_in = jnp.concatenate([msgs, jnp.take(x, dst, axis=0)], axis=-1)
    attn_logits = attn_in @ W_attn + b_attn
    attn_weight = jnp.mean(jax.nn.softmax(attn_logits, axis=0), axis=-1, keepdims=True)
    weighted = msgs * attn_weight
    # scatter-add into destination nodes
    agg = jnp.zeros((x.shape[0], msgs.shape[1]), dtype=x.dtype).at[dst].add(weighted)
    # out projection + GELU (exact, matching torch default) ; dropout is identity at eval
    h = jnp.concatenate([agg, x], axis=-1) @ W_out + b_out
    h = jax.nn.gelu(h, approximate=False)
    # LayerNorm
    mu = jnp.mean(h, axis=-1, keepdims=True)
    var = jnp.mean((h - mu) ** 2, axis=-1, keepdims=True)
    out = (h - mu) / jnp.sqrt(var + 1e-5) * ln_w + ln_b
    return out

if __name__ == "__main__":
    import jax
    _d = setup_inputs()
    print(jax.jit(kernel)(*tuple(_d.values())))

</pallas_src>

<mosaic_0001>
#map = affine_map<(d0, d1) -> (0, 0)>
#map1 = affine_map<(d0, d1) -> (0)>
#map2 = affine_map<(d0, d1) -> (0, 0, 0)>
module attributes {stable_mosaic.version = 14 : i64} {
  func.func @_k4a_body(%arg0: i32, %arg1: i32, %arg2: memref<10000x128xf32, #tpu.memory_space<hbm>>, %arg3: memref<320000xi32, #tpu.memory_space<hbm>>, %arg4: memref<320000xi32, #tpu.memory_space<hbm>>, %arg5: memref<320000xf32, #tpu.memory_space<hbm>>, %arg6: memref<2x10000x128xf32, #tpu.memory_space<hbm>>, %arg7: memref<10000x128xf32, #tpu.memory_space<vmem_shared>>, %arg8: memref<200xi32, #tpu.memory_space<vmem>>, %arg9: memref<200xi32, #tpu.memory_space<vmem>>, %arg10: memref<200xf32, #tpu.memory_space<vmem>>, %arg11: memref<200x128xf32, #tpu.memory_space<vmem>>) attributes {dimension_semantics = [#tpu.dimension_semantics<core_parallel>, #tpu.dimension_semantics<subcore_parallel>], iteration_bounds = array<i64: 2, 16>, scalar_prefetch = 0 : i64, scratch_operands = 5 : i64, tpu.core_type = #tpu.core_type<sc_vector_subcore>, window_params = [{transform_indices = #map}, {transform_indices = #map1}, {transform_indices = #map1}, {transform_indices = #map1}, {transform_indices = #map2}]} {
    %mul3A = arith.constant 16 : i32
    %mul3A_0 = arith.muli %arg0, %mul3A : i32
    %add3A = arith.addi %mul3A_0, %arg1 : i32
    %broadcast_in_dim3A = arith.constant 0.000000e+00 : f32
    %broadcast_in_dim3A_1 = vector.broadcast %broadcast_in_dim3A : f32 to vector<16xf32>
    %scan3A = arith.constant 0 : i32
    %scan3A_2 = arith.constant 200 : i32
    %scan3A_3 = arith.addi %scan3A, %scan3A_2 : i32
    %scan3A_4 = arith.constant 1 : i32
    scf.for %scan3A_32 = %scan3A to %scan3A_3 step %scan3A_4  : i32 {
      %mul3A_33 = arith.constant 1 : i32
      %mul3A_34 = arith.muli %scan3A_32, %mul3A_33 : i32
      %add3A_35 = arith.constant 0 : i32
      %add3A_36 = arith.addi %add3A_35, %mul3A_34 : i32
      %swap3A = arith.index_cast %add3A_36 : i32 to index
      %swap3A_37 = arith.constant 0 : index
      %swap3A_38 = tpu.vector_load %arg11[%swap3A, %swap3A_37] {strides = array<i32>} : memref<200x128xf32, #tpu.memory_space<vmem>>, vector<16xf32>,
      tpu.vector_store %arg11[%swap3A, %swap3A_37], %broadcast_in_dim3A_1 {strides = array<i32>} : memref<200x128xf32, #tpu.memory_space<vmem>>, vector<16xf32>,
      %swap3A_39 = arith.index_cast %add3A_36 : i32 to index
      %swap3A_40 = arith.constant 16 : index
      %swap3A_41 = tpu.vector_load %arg11[%swap3A_39, %swap3A_40] {strides = array<i32>} : memref<200x128xf32, #tpu.memory_space<vmem>>, vector<16xf32>,
      tpu.vector_store %arg11[%swap3A_39, %swap3A_40], %broadcast_in_dim3A_1 {strides = array<i32>} : memref<200x128xf32, #tpu.memory_space<vmem>>, vector<16xf32>,
      %swap3A_42 = arith.index_cast %add3A_36 : i32 to index
      %swap3A_43 = arith.constant 32 : index
      %swap3A_44 = tpu.vector_load %arg11[%swap3A_42, %swap3A_43] {strides = array<i32>} : memref<200x128xf32, #tpu.memory_space<vmem>>, vector<16xf32>,
      tpu.vector_store %arg11[%swap3A_42, %swap3A_43], %broadcast_in_dim3A_1 {strides = array<i32>} : memref<200x128xf32, #tpu.memory_space<vmem>>, vector<16xf32>,
      %swap3A_45 = arith.index_cast %add3A_36 : i32 to index
      %swap3A_46 = arith.constant 48 : index
      %swap3A_47 = tpu.vector_load %arg11[%swap3A_45, %swap3A_46] {strides = array<i32>} : memref<200x128xf32, #tpu.memory_space<vmem>>, vector<16xf32>,
      tpu.vector_store %arg11[%swap3A_45, %swap3A_46], %broadcast_in_dim3A_1 {strides = array<i32>} : memref<200x128xf32, #tpu.memory_space<vmem>>, vector<16xf32>,
      %swap3A_48 = arith.index_cast %add3A_36 : i32 to index
      %swap3A_49 = arith.constant 64 : index
      %swap3A_50 = tpu.vector_load %arg11[%swap3A_48, %swap3A_49] {strides = array<i32>} : memref<200x128xf32, #tpu.memory_space<vmem>>, vector<16xf32>,
      tpu.vector_store %arg11[%swap3A_48, %swap3A_49], %broadcast_in_dim3A_1 {strides = array<i32>} : memref<200x128xf32, #tpu.memory_space<vmem>>, vector<16xf32>,
      %swap3A_51 = arith.index_cast %add3A_36 : i32 to index
      %swap3A_52 = arith.constant 80 : index
      %swap3A_53 = tpu.vector_load %arg11[%swap3A_51, %swap3A_52] {strides = array<i32>} : memref<200x128xf32, #tpu.memory_space<vmem>>, vector<16xf32>,
      tpu.vector_store %arg11[%swap3A_51, %swap3A_52], %broadcast_in_dim3A_1 {strides = array<i32>} : memref<200x128xf32, #tpu.memory_space<vmem>>, vector<16xf32>,
      %swap3A_54 = arith.index_cast %add3A_36 : i32 to index
      %swap3A_55 = arith.constant 96 : index
      %swap3A_56 = tpu.vector_load %arg11[%swap3A_54, %swap3A_55] {strides = array<i32>} : memref<200x128xf32, #tpu.memory_space<vmem>>, vector<16xf32>,
      tpu.vector_store %arg11[%swap3A_54, %swap3A_55], %broadcast_in_dim3A_1 {strides = array<i32>} : memref<200x128xf32, #tpu.memory_space<vmem>>, vector<16xf32>,
      %swap3A_57 = arith.index_cast %add3A_36 : i32 to index
      %swap3A_58 = arith.constant 112 : index
      %swap3A_59 = tpu.vector_load %arg11[%swap3A_57, %swap3A_58] {strides = array<i32>} : memref<200x128xf32, #tpu.memory_space<vmem>>, vector<16xf32>,
      tpu.vector_store %arg11[%swap3A_57, %swap3A_58], %broadcast_in_dim3A_1 {strides = array<i32>} : memref<200x128xf32, #tpu.memory_space<vmem>>, vector<16xf32>,
    }
    %scan3A_5 = arith.constant 200 : i32
    %mul3A_6 = arith.constant 632 : i32
    %mul3A_7 = arith.muli %arg1, %mul3A_6 : i32
    %lt3A = arith.constant 15 : i32
    %lt3A_8 = arith.cmpi slt, %arg1, %lt3A : i32
    %convert_element_type3A = arith.extui %lt3A_8 : i1 to i32
    %cond3A = arith.constant 0 : i32
    %cond3A_9 = arith.cmpi ne, %convert_element_type3A, %cond3A : i32
    scf.if %cond3A_9 {
      %add3A_32 = arith.constant 0 : i32
      %add3A_33 = arith.addi %mul3A_7, %add3A_32 : i32
      "tpu.region"() ({
        %run_scoped3A = tpu.sem_alloc : memref<!tpu.dma_semaphore, #tpu.memory_space<semaphore_mem>>
        %dma_start3A = arith.constant 0 : i32
        %dma_start3A_40 = arith.constant 0 : i32
        %dma_start3A_41 = tpu.memref_slice %arg11[%dma_start3A, %dma_start3A_40] : memref<200x128xf32, #tpu.memory_space<vmem>> -> memref<200x128xf32, #tpu.memory_space<vmem>>
        %dma_start3A_42 = arith.constant 0 : i32
        %dma_start3A_43 = tpu.memref_slice %arg7[%add3A_33, %dma_start3A_42] : memref<10000x128xf32, #tpu.memory_space<vmem_shared>> -> memref<200x128xf32, #tpu.memory_space<vmem_shared>>
        %dma_start3A_44 = arith.constant 0 : i32
        %dma_start3A_45 = tpu.memref_slice %arg7[%add3A_33, %dma_start3A_44] : memref<10000x128xf32, #tpu.memory_space<vmem_shared>> -> memref<200x128xf32, #tpu.memory_space<vmem_shared>>
        %dma_start3A_46 = arith.constant 0 : i32
        %dma_start3A_47 = arith.constant 0 : i32
        %dma_start3A_48 = tpu.memref_slice %arg11[%dma_start3A_46, %dma_start3A_47] : memref<200x128xf32, #tpu.memory_space<vmem>> -> memref<200x128xf32, #tpu.memory_space<vmem>>
        tpu.enqueue_dma source(%dma_start3A_48 : memref<200x128xf32, #tpu.memory_space<vmem>>) target(%dma_start3A_45 : memref<200x128xf32, #tpu.memory_space<vmem_shared>>) target_semaphore(%run_scoped3A : memref<!tpu.dma_semaphore, #tpu.memory_space<semaphore_mem>>)
        %dma_wait3A = arith.constant 0 : i32
        %dma_wait3A_49 = arith.constant 0 : i32
        %dma_wait3A_50 = tpu.memref_slice %arg11[%dma_wait3A, %dma_wait3A_49] : memref<200x128xf32, #tpu.memory_space<vmem>> -> memref<200x128xf32, #tpu.memory_space<vmem>>
        %dma_wait3A_51 = arith.constant 0 : i32
        %dma_wait3A_52 = tpu.memref_slice %arg7[%add3A_33, %dma_wait3A_51] : memref<10000x128xf32, #tpu.memory_space<vmem_shared>> -> memref<200x128xf32, #tpu.memory_space<vmem_shared>>
        %dma_wait3A_53 = arith.constant 0 : i32
        %dma_wait3A_54 = tpu.memref_slice %arg7[%add3A_33, %dma_wait3A_53] : memref<10000x128xf32, #tpu.memory_space<vmem_shared>> -> memref<200x128xf32, #tpu.memory_space<vmem_shared>>
        %dma_wait3A_55 = arith.constant 0 : i32
        %dma_wait3A_56 = arith.constant 0 : i32
        %dma_wait3A_57 = tpu.memref_slice %arg11[%dma_wait3A_55, %dma_wait3A_56] : memref<200x128xf32, #tpu.memory_space<vmem>> -> memref<200x128xf32, #tpu.memory_space<vmem>>
        tpu.wait_dma2 semaphore(%run_scoped3A : memref<!tpu.dma_semaphore, #tpu.memory_space<semaphore_mem>>) src(%dma_wait3A_57 : memref<200x128xf32, #tpu.memory_space<vmem>>) dst(%dma_wait3A_54 : memref<200x128xf32, #tpu.memory_space<vmem_shared>>)
        tpu.yield
      }) : () -> ()
      %add3A_34 = arith.constant 200 : i32
      %add3A_35 = arith.addi %mul3A_7, %add3A_34 : i32
      "tpu.region"() ({
        %run_scoped3A = tpu.sem_alloc : memref<!tpu.dma_semaphore, #tpu.memory_space<semaphore_mem>>
        %dma_start3A = arith.constant 0 : i32
        %dma_start3A_40 = arith.constant 0 : i32
        %dma_start3A_41 = tpu.memref_slice %arg11[%dma_start3A, %dma_start3A_40] : memref<200x128xf32, #tpu.memory_space<vmem>> -> memref<200x128xf32, #tpu.memory_space<vmem>>
        %dma_start3A_42 = arith.constant 0 : i32
        %dma_start3A_43 = tpu.memref_slice %arg7[%add3A_35, %dma_start3A_42] : memref<10000x128xf32, #tpu.memory_space<vmem_shared>> -> memref<200x128xf32, #tpu.memory_space<vmem_shared>>
        %dma_start3A_44 = arith.constant 0 : i32
        %dma_start3A_45 = tpu.memref_slice %arg7[%add3A_35, %dma_start3A_44] : memref<10000x128xf32, #tpu.memory_space<vmem_shared>> -> memref<200x128xf32, #tpu.memory_space<vmem_shared>>
        %dma_start3A_46 = arith.constant 0 : i32
        %dma_start3A_47 = arith.constant 0 : i32
        %dma_start3A_48 = tpu.memref_slice %arg11[%dma_start3A_46, %dma_start3A_47] : memref<200x128xf32, #tpu.memory_space<vmem>> -> memref<200x128xf32, #tpu.memory_space<vmem>>
        tpu.enqueue_dma source(%dma_start3A_48 : memref<200x128xf32, #tpu.memory_space<vmem>>) target(%dma_start3A_45 : memref<200x128xf32, #tpu.memory_space<vmem_shared>>) target_semaphore(%run_scoped3A : memref<!tpu.dma_semaphore, #tpu.memory_space<semaphore_mem>>)
        %dma_wait3A = arith.constant 0 : i32
        %dma_wait3A_49 = arith.constant 0 : i32
        %dma_wait3A_50 = tpu.memref_slice %arg11[%dma_wait3A, %dma_wait3A_49] : memref<200x128xf32, #tpu.memory_space<vmem>> -> memref<200x128xf32, #tpu.memory_space<vmem>>
        %dma_wait3A_51 = arith.constant 0 : i32
        %dma_wait3A_52 = tpu.memref_slice %arg7[%add3A_35, %dma_wait3A_51] : memref<10000x128xf32, #tpu.memory_space<vmem_shared>> -> memref<200x128xf32, #tpu.memory_space<vmem_shared>>
        %dma_wait3A_53 = arith.constant 0 : i32
        %dma_wait3A_54 = tpu.memref_slice %arg7[%add3A_35, %dma_wait3A_53] : memref<10000x128xf32, #tpu.memory_space<vmem_shared>> -> memref<200x128xf32, #tpu.memory_space<vmem_shared>>
        %dma_wait3A_55 = arith.constant 0 : i32
        %dma_wait3A_56 = arith.constant 0 : i32
        %dma_wait3A_57 = tpu.memref_slice %arg11[%dma_wait3A_55, %dma_wait3A_56] : memref<200x128xf32, #tpu.memory_space<vmem>> -> memref<200x128xf32, #tpu.memory_space<vmem>>
        tpu.wait_dma2 semaphore(%run_scoped3A : memref<!tpu.dma_semaphore, #tpu.memory_space<semaphore_mem>>) src(%dma_wait3A_57 : memref<200x128xf32, #tpu.memory_space<vmem>>) dst(%dma_wait3A_54 : memref<200x128xf32, #tpu.memory_space<vmem_shared>>)
        tpu.yield
      }) : () -> ()
      %add3A_36 = arith.constant 400 : i32
      %add3A_37 = arith.addi %mul3A_7, %add3A_36 : i32
      "tpu.region"() ({
        %run_scoped3A = tpu.sem_alloc : memref<!tpu.dma_semaphore, #tpu.memory_space<semaphore_mem>>
        %dma_start3A = arith.constant 0 : i32
        %dma_start3A_40 = arith.constant 0 : i32
        %dma_start3A_41 = tpu.memref_slice %arg11[%dma_start3A, %dma_start3A_40] : memref<200x128xf32, #tpu.memory_space<vmem>> -> memref<200x128xf32, #tpu.memory_space<vmem>>
        %dma_start3A_42 = arith.constant 0 : i32
        %dma_start3A_43 = tpu.memref_slice %arg7[%add3A_37, %dma_start3A_42] : memref<10000x128xf32, #tpu.memory_space<vmem_shared>> -> memref<200x128xf32, #tpu.memory_space<vmem_shared>>
        %dma_start3A_44 = arith.constant 0 : i32
        %dma_start3A_45 = tpu.memref_slice %arg7[%add3A_37, %dma_start3A_44] : memref<10000x128xf32, #tpu.memory_space<vmem_shared>> -> memref<200x128xf32, #tpu.memory_space<vmem_shared>>
        %dma_start3A_46 = arith.constant 0 : i32
        %dma_start3A_47 = arith.constant 0 : i32
        %dma_start3A_48 = tpu.memref_slice %arg11[%dma_start3A_46, %dma_start3A_47] : memref<200x128xf32, #tpu.memory_space<vmem>> -> memref<200x128xf32, #tpu.memory_space<vmem>>
        tpu.enqueue_dma source(%dma_start3A_48 : memref<200x128xf32, #tpu.memory_space<vmem>>) target(%dma_start3A_45 : memref<200x128xf32, #tpu.memory_space<vmem_shared>>) target_semaphore(%run_scoped3A : memref<!tpu.dma_semaphore, #tpu.memory_space<semaphore_mem>>)
        %dma_wait3A = arith.constant 0 : i32
        %dma_wait3A_49 = arith.constant 0 : i32
        %dma_wait3A_50 = tpu.memref_slice %arg11[%dma_wait3A, %dma_wait3A_49] : memref<200x128xf32, #tpu.memory_space<vmem>> -> memref<200x128xf32, #tpu.memory_space<vmem>>
        %dma_wait3A_51 = arith.constant 0 : i32
        %dma_wait3A_52 = tpu.memref_slice %arg7[%add3A_37, %dma_wait3A_51] : memref<10000x128xf32, #tpu.memory_space<vmem_shared>> -> memref<200x128xf32, #tpu.memory_space<vmem_shared>>
        %dma_wait3A_53 = arith.constant 0 : i32
        %dma_wait3A_54 = tpu.memref_slice %arg7[%add3A_37, %dma_wait3A_53] : memref<10000x128xf32, #tpu.memory_space<vmem_shared>> -> memref<200x128xf32, #tpu.memory_space<vmem_shared>>
        %dma_wait3A_55 = arith.constant 0 : i32
        %dma_wait3A_56 = arith.constant 0 : i32
        %dma_wait3A_57 = tpu.memref_slice %arg11[%dma_wait3A_55, %dma_wait3A_56] : memref<200x128xf32, #tpu.memory_space<vmem>> -> memref<200x128xf32, #tpu.memory_space<vmem>>
        tpu.wait_dma2 semaphore(%run_scoped3A : memref<!tpu.dma_semaphore, #tpu.memory_space<semaphore_mem>>) src(%dma_wait3A_57 : memref<200x128xf32, #tpu.memory_space<vmem>>) dst(%dma_wait3A_54 : memref<200x128xf32, #tpu.memory_space<vmem_shared>>)
        tpu.yield
      }) : () -> ()
      %add3A_38 = arith.constant 600 : i32
      %add3A_39 = arith.addi %mul3A_7, %add3A_38 : i32
      "tpu.region"() ({
        %run_scoped3A = tpu.sem_alloc : memref<!tpu.dma_semaphore, #tpu.memory_space<semaphore_mem>>
        %dma_start3A = arith.constant 0 : i32
        %dma_start3A_40 = arith.constant 0 : i32
        %dma_start3A_41 = tpu.memref_slice %arg11[%dma_start3A, %dma_start3A_40] : memref<200x128xf32, #tpu.memory_space<vmem>> -> memref<32x128xf32, #tpu.memory_space<vmem>>
        %dma_start3A_42 = arith.constant 0 : i32
        %dma_start3A_43 = tpu.memref_slice %arg7[%add3A_39, %dma_start3A_42] : memref<10000x128xf32, #tpu.memory_space<vmem_shared>> -> memref<32x128xf32, #tpu.memory_space<vmem_shared>>
        %dma_start3A_44 = arith.constant 0 : i32
        %dma_start3A_45 = tpu.memref_slice %arg7[%add3A_39, %dma_start3A_44] : memref<10000x128xf32, #tpu.memory_space<vmem_shared>> -> memref<32x128xf32, #tpu.memory_space<vmem_shared>>
        %dma_start3A_46 = arith.constant 0 : i32
        %dma_start3A_47 = arith.constant 0 : i32
        %dma_start3A_48 = tpu.memref_slice %arg11[%dma_start3A_46, %dma_start3A_47] : memref<200x128xf32, #tpu.memory_space<vmem>> -> memref<32x128xf32, #tpu.memory_space<vmem>>
        tpu.enqueue_dma source(%dma_start3A_48 : memref<32x128xf32, #tpu.memory_space<vmem>>) target(%dma_start3A_45 : memref<32x128xf32, #tpu.memory_space<vmem_shared>>) target_semaphore(%run_scoped3A : memref<!tpu.dma_semaphore, #tpu.memory_space<semaphore_mem>>)
        %dma_wait3A = arith.constant 0 : i32
        %dma_wait3A_49 = arith.constant 0 : i32
        %dma_wait3A_50 = tpu.memref_slice %arg11[%dma_wait3A, %dma_wait3A_49] : memref<200x128xf32, #tpu.memory_space<vmem>> -> memref<32x128xf32, #tpu.memory_space<vmem>>
        %dma_wait3A_51 = arith.constant 0 : i32
        %dma_wait3A_52 = tpu.memref_slice %arg7[%add3A_39, %dma_wait3A_51] : memref<10000x128xf32, #tpu.memory_space<vmem_shared>> -> memref<32x128xf32, #tpu.memory_space<vmem_shared>>
        %dma_wait3A_53 = arith.constant 0 : i32
        %dma_wait3A_54 = tpu.memref_slice %arg7[%add3A_39, %dma_wait3A_53] : memref<10000x128xf32, #tpu.memory_space<vmem_shared>> -> memref<32x128xf32, #tpu.memory_space<vmem_shared>>
        %dma_wait3A_55 = arith.constant 0 : i32
        %dma_wait3A_56 = arith.constant 0 : i32
        %dma_wait3A_57 = tpu.memref_slice %arg11[%dma_wait3A_55, %dma_wait3A_56] : memref<200x128xf32, #tpu.memory_space<vmem>> -> memref<32x128xf32, #tpu.memory_space<vmem>>
        tpu.wait_dma2 semaphore(%run_scoped3A : memref<!tpu.dma_semaphore, #tpu.memory_space<semaphore_mem>>) src(%dma_wait3A_57 : memref<32x128xf32, #tpu.memory_space<vmem>>) dst(%dma_wait3A_54 : memref<32x128xf32, #tpu.memory_space<vmem_shared>>)
        tpu.yield
      }) : () -> ()
    } else {
    }
    %eq3A = arith.constant 15 : i32
    %eq3A_10 = arith.cmpi eq, %arg1, %eq3A : i32
    %convert_element_type3A_11 = arith.extui %eq3A_10 : i1 to i32
    %cond3A_12 = arith.constant 0 : i32
    %cond3A_13 = arith.cmpi ne, %convert_element_type3A_11, %cond3A_12 : i32
    scf.if %cond3A_13 {
      %add3A_32 = arith.constant 0 : i32
      %add3A_33 = arith.addi %mul3A_7, %add3A_32 : i32
      "tpu.region"() ({
        %run_scoped3A = tpu.sem_alloc : memref<!tpu.dma_semaphore, #tpu.memory_space<semaphore_mem>>
        %dma_start3A = arith.constant 0 : i32
        %dma_start3A_38 = arith.constant 0 : i32
        %dma_start3A_39 = tpu.memref_slice %arg11[%dma_start3A, %dma_start3A_38] : memref<200x128xf32, #tpu.memory_space<vmem>> -> memref<200x128xf32, #tpu.memory_space<vmem>>
        %dma_start3A_40 = arith.constant 0 : i32
        %dma_start3A_41 = tpu.memref_slice %arg7[%add3A_33, %dma_start3A_40] : memref<10000x128xf32, #tpu.memory_space<vmem_shared>> -> memref<200x128xf32, #tpu.memory_space<vmem_shared>>
        %dma_start3A_42 = arith.constant 0 : i32
        %dma_start3A_43 = tpu.memref_slice %arg7[%add3A_33, %dma_start3A_42] : memref<10000x128xf32, #tpu.memory_space<vmem_shared>> -> memref<200x128xf32, #tpu.memory_space<vmem_shared>>
        %dma_start3A_44 = arith.constant 0 : i32
        %dma_start3A_45 = arith.constant 0 : i32
        %dma_start3A_46 = tpu.memref_slice %arg11[%dma_start3A_44, %dma_start3A_45] : memref<200x128xf32, #tpu.memory_space<vmem>> -> memref<200x128xf32, #tpu.memory_space<vmem>>
        tpu.enqueue_dma source(%dma_start3A_46 : memref<200x128xf32, #tpu.memory_space<vmem>>) target(%dma_start3A_43 : memref<200x128xf32, #tpu.memory_space<vmem_shared>>) target_semaphore(%run_scoped3A : memref<!tpu.dma_semaphore, #tpu.memory_space<semaphore_mem>>)
        %dma_wait3A = arith.constant 0 : i32
        %dma_wait3A_47 = arith.constant 0 : i32
        %dma_wait3A_48 = tpu.memref_slice %arg11[%dma_wait3A, %dma_wait3A_47] : memref<200x128xf32, #tpu.memory_space<vmem>> -> memref<200x128xf32, #tpu.memory_space<vmem>>
        %dma_wait3A_49 = arith.constant 0 : i32
        %dma_wait3A_50 = tpu.memref_slice %arg7[%add3A_33, %dma_wait3A_49] : memref<10000x128xf32, #tpu.memory_space<vmem_shared>> -> memref<200x128xf32, #tpu.memory_space<vmem_shared>>
        %dma_wait3A_51 = arith.constant 0 : i32
        %dma_wait3A_52 = tpu.memref_slice %arg7[%add3A_33, %dma_wait3A_51] : memref<10000x128xf32, #tpu.memory_space<vmem_shared>> -> memref<200x128xf32, #tpu.memory_space<vmem_shared>>
        %dma_wait3A_53 = arith.constant 0 : i32
        %dma_wait3A_54 = arith.constant 0 : i32
        %dma_wait3A_55 = tpu.memref_slice %arg11[%dma_wait3A_53, %dma_wait3A_54] : memref<200x128xf32, #tpu.memory_space<vmem>> -> memref<200x128xf32, #tpu.memory_space<vmem>>
        tpu.wait_dma2 semaphore(%run_scoped3A : memref<!tpu.dma_semaphore, #tpu.memory_space<semaphore_mem>>) src(%dma_wait3A_55 : memref<200x128xf32, #tpu.memory_space<vmem>>) dst(%dma_wait3A_52 : memref<200x128xf32, #tpu.memory_space<vmem_shared>>)
        tpu.yield
      }) : () -> ()
      %add3A_34 = arith.constant 200 : i32
      %add3A_35 = arith.addi %mul3A_7, %add3A_34 : i32
      "tpu.region"() ({
        %run_scoped3A = tpu.sem_alloc : memref<!tpu.dma_semaphore, #tpu.memory_space<semaphore_mem>>
        %dma_start3A = arith.constant 0 : i32
        %dma_start3A_38 = arith.constant 0 : i32
        %dma_start3A_39 = tpu.memref_slice %arg11[%dma_start3A, %dma_start3A_38] : memref<200x128xf32, #tpu.memory_space<vmem>> -> memref<200x128xf32, #tpu.memory_space<vmem>>
        %dma_start3A_40 = arith.constant 0 : i32
        %dma_start3A_41 = tpu.memref_slice %arg7[%add3A_35, %dma_start3A_40] : memref<10000x128xf32, #tpu.memory_space<vmem_shared>> -> memref<200x128xf32, #tpu.memory_space<vmem_shared>>
        %dma_start3A_42 = arith.constant 0 : i32
        %dma_start3A_43 = tpu.memref_slice %arg7[%add3A_35, %dma_start3A_42] : memref<10000x128xf32, #tpu.memory_space<vmem_shared>> -> memref<200x128xf32, #tpu.memory_space<vmem_shared>>
        %dma_start3A_44 = arith.constant 0 : i32
        %dma_start3A_45 = arith.constant 0 : i32
        %dma_start3A_46 = tpu.memref_slice %arg11[%dma_start3A_44, %dma_start3A_45] : memref<200x128xf32, #tpu.memory_space<vmem>> -> memref<200x128xf32, #tpu.memory_space<vmem>>
        tpu.enqueue_dma source(%dma_start3A_46 : memref<200x128xf32, #tpu.memory_space<vmem>>) target(%dma_start3A_43 : memref<200x128xf32, #tpu.memory_space<vmem_shared>>) target_semaphore(%run_scoped3A : memref<!tpu.dma_semaphore, #tpu.memory_space<semaphore_mem>>)
        %dma_wait3A = arith.constant 0 : i32
        %dma_wait3A_47 = arith.constant 0 : i32
        %dma_wait3A_48 = tpu.memref_slice %arg11[%dma_wait3A, %dma_wait3A_47] : memref<200x128xf32, #tpu.memory_space<vmem>> -> memref<200x128xf32, #tpu.memory_space<vmem>>
        %dma_wait3A_49 = arith.constant 0 : i32
        %dma_wait3A_50 = tpu.memref_slice %arg7[%add3A_35, %dma_wait3A_49] : memref<10000x128xf32, #tpu.memory_space<vmem_shared>> -> memref<200x128xf32, #tpu.memory_space<vmem_shared>>
        %dma_wait3A_51 = arith.constant 0 : i32
        %dma_wait3A_52 = tpu.memref_slice %arg7[%add3A_35, %dma_wait3A_51] : memref<10000x128xf32, #tpu.memory_space<vmem_shared>> -> memref<200x128xf32, #tpu.memory_space<vmem_shared>>
        %dma_wait3A_53 = arith.constant 0 : i32
        %dma_wait3A_54 = arith.constant 0 : i32
        %dma_wait3A_55 = tpu.memref_slice %arg11[%dma_wait3A_53, %dma_wait3A_54] : memref<200x128xf32, #tpu.memory_space<vmem>> -> memref<200x128xf32, #tpu.memory_space<vmem>>
        tpu.wait_dma2 semaphore(%run_scoped3A : memref<!tpu.dma_semaphore, #tpu.memory_space<semaphore_mem>>) src(%dma_wait3A_55 : memref<200x128xf32, #tpu.memory_space<vmem>>) dst(%dma_wait3A_52 : memref<200x128xf32, #tpu.memory_space<vmem_shared>>)
        tpu.yield
      }) : () -> ()
      %add3A_36 = arith.constant 400 : i32
      %add3A_37 = arith.addi %mul3A_7, %add3A_36 : i32
      "tpu.region"() ({
        %run_scoped3A = tpu.sem_alloc : memref<!tpu.dma_semaphore, #tpu.memory_space<semaphore_mem>>
        %dma_start3A = arith.constant 0 : i32
        %dma_start3A_38 = arith.constant 0 : i32
        %dma_start3A_39 = tpu.memref_slice %arg11[%dma_start3A, %dma_start3A_38] : memref<200x128xf32, #tpu.memory_space<vmem>> -> memref<120x128xf32, #tpu.memory_space<vmem>>
        %dma_start3A_40 = arith.constant 0 : i32
        %dma_start3A_41 = tpu.memref_slice %arg7[%add3A_37, %dma_start3A_40] : memref<10000x128xf32, #tpu.memory_space<vmem_shared>> -> memref<120x128xf32, #tpu.memory_space<vmem_shared>>
        %dma_start3A_42 = arith.constant 0 : i32
        %dma_start3A_43 = tpu.memref_slice %arg7[%add3A_37, %dma_start3A_42] : memref<10000x128xf32, #tpu.memory_space<vmem_shared>> -> memref<120x128xf32, #tpu.memory_space<vmem_shared>>
        %dma_start3A_44 = arith.constant 0 : i32
        %dma_start3A_45 = arith.constant 0 : i32
        %dma_start3A_46 = tpu.memref_slice %arg11[%dma_start3A_44, %dma_start3A_45] : memref<200x128xf32, #tpu.memory_space<vmem>> -> memref<120x128xf32, #tpu.memory_space<vmem>>
        tpu.enqueue_dma source(%dma_start3A_46 : memref<120x128xf32, #tpu.memory_space<vmem>>) target(%dma_start3A_43 : memref<120x128xf32, #tpu.memory_space<vmem_shared>>) target_semaphore(%run_scoped3A : memref<!tpu.dma_semaphore, #tpu.memory_space<semaphore_mem>>)
        %dma_wait3A = arith.constant 0 : i32
        %dma_wait3A_47 = arith.constant 0 : i32
        %dma_wait3A_48 = tpu.memref_slice %arg11[%dma_wait3A, %dma_wait3A_47] : memref<200x128xf32, #tpu.memory_space<vmem>> -> memref<120x128xf32, #tpu.memory_space<vmem>>
        %dma_wait3A_49 = arith.constant 0 : i32
        %dma_wait3A_50 = tpu.memref_slice %arg7[%add3A_37, %dma_wait3A_49] : memref<10000x128xf32, #tpu.memory_space<vmem_shared>> -> memref<120x128xf32, #tpu.memory_space<vmem_shared>>
        %dma_wait3A_51 = arith.constant 0 : i32
        %dma_wait3A_52 = tpu.memref_slice %arg7[%add3A_37, %dma_wait3A_51] : memref<10000x128xf32, #tpu.memory_space<vmem_shared>> -> memref<120x128xf32, #tpu.memory_space<vmem_shared>>
        %dma_wait3A_53 = arith.constant 0 : i32
        %dma_wait3A_54 = arith.constant 0 : i32
        %dma_wait3A_55 = tpu.memref_slice %arg11[%dma_wait3A_53, %dma_wait3A_54] : memref<200x128xf32, #tpu.memory_space<vmem>> -> memref<120x128xf32, #tpu.memory_space<vmem>>
        tpu.wait_dma2 semaphore(%run_scoped3A : memref<!tpu.dma_semaphore, #tpu.memory_space<semaphore_mem>>) src(%dma_wait3A_55 : memref<120x128xf32, #tpu.memory_space<vmem>>) dst(%dma_wait3A_52 : memref<120x128xf32, #tpu.memory_space<vmem_shared>>)
        tpu.yield
      }) : () -> ()
    } else {
    }
    %barrier3A = arith.constant 0 : index
    tpu.barrier barrier_id(%barrier3A)
    %scan3A_14 = arith.constant 0 : i32
    %scan3A_15 = arith.constant 50 : i32
    %scan3A_16 = arith.addi %scan3A_14, %scan3A_15 : i32
    %scan3A_17 = arith.constant 1 : i32
    scf.for %scan3A_32 = %scan3A_14 to %scan3A_16 step %scan3A_17  : i32 {
      %mul3A_33 = arith.constant 200 : i32
      %mul3A_34 = arith.muli %scan3A_32, %mul3A_33 : i32
      %add3A_35 = arith.constant 0 : i32
      %add3A_36 = arith.addi %add3A_35, %mul3A_34 : i32
      %mul3A_37 = arith.constant 10000 : i32
      %mul3A_38 = arith.muli %add3A, %mul3A_37 : i32
      %add3A_39 = arith.addi %mul3A_38, %add3A_36 : i32
      "tpu.region"() ({
        %run_scoped3A = tpu.sem_alloc : memref<!tpu.dma_semaphore, #tpu.memory_space<semaphore_mem>>
        %dma_start3A = tpu.memref_slice %arg3[%add3A_39] : memref<320000xi32, #tpu.memory_space<hbm>> -> memref<200xi32, #tpu.memory_space<hbm>>
        %dma_start3A_45 = tpu.memref_slice %arg3[%add3A_39] : memref<320000xi32, #tpu.memory_space<hbm>> -> memref<200xi32, #tpu.memory_space<hbm>>
        tpu.enqueue_dma source(%dma_start3A_45 : memref<200xi32, #tpu.memory_space<hbm>>) target(%arg8 : memref<200xi32, #tpu.memory_space<vmem>>) target_semaphore(%run_scoped3A : memref<!tpu.dma_semaphore, #tpu.memory_space<semaphore_mem>>)
        %dma_wait3A = tpu.memref_slice %arg3[%add3A_39] : memref<320000xi32, #tpu.memory_space<hbm>> -> memref<200xi32, #tpu.memory_space<hbm>>
        %dma_wait3A_46 = tpu.memref_slice %arg3[%add3A_39] : memref<320000xi32, #tpu.memory_space<hbm>> -> memref<200xi32, #tpu.memory_space<hbm>>
        tpu.wait_dma2 semaphore(%run_scoped3A : memref<!tpu.dma_semaphore, #tpu.memory_space<semaphore_mem>>) src(%dma_wait3A_46 : memref<200xi32, #tpu.memory_space<hbm>>) dst(%arg8 : memref<200xi32, #tpu.memory_space<vmem>>)
        tpu.yield
      }) : () -> ()
      "tpu.region"() ({
        %run_scoped3A = tpu.sem_alloc : memref<!tpu.dma_semaphore, #tpu.memory_space<semaphore_mem>>
        %dma_start3A = tpu.memref_slice %arg4[%add3A_39] : memref<320000xi32, #tpu.memory_space<hbm>> -> memref<200xi32, #tpu.memory_space<hbm>>
        %dma_start3A_45 = tpu.memref_slice %arg4[%add3A_39] : memref<320000xi32, #tpu.memory_space<hbm>> -> memref<200xi32, #tpu.memory_space<hbm>>
        tpu.enqueue_dma source(%dma_start3A_45 : memref<200xi32, #tpu.memory_space<hbm>>) target(%arg9 : memref<200xi32, #tpu.memory_space<vmem>>) target_semaphore(%run_scoped3A : memref<!tpu.dma_semaphore, #tpu.memory_space<semaphore_mem>>)
        %dma_wait3A = tpu.memref_slice %arg4[%add3A_39] : memref<320000xi32, #tpu.memory_space<hbm>> -> memref<200xi32, #tpu.memory_space<hbm>>
        %dma_wait3A_46 = tpu.memref_slice %arg4[%add3A_39] : memref<320000xi32, #tpu.memory_space<hbm>> -> memref<200xi32, #tpu.memory_space<hbm>>
        tpu.wait_dma2 semaphore(%run_scoped3A : memref<!tpu.dma_semaphore, #tpu.memory_space<semaphore_mem>>) src(%dma_wait3A_46 : memref<200xi32, #tpu.memory_space<hbm>>) dst(%arg9 : memref<200xi32, #tpu.memory_space<vmem>>)
        tpu.yield
      }) : () -> ()
      "tpu.region"() ({
        %run_scoped3A = tpu.sem_alloc : memref<!tpu.dma_semaphore, #tpu.memory_space<semaphore_mem>>
        %dma_start3A = tpu.memref_slice %arg5[%add3A_39] : memref<320000xf32, #tpu.memory_space<hbm>> -> memref<200xf32, #tpu.memory_space<hbm>>
        %dma_start3A_45 = tpu.memref_slice %arg5[%add3A_39] : memref<320000xf32, #tpu.memory_space<hbm>> -> memref<200xf32, #tpu.memory_space<hbm>>
        tpu.enqueue_dma source(%dma_start3A_45 : memref<200xf32, #tpu.memory_space<hbm>>) target(%arg10 : memref<200xf32, #tpu.memory_space<vmem>>) target_semaphore(%run_scoped3A : memref<!tpu.dma_semaphore, #tpu.memory_space<semaphore_mem>>)
        %dma_wait3A = tpu.memref_slice %arg5[%add3A_39] : memref<320000xf32, #tpu.memory_space<hbm>> -> memref<200xf32, #tpu.memory_space<hbm>>
        %dma_wait3A_46 = tpu.memref_slice %arg5[%add3A_39] : memref<320000xf32, #tpu.memory_space<hbm>> -> memref<200xf32, #tpu.memory_space<hbm>>
        tpu.wait_dma2 semaphore(%run_scoped3A : memref<!tpu.dma_semaphore, #tpu.memory_space<semaphore_mem>>) src(%dma_wait3A_46 : memref<200xf32, #tpu.memory_space<hbm>>) dst(%arg10 : memref<200xf32, #tpu.memory_space<vmem>>)
        tpu.yield
      }) : () -> ()
      "tpu.region"() ({
        %run_scoped3A = tpu.sem_alloc : memref<!tpu.dma_semaphore, #tpu.memory_space<semaphore_mem>>
        %dma_start3A = arith.constant 0 : i32
        %dma_start3A_45 = arith.constant 0 : i32
        %dma_start3A_46 = tpu.memref_slice %arg2[%dma_start3A, %dma_start3A_45] : memref<10000x128xf32, #tpu.memory_space<hbm>> -> memref<10000x128xf32, #tpu.memory_space<hbm>>
        tpu.enqueue_indirect_dma source(%dma_start3A_46 : memref<10000x128xf32, #tpu.memory_space<hbm>>) target(%arg11 : memref<200x128xf32, #tpu.memory_space<vmem>>) offsets(%arg8 : memref<200xi32, #tpu.memory_space<vmem>>) semaphore(%run_scoped3A : memref<!tpu.dma_semaphore, #tpu.memory_space<semaphore_mem>>)
        %dma_wait3A = arith.constant 0 : i32
        %dma_wait3A_47 = arith.constant 0 : i32
        %dma_wait3A_48 = tpu.memref_slice %arg2[%dma_wait3A, %dma_wait3A_47] : memref<10000x128xf32, #tpu.memory_space<hbm>> -> memref<10000x128xf32, #tpu.memory_space<hbm>>
        tpu.wait_indirect_dma semaphore(%run_scoped3A : memref<!tpu.dma_semaphore, #tpu.memory_space<semaphore_mem>>) src(%dma_wait3A_48 : memref<10000x128xf32, #tpu.memory_space<hbm>>) dst(%arg11 : memref<200x128xf32, #tpu.memory_space<vmem>>)
        tpu.yield
      }) : () -> ()
      %scan3A_40 = arith.constant 0 : i32
      %scan3A_41 = arith.constant 200 : i32
      %scan3A_42 = arith.addi %scan3A_40, %scan3A_41 : i32
      %scan3A_43 = arith.constant 1 : i32
      scf.for %scan3A_45 = %scan3A_40 to %scan3A_42 step %scan3A_43  : i32 {
        %mul3A_46 = arith.constant 1 : i32
        %mul3A_47 = arith.muli %scan3A_45, %mul3A_46 : i32
        %add3A_48 = arith.constant 0 : i32
        %add3A_49 = arith.addi %add3A_48, %mul3A_47 : i32
        %broadcast_in_dim3A_50 = vector.broadcast %add3A_49 : i32 to vector<16xi32>
        %gather3A = tpu.vector_load_idx %arg10[%broadcast_in_dim3A_50] : memref<200xf32, #tpu.memory_space<vmem>>[vector<16xi32>], vector<16xf32>,
        %get3A = arith.index_cast %add3A_49 : i32 to index
        %get3A_51 = arith.constant 0 : index
        %get3A_52 = tpu.vector_load %arg11[%get3A, %get3A_51] {strides = array<i32>} : memref<200x128xf32, #tpu.memory_space<vmem>>, vector<16xf32>,
        %mul3A_53 = arith.mulf %get3A_52, %gather3A : vector<16xf32>
        %swap3A = arith.index_cast %add3A_49 : i32 to index
        %swap3A_54 = arith.constant 0 : index
        %swap3A_55 = tpu.vector_load %arg11[%swap3A, %swap3A_54] {strides = array<i32>} : memref<200x128xf32, #tpu.memory_space<vmem>>, vector<16xf32>,
        tpu.vector_store %arg11[%swap3A, %swap3A_54], %mul3A_53 {strides = array<i32>} : memref<200x128xf32, #tpu.memory_space<vmem>>, vector<16xf32>,
        %get3A_56 = arith.index_cast %add3A_49 : i32 to index
        %get3A_57 = arith.constant 16 : index
        %get3A_58 = tpu.vector_load %arg11[%get3A_56, %get3A_57] {strides = array<i32>} : memref<200x128xf32, #tpu.memory_space<vmem>>, vector<16xf32>,
        %mul3A_59 = arith.mulf %get3A_58, %gather3A : vector<16xf32>
        %swap3A_60 = arith.index_cast %add3A_49 : i32 to index
        %swap3A_61 = arith.constant 16 : index
        %swap3A_62 = tpu.vector_load %arg11[%swap3A_60, %swap3A_61] {strides = array<i32>} : memref<200x128xf32, #tpu.memory_space<vmem>>, vector<16xf32>,
        tpu.vector_store %arg11[%swap3A_60, %swap3A_61], %mul3A_59 {strides = array<i32>} : memref<200x128xf32, #tpu.memory_space<vmem>>, vector<16xf32>,
        %get3A_63 = arith.index_cast %add3A_49 : i32 to index
        %get3A_64 = arith.constant 32 : index
        %get3A_65 = tpu.vector_load %arg11[%get3A_63, %get3A_64] {strides = array<i32>} : memref<200x128xf32, #tpu.memory_space<vmem>>, vector<16xf32>,
        %mul3A_66 = arith.mulf %get3A_65, %gather3A : vector<16xf32>
        %swap3A_67 = arith.index_cast %add3A_49 : i32 to index
        %swap3A_68 = arith.constant 32 : index
        %swap3A_69 = tpu.vector_load %arg11[%swap3A_67, %swap3A_68] {strides = array<i32>} : memref<200x128xf32, #tpu.memory_space<vmem>>, vector<16xf32>,
        tpu.vector_store %arg11[%swap3A_67, %swap3A_68], %mul3A_66 {strides = array<i32>} : memref<200x128xf32, #tpu.memory_space<vmem>>, vector<16xf32>,
        %get3A_70 = arith.index_cast %add3A_49 : i32 to index
        %get3A_71 = arith.constant 48 : index
        %get3A_72 = tpu.vector_load %arg11[%get3A_70, %get3A_71] {strides = array<i32>} : memref<200x128xf32, #tpu.memory_space<vmem>>, vector<16xf32>,
        %mul3A_73 = arith.mulf %get3A_72, %gather3A : vector<16xf32>
        %swap3A_74 = arith.index_cast %add3A_49 : i32 to index
        %swap3A_75 = arith.constant 48 : index
        %swap3A_76 = tpu.vector_load %arg11[%swap3A_74, %swap3A_75] {strides = array<i32>} : memref<200x128xf32, #tpu.memory_space<vmem>>, vector<16xf32>,
        tpu.vector_store %arg11[%swap3A_74, %swap3A_75], %mul3A_73 {strides = array<i32>} : memref<200x128xf32, #tpu.memory_space<vmem>>, vector<16xf32>,
        %get3A_77 = arith.index_cast %add3A_49 : i32 to index
        %get3A_78 = arith.constant 64 : index
        %get3A_79 = tpu.vector_load %arg11[%get3A_77, %get3A_78] {strides = array<i32>} : memref<200x128xf32, #tpu.memory_space<vmem>>, vector<16xf32>,
        %mul3A_80 = arith.mulf %get3A_79, %gather3A : vector<16xf32>
        %swap3A_81 = arith.index_cast %add3A_49 : i32 to index
        %swap3A_82 = arith.constant 64 : index
        %swap3A_83 = tpu.vector_load %arg11[%swap3A_81, %swap3A_82] {strides = array<i32>} : memref<200x128xf32, #tpu.memory_space<vmem>>, vector<16xf32>,
        tpu.vector_store %arg11[%swap3A_81, %swap3A_82], %mul3A_80 {strides = array<i32>} : memref<200x128xf32, #tpu.memory_space<vmem>>, vector<16xf32>,
        %get3A_84 = arith.index_cast %add3A_49 : i32 to index
        %get3A_85 = arith.constant 80 : index
        %get3A_86 = tpu.vector_load %arg11[%get3A_84, %get3A_85] {strides = array<i32>} : memref<200x128xf32, #tpu.memory_space<vmem>>, vector<16xf32>,
        %mul3A_87 = arith.mulf %get3A_86, %gather3A : vector<16xf32>
        %swap3A_88 = arith.index_cast %add3A_49 : i32 to index
        %swap3A_89 = arith.constant 80 : index
        %swap3A_90 = tpu.vector_load %arg11[%swap3A_88, %swap3A_89] {strides = array<i32>} : memref<200x128xf32, #tpu.memory_space<vmem>>, vector<16xf32>,
        tpu.vector_store %arg11[%swap3A_88, %swap3A_89], %mul3A_87 {strides = array<i32>} : memref<200x128xf32, #tpu.memory_space<vmem>>, vector<16xf32>,
        %get3A_91 = arith.index_cast %add3A_49 : i32 to index
        %get3A_92 = arith.constant 96 : index
        %get3A_93 = tpu.vector_load %arg11[%get3A_91, %get3A_92] {strides = array<i32>} : memref<200x128xf32, #tpu.memory_space<vmem>>, vector<16xf32>,
        %mul3A_94 = arith.mulf %get3A_93, %gather3A : vector<16xf32>
        %swap3A_95 = arith.index_cast %add3A_49 : i32 to index
        %swap3A_96 = arith.constant 96 : index
        %swap3A_97 = tpu.vector_load %arg11[%swap3A_95, %swap3A_96] {strides = array<i32>} : memref<200x128xf32, #tpu.memory_space<vmem>>, vector<16xf32>,
        tpu.vector_store %arg11[%swap3A_95, %swap3A_96], %mul3A_94 {strides = array<i32>} : memref<200x128xf32, #tpu.memory_space<vmem>>, vector<16xf32>,
        %get3A_98 = arith.index_cast %add3A_49 : i32 to index
        %get3A_99 = arith.constant 112 : index
        %get3A_100 = tpu.vector_load %arg11[%get3A_98, %get3A_99] {strides = array<i32>} : memref<200x128xf32, #tpu.memory_space<vmem>>, vector<16xf32>,
        %mul3A_101 = arith.mulf %get3A_100, %gather3A : vector<16xf32>
        %swap3A_102 = arith.index_cast %add3A_49 : i32 to index
        %swap3A_103 = arith.constant 112 : index
        %swap3A_104 = tpu.vector_load %arg11[%swap3A_102, %swap3A_103] {strides = array<i32>} : memref<200x128xf32, #tpu.memory_space<vmem>>, vector<16xf32>,
        tpu.vector_store %arg11[%swap3A_102, %swap3A_103], %mul3A_101 {strides = array<i32>} : memref<200x128xf32, #tpu.memory_space<vmem>>, vector<16xf32>,
      }
      %scan3A_44 = arith.constant 200 : i32
      "tpu.region"() ({
        %run_scoped3A = tpu.sem_alloc : memref<!tpu.dma_semaphore, #tpu.memory_space<semaphore_mem>>
        %dma_start3A = arith.constant 0 : i32
        %dma_start3A_45 = arith.constant 0 : i32
        %dma_start3A_46 = tpu.memref_slice %arg7[%dma_start3A, %dma_start3A_45] : memref<10000x128xf32, #tpu.memory_space<vmem_shared>> -> memref<10000x128xf32, #tpu.memory_space<vmem_shared>>
        tpu.enqueue_indirect_dma source(%arg11 : memref<200x128xf32, #tpu.memory_space<vmem>>) target(%dma_start3A_46 : memref<10000x128xf32, #tpu.memory_space<vmem_shared>>) offsets(%arg9 : memref<200xi32, #tpu.memory_space<vmem>>) semaphore(%run_scoped3A : memref<!tpu.dma_semaphore, #tpu.memory_space<semaphore_mem>>) {add = true}
        %dma_wait3A = arith.constant 0 : i32
        %dma_wait3A_47 = arith.constant 0 : i32
        %dma_wait3A_48 = tpu.memref_slice %arg7[%dma_wait3A, %dma_wait3A_47] : memref<10000x128xf32, #tpu.memory_space<vmem_shared>> -> memref<10000x128xf32, #tpu.memory_space<vmem_shared>>
        tpu.wait_indirect_dma semaphore(%run_scoped3A : memref<!tpu.dma_semaphore, #tpu.memory_space<semaphore_mem>>) src(%arg11 : memref<200x128xf32, #tpu.memory_space<vmem>>) dst(%dma_wait3A_48 : memref<10000x128xf32, #tpu.memory_space<vmem_shared>>)
        tpu.yield
      }) : () -> ()
    }
    %scan3A_18 = arith.constant 50 : i32
    %barrier3A_19 = arith.constant 0 : index
    tpu.barrier barrier_id(%barrier3A_19)
    %mul3A_20 = arith.constant 632 : i32
    %mul3A_21 = arith.muli %arg1, %mul3A_20 : i32
    %lt3A_22 = arith.constant 15 : i32
    %lt3A_23 = arith.cmpi slt, %arg1, %lt3A_22 : i32
    %convert_element_type3A_24 = arith.extui %lt3A_23 : i1 to i32
    %cond3A_25 = arith.constant 0 : i32
    %cond3A_26 = arith.cmpi ne, %convert_element_type3A_24, %cond3A_25 : i32
    scf.if %cond3A_26 {
      %add3A_32 = arith.constant 0 : i32
      %add3A_33 = arith.addi %mul3A_21, %add3A_32 : i32
      %add3A_34 = arith.constant 0 : i32
      %add3A_35 = arith.addi %mul3A_21, %add3A_34 : i32
      "tpu.region"() ({
        %run_scoped3A = tpu.sem_alloc : memref<!tpu.dma_semaphore, #tpu.memory_space<semaphore_mem>>
        %dma_start3A = arith.constant 0 : i32
        %dma_start3A_48 = tpu.memref_slice %arg6[%arg0, %add3A_35, %dma_start3A] : memref<2x10000x128xf32, #tpu.memory_space<hbm>> -> memref<1x200x128xf32, #tpu.memory_space<hbm>>
        %dma_start3A_49 = tpu.memref_squeeze %dma_start3A_48 : memref<1x200x128xf32, #tpu.memory_space<hbm>> -> memref<200x128xf32, #tpu.memory_space<hbm>>
        %dma_start3A_50 = arith.constant 0 : i32
        %dma_start3A_51 = tpu.memref_slice %arg7[%add3A_33, %dma_start3A_50] : memref<10000x128xf32, #tpu.memory_space<vmem_shared>> -> memref<200x128xf32, #tpu.memory_space<vmem_shared>>
        tpu.enqueue_dma source(%dma_start3A_51 : memref<200x128xf32, #tpu.memory_space<vmem_shared>>) target(%dma_start3A_49 : memref<200x128xf32, #tpu.memory_space<hbm>>) target_semaphore(%run_scoped3A : memref<!tpu.dma_semaphore, #tpu.memory_space<semaphore_mem>>)
        %dma_wait3A = arith.constant 0 : i32
        %dma_wait3A_52 = tpu.memref_slice %arg6[%arg0, %add3A_35, %dma_wait3A] : memref<2x10000x128xf32, #tpu.memory_space<hbm>> -> memref<1x200x128xf32, #tpu.memory_space<hbm>>
        %dma_wait3A_53 = tpu.memref_squeeze %dma_wait3A_52 : memref<1x200x128xf32, #tpu.memory_space<hbm>> -> memref<200x128xf32, #tpu.memory_space<hbm>>
        %dma_wait3A_54 = arith.constant 0 : i32
        %dma_wait3A_55 = tpu.memref_slice %arg7[%add3A_33, %dma_wait3A_54] : memref<10000x128xf32, #tpu.memory_space<vmem_shared>> -> memref<200x128xf32, #tpu.memory_space<vmem_shared>>
        tpu.wait_dma2 semaphore(%run_scoped3A : memref<!tpu.dma_semaphore, #tpu.memory_space<semaphore_mem>>) src(%dma_wait3A_55 : memref<200x128xf32, #tpu.memory_space<vmem_shared>>) dst(%dma_wait3A_53 : memref<200x128xf32, #tpu.memory_space<hbm>>)
        tpu.yield
      }) : () -> ()
      %add3A_36 = arith.constant 200 : i32
      %add3A_37 = arith.addi %mul3A_21, %add3A_36 : i32
      %add3A_38 = arith.constant 200 : i32
      %add3A_39 = arith.addi %mul3A_21, %add3A_38 : i32
      "tpu.region"() ({
        %run_scoped3A = tpu.sem_alloc : memref<!tpu.dma_semaphore, #tpu.memory_space<semaphore_mem>>
        %dma_start3A = arith.constant 0 : i32
        %dma_start3A_48 = tpu.memref_slice %arg6[%arg0, %add3A_39, %dma_start3A] : memref<2x10000x128xf32, #tpu.memory_space<hbm>> -> memref<1x200x128xf32, #tpu.memory_space<hbm>>
        %dma_start3A_49 = tpu.memref_squeeze %dma_start3A_48 : memref<1x200x128xf32, #tpu.memory_space<hbm>> -> memref<200x128xf32, #tpu.memory_space<hbm>>
        %dma_start3A_50 = arith.constant 0 : i32
        %dma_start3A_51 = tpu.memref_slice %arg7[%add3A_37, %dma_start3A_50] : memref<10000x128xf32, #tpu.memory_space<vmem_shared>> -> memref<200x128xf32, #tpu.memory_space<vmem_shared>>
        tpu.enqueue_dma source(%dma_start3A_51 : memref<200x128xf32, #tpu.memory_space<vmem_shared>>) target(%dma_start3A_49 : memref<200x128xf32, #tpu.memory_space<hbm>>) target_semaphore(%run_scoped3A : memref<!tpu.dma_semaphore, #tpu.memory_space<semaphore_mem>>)
        %dma_wait3A = arith.constant 0 : i32
        %dma_wait3A_52 = tpu.memref_slice %arg6[%arg0, %add3A_39, %dma_wait3A] : memref<2x10000x128xf32, #tpu.memory_space<hbm>> -> memref<1x200x128xf32, #tpu.memory_space<hbm>>
        %dma_wait3A_53 = tpu.memref_squeeze %dma_wait3A_52 : memref<1x200x128xf32, #tpu.memory_space<hbm>> -> memref<200x128xf32, #tpu.memory_space<hbm>>
        %dma_wait3A_54 = arith.constant 0 : i32
        %dma_wait3A_55 = tpu.memref_slice %arg7[%add3A_37, %dma_wait3A_54] : memref<10000x128xf32, #tpu.memory_space<vmem_shared>> -> memref<200x128xf32, #tpu.memory_space<vmem_shared>>
        tpu.wait_dma2 semaphore(%run_scoped3A : memref<!tpu.dma_semaphore, #tpu.memory_space<semaphore_mem>>) src(%dma_wait3A_55 : memref<200x128xf32, #tpu.memory_space<vmem_shared>>) dst(%dma_wait3A_53 : memref<200x128xf32, #tpu.memory_space<hbm>>)
        tpu.yield
      }) : () -> ()
      %add3A_40 = arith.constant 400 : i32
      %add3A_41 = arith.addi %mul3A_21, %add3A_40 : i32
      %add3A_42 = arith.constant 400 : i32
      %add3A_43 = arith.addi %mul3A_21, %add3A_42 : i32
      "tpu.region"() ({
        %run_scoped3A = tpu.sem_alloc : memref<!tpu.dma_semaphore, #tpu.memory_space<semaphore_mem>>
        %dma_start3A = arith.constant 0 : i32
        %dma_start3A_48 = tpu.memref_slice %arg6[%arg0, %add3A_43, %dma_start3A] : memref<2x10000x128xf32, #tpu.memory_space<hbm>> -> memref<1x200x128xf32, #tpu.memory_space<hbm>>
        %dma_start3A_49 = tpu.memref_squeeze %dma_start3A_48 : memref<1x200x128xf32, #tpu.memory_space<hbm>> -> memref<200x128xf32, #tpu.memory_space<hbm>>
        %dma_start3A_50 = arith.constant 0 : i32
        %dma_start3A_51 = tpu.memref_slice %arg7[%add3A_41, %dma_start3A_50] : memref<10000x128xf32, #tpu.memory_space<vmem_shared>> -> memref<200x128xf32, #tpu.memory_space<vmem_shared>>
        tpu.enqueue_dma source(%dma_start3A_51 : memref<200x128xf32, #tpu.memory_space<vmem_shared>>) target(%dma_start3A_49 : memref<200x128xf32, #tpu.memory_space<hbm>>) target_semaphore(%run_scoped3A : memref<!tpu.dma_semaphore, #tpu.memory_space<semaphore_mem>>)
        %dma_wait3A = arith.constant 0 : i32
        %dma_wait3A_52 = tpu.memref_slice %arg6[%arg0, %add3A_43, %dma_wait3A] : memref<2x10000x128xf32, #tpu.memory_space<hbm>> -> memref<1x200x128xf32, #tpu.memory_space<hbm>>
        %dma_wait3A_53 = tpu.memref_squeeze %dma_wait3A_52 : memref<1x200x128xf32, #tpu.memory_space<hbm>> -> memref<200x128xf32, #tpu.memory_space<hbm>>
        %dma_wait3A_54 = arith.constant 0 : i32
        %dma_wait3A_55 = tpu.memref_slice %arg7[%add3A_41, %dma_wait3A_54] : memref<10000x128xf32, #tpu.memory_space<vmem_shared>> -> memref<200x128xf32, #tpu.memory_space<vmem_shared>>
        tpu.wait_dma2 semaphore(%run_scoped3A : memref<!tpu.dma_semaphore, #tpu.memory_space<semaphore_mem>>) src(%dma_wait3A_55 : memref<200x128xf32, #tpu.memory_space<vmem_shared>>) dst(%dma_wait3A_53 : memref<200x128xf32, #tpu.memory_space<hbm>>)
        tpu.yield
      }) : () -> ()
      %add3A_44 = arith.constant 600 : i32
      %add3A_45 = arith.addi %mul3A_21, %add3A_44 : i32
      %add3A_46 = arith.constant 600 : i32
      %add3A_47 = arith.addi %mul3A_21, %add3A_46 : i32
      "tpu.region"() ({
        %run_scoped3A = tpu.sem_alloc : memref<!tpu.dma_semaphore, #tpu.memory_space<semaphore_mem>>
        %dma_start3A = arith.constant 0 : i32
        %dma_start3A_48 = tpu.memref_slice %arg6[%arg0, %add3A_47, %dma_start3A] : memref<2x10000x128xf32, #tpu.memory_space<hbm>> -> memref<1x32x128xf32, #tpu.memory_space<hbm>>
        %dma_start3A_49 = tpu.memref_squeeze %dma_start3A_48 : memref<1x32x128xf32, #tpu.memory_space<hbm>> -> memref<32x128xf32, #tpu.memory_space<hbm>>
        %dma_start3A_50 = arith.constant 0 : i32
        %dma_start3A_51 = tpu.memref_slice %arg7[%add3A_45, %dma_start3A_50] : memref<10000x128xf32, #tpu.memory_space<vmem_shared>> -> memref<32x128xf32, #tpu.memory_space<vmem_shared>>
        tpu.enqueue_dma source(%dma_start3A_51 : memref<32x128xf32, #tpu.memory_space<vmem_shared>>) target(%dma_start3A_49 : memref<32x128xf32, #tpu.memory_space<hbm>>) target_semaphore(%run_scoped3A : memref<!tpu.dma_semaphore, #tpu.memory_space<semaphore_mem>>)
        %dma_wait3A = arith.constant 0 : i32
        %dma_wait3A_52 = tpu.memref_slice %arg6[%arg0, %add3A_47, %dma_wait3A] : memref<2x10000x128xf32, #tpu.memory_space<hbm>> -> memref<1x32x128xf32, #tpu.memory_space<hbm>>
        %dma_wait3A_53 = tpu.memref_squeeze %dma_wait3A_52 : memref<1x32x128xf32, #tpu.memory_space<hbm>> -> memref<32x128xf32, #tpu.memory_space<hbm>>
        %dma_wait3A_54 = arith.constant 0 : i32
        %dma_wait3A_55 = tpu.memref_slice %arg7[%add3A_45, %dma_wait3A_54] : memref<10000x128xf32, #tpu.memory_space<vmem_shared>> -> memref<32x128xf32, #tpu.memory_space<vmem_shared>>
        tpu.wait_dma2 semaphore(%run_scoped3A : memref<!tpu.dma_semaphore, #tpu.memory_space<semaphore_mem>>) src(%dma_wait3A_55 : memref<32x128xf32, #tpu.memory_space<vmem_shared>>) dst(%dma_wait3A_53 : memref<32x128xf32, #tpu.memory_space<hbm>>)
        tpu.yield
      }) : () -> ()
    } else {
    }
    %eq3A_27 = arith.constant 15 : i32
    %eq3A_28 = arith.cmpi eq, %arg1, %eq3A_27 : i32
    %convert_element_type3A_29 = arith.extui %eq3A_28 : i1 to i32
    %cond3A_30 = arith.constant 0 : i32
    %cond3A_31 = arith.cmpi ne, %convert_element_type3A_29, %cond3A_30 : i32
    scf.if %cond3A_31 {
      %add3A_32 = arith.constant 0 : i32
      %add3A_33 = arith.addi %mul3A_21, %add3A_32 : i32
      %add3A_34 = arith.constant 0 : i32
      %add3A_35 = arith.addi %mul3A_21, %add3A_34 : i32
      "tpu.region"() ({
        %run_scoped3A = tpu.sem_alloc : memref<!tpu.dma_semaphore, #tpu.memory_space<semaphore_mem>>
        %dma_start3A = arith.constant 0 : i32
        %dma_start3A_44 = tpu.memref_slice %arg6[%arg0, %add3A_35, %dma_start3A] : memref<2x10000x128xf32, #tpu.memory_space<hbm>> -> memref<1x200x128xf32, #tpu.memory_space<hbm>>
        %dma_start3A_45 = tpu.memref_squeeze %dma_start3A_44 : memref<1x200x128xf32, #tpu.memory_space<hbm>> -> memref<200x128xf32, #tpu.memory_space<hbm>>
        %dma_start3A_46 = arith.constant 0 : i32
        %dma_start3A_47 = tpu.memref_slice %arg7[%add3A_33, %dma_start3A_46] : memref<10000x128xf32, #tpu.memory_space<vmem_shared>> -> memref<200x128xf32, #tpu.memory_space<vmem_shared>>
        tpu.enqueue_dma source(%dma_start3A_47 : memref<200x128xf32, #tpu.memory_space<vmem_shared>>) target(%dma_start3A_45 : memref<200x128xf32, #tpu.memory_space<hbm>>) target_semaphore(%run_scoped3A : memref<!tpu.dma_semaphore, #tpu.memory_space<semaphore_mem>>)
        %dma_wait3A = arith.constant 0 : i32
        %dma_wait3A_48 = tpu.memref_slice %arg6[%arg0, %add3A_35, %dma_wait3A] : memref<2x10000x128xf32, #tpu.memory_space<hbm>> -> memref<1x200x128xf32, #tpu.memory_space<hbm>>
        %dma_wait3A_49 = tpu.memref_squeeze %dma_wait3A_48 : memref<1x200x128xf32, #tpu.memory_space<hbm>> -> memref<200x128xf32, #tpu.memory_space<hbm>>
        %dma_wait3A_50 = arith.constant 0 : i32
        %dma_wait3A_51 = tpu.memref_slice %arg7[%add3A_33, %dma_wait3A_50] : memref<10000x128xf32, #tpu.memory_space<vmem_shared>> -> memref<200x128xf32, #tpu.memory_space<vmem_shared>>
        tpu.wait_dma2 semaphore(%run_scoped3A : memref<!tpu.dma_semaphore, #tpu.memory_space<semaphore_mem>>) src(%dma_wait3A_51 : memref<200x128xf32, #tpu.memory_space<vmem_shared>>) dst(%dma_wait3A_49 : memref<200x128xf32, #tpu.memory_space<hbm>>)
        tpu.yield
      }) : () -> ()
      %add3A_36 = arith.constant 200 : i32
      %add3A_37 = arith.addi %mul3A_21, %add3A_36 : i32
      %add3A_38 = arith.constant 200 : i32
      %add3A_39 = arith.addi %mul3A_21, %add3A_38 : i32
      "tpu.region"() ({
        %run_scoped3A = tpu.sem_alloc : memref<!tpu.dma_semaphore, #tpu.memory_space<semaphore_mem>>
        %dma_start3A = arith.constant 0 : i32
        %dma_start3A_44 = tpu.memref_slice %arg6[%arg0, %add3A_39, %dma_start3A] : memref<2x10000x128xf32, #tpu.memory_space<hbm>> -> memref<1x200x128xf32, #tpu.memory_space<hbm>>
        %dma_start3A_45 = tpu.memref_squeeze %dma_start3A_44 : memref<1x200x128xf32, #tpu.memory_space<hbm>> -> memref<200x128xf32, #tpu.memory_space<hbm>>
        %dma_start3A_46 = arith.constant 0 : i32
        %dma_start3A_47 = tpu.memref_slice %arg7[%add3A_37, %dma_start3A_46] : memref<10000x128xf32, #tpu.memory_space<vmem_shared>> -> memref<200x128xf32, #tpu.memory_space<vmem_shared>>
        tpu.enqueue_dma source(%dma_start3A_47 : memref<200x128xf32, #tpu.memory_space<vmem_shared>>) target(%dma_start3A_45 : memref<200x128xf32, #tpu.memory_space<hbm>>) target_semaphore(%run_scoped3A : memref<!tpu.dma_semaphore, #tpu.memory_space<semaphore_mem>>)
        %dma_wait3A = arith.constant 0 : i32
        %dma_wait3A_48 = tpu.memref_slice %arg6[%arg0, %add3A_39, %dma_wait3A] : memref<2x10000x128xf32, #tpu.memory_space<hbm>> -> memref<1x200x128xf32, #tpu.memory_space<hbm>>
        %dma_wait3A_49 = tpu.memref_squeeze %dma_wait3A_48 : memref<1x200x128xf32, #tpu.memory_space<hbm>> -> memref<200x128xf32, #tpu.memory_space<hbm>>
        %dma_wait3A_50 = arith.constant 0 : i32
        %dma_wait3A_51 = tpu.memref_slice %arg7[%add3A_37, %dma_wait3A_50] : memref<10000x128xf32, #tpu.memory_space<vmem_shared>> -> memref<200x128xf32, #tpu.memory_space<vmem_shared>>
        tpu.wait_dma2 semaphore(%run_scoped3A : memref<!tpu.dma_semaphore, #tpu.memory_space<semaphore_mem>>) src(%dma_wait3A_51 : memref<200x128xf32, #tpu.memory_space<vmem_shared>>) dst(%dma_wait3A_49 : memref<200x128xf32, #tpu.memory_space<hbm>>)
        tpu.yield
      }) : () -> ()
      %add3A_40 = arith.constant 400 : i32
      %add3A_41 = arith.addi %mul3A_21, %add3A_40 : i32
      %add3A_42 = arith.constant 400 : i32
      %add3A_43 = arith.addi %mul3A_21, %add3A_42 : i32
      "tpu.region"() ({
        %run_scoped3A = tpu.sem_alloc : memref<!tpu.dma_semaphore, #tpu.memory_space<semaphore_mem>>
        %dma_start3A = arith.constant 0 : i32
        %dma_start3A_44 = tpu.memref_slice %arg6[%arg0, %add3A_43, %dma_start3A] : memref<2x10000x128xf32, #tpu.memory_space<hbm>> -> memref<1x120x128xf32, #tpu.memory_space<hbm>>
        %dma_start3A_45 = tpu.memref_squeeze %dma_start3A_44 : memref<1x120x128xf32, #tpu.memory_space<hbm>> -> memref<120x128xf32, #tpu.memory_space<hbm>>
        %dma_start3A_46 = arith.constant 0 : i32
        %dma_start3A_47 = tpu.memref_slice %arg7[%add3A_41, %dma_start3A_46] : memref<10000x128xf32, #tpu.memory_space<vmem_shared>> -> memref<120x128xf32, #tpu.memory_space<vmem_shared>>
        tpu.enqueue_dma source(%dma_start3A_47 : memref<120x128xf32, #tpu.memory_space<vmem_shared>>) target(%dma_start3A_45 : memref<120x128xf32, #tpu.memory_space<hbm>>) target_semaphore(%run_scoped3A : memref<!tpu.dma_semaphore, #tpu.memory_space<semaphore_mem>>)
        %dma_wait3A = arith.constant 0 : i32
        %dma_wait3A_48 = tpu.memref_slice %arg6[%arg0, %add3A_43, %dma_wait3A] : memref<2x10000x128xf32, #tpu.memory_space<hbm>> -> memref<1x120x128xf32, #tpu.memory_space<hbm>>
        %dma_wait3A_49 = tpu.memref_squeeze %dma_wait3A_48 : memref<1x120x128xf32, #tpu.memory_space<hbm>> -> memref<120x128xf32, #tpu.memory_space<hbm>>
        %dma_wait3A_50 = arith.constant 0 : i32
        %dma_wait3A_51 = tpu.memref_slice %arg7[%add3A_41, %dma_wait3A_50] : memref<10000x128xf32, #tpu.memory_space<vmem_shared>> -> memref<120x128xf32, #tpu.memory_space<vmem_shared>>
        tpu.wait_dma2 semaphore(%run_scoped3A : memref<!tpu.dma_semaphore, #tpu.memory_space<semaphore_mem>>) src(%dma_wait3A_51 : memref<120x128xf32, #tpu.memory_space<vmem_shared>>) dst(%dma_wait3A_49 : memref<120x128xf32, #tpu.memory_space<hbm>>)
        tpu.yield
      }) : () -> ()
    } else {
    }
    return
  }
}

#map = affine_map<(d0, d1) -> (0)>
module attributes {stable_mosaic.version = 14 : i64} {
  func.func @_k2_body(%arg0: i32, %arg1: i32, %arg2: memref<80000xf32, #tpu.memory_space<hbm>>, %arg3: memref<320000xi32, #tpu.memory_space<hbm>>, %arg4: memref<320000xi32, #tpu.memory_space<hbm>>, %arg5: memref<320000xf32, #tpu.memory_space<hbm>>, %arg6: memref<320000xf32, #tpu.memory_space<hbm>>, %arg7: memref<320000xf32, #tpu.memory_space<hbm>>, %arg8: memref<320000xf32, #tpu.memory_space<hbm>>, %arg9: memref<1280000xf32, #tpu.memory_space<hbm>>, %arg10: memref<1280000xf32, #tpu.memory_space<hbm>>, %arg11: memref<80000xf32, #tpu.memory_space<vmem>>, %arg12: memref<2000xi32, #tpu.memory_space<vmem>>, %arg13: memref<2000xi32, #tpu.memory_space<vmem>>, %arg14: memref<8000xf32, #tpu.memory_space<vmem>>, %arg15: memref<8000xf32, #tpu.memory_space<vmem>>, %arg16: memref<8000xf32, #tpu.memory_space<vmem>>) attributes {dimension_semantics = [#tpu.dimension_semantics<core_parallel>, #tpu.dimension_semantics<subcore_parallel>], iteration_bounds = array<i64: 2, 16>, scalar_prefetch = 0 : i64, scratch_operands = 6 : i64, tpu.core_type = #tpu.core_type<sc_vector_subcore>, window_params = [{transform_indices = #map}, {transform_indices = #map}, {transform_indices = #map}, {transform_indices = #map}, {transform_indices = #map}, {transform_indices = #map}, {transform_indices = #map}, {transform_indices = #map}, {transform_indices = #map}]} {
    %mul3A = arith.constant 16 : i32
    %mul3A_0 = arith.muli %arg0, %mul3A : i32
    %add3A = arith.addi %mul3A_0, %arg1 : i32
    %mul3A_1 = arith.constant 10000 : i32
    %mul3A_2 = arith.muli %add3A, %mul3A_1 : i32
    "tpu.region"() ({
      %run_scoped3A = tpu.sem_alloc : memref<!tpu.dma_semaphore, #tpu.memory_space<semaphore_mem>>
      tpu.enqueue_dma source(%arg2 : memref<80000xf32, #tpu.memory_space<hbm>>) target(%arg11 : memref<80000xf32, #tpu.memory_space<vmem>>) target_semaphore(%run_scoped3A : memref<!tpu.dma_semaphore, #tpu.memory_space<semaphore_mem>>)
      tpu.wait_dma2 semaphore(%run_scoped3A : memref<!tpu.dma_semaphore, #tpu.memory_space<semaphore_mem>>) src(%arg2 : memref<80000xf32, #tpu.memory_space<hbm>>) dst(%arg11 : memref<80000xf32, #tpu.memory_space<vmem>>)
      tpu.yield
    }) : () -> ()
    %broadcast_in_dim3A = arith.constant 0 : i32
    %broadcast_in_dim3A_3 = vector.broadcast %broadcast_in_dim3A : i32 to vector<16xi32>
    %broadcast_in_dim3A_4 = arith.constant 1 : i32
    %broadcast_in_dim3A_5 = vector.broadcast %broadcast_in_dim3A_4 : i32 to vector<16xi32>
    %broadcast_in_dim3A_6 = arith.constant 2 : i32
    %broadcast_in_dim3A_7 = vector.broadcast %broadcast_in_dim3A_6 : i32 to vector<16xi32>
    %broadcast_in_dim3A_8 = arith.constant 3 : i32
    %broadcast_in_dim3A_9 = vector.broadcast %broadcast_in_dim3A_8 : i32 to vector<16xi32>
    %broadcast_in_dim3A_10 = arith.constant 4 : i32
    %broadcast_in_dim3A_11 = vector.broadcast %broadcast_in_dim3A_10 : i32 to vector<16xi32>
    %broadcast_in_dim3A_12 = arith.constant 5 : i32
    %broadcast_in_dim3A_13 = vector.broadcast %broadcast_in_dim3A_12 : i32 to vector<16xi32>
    %broadcast_in_dim3A_14 = arith.constant 6 : i32
    %broadcast_in_dim3A_15 = vector.broadcast %broadcast_in_dim3A_14 : i32 to vector<16xi32>
    %broadcast_in_dim3A_16 = arith.constant 7 : i32
    %broadcast_in_dim3A_17 = vector.broadcast %broadcast_in_dim3A_16 : i32 to vector<16xi32>
    %iota3A = tpu.iota {dimensions = array<i32: 0>} : vector<16xi32>
    %mul3A_18 = arith.constant 4 : i32
    %mul3A_19 = vector.broadcast %mul3A_18 : i32 to vector<16xi32>
    %mul3A_20 = arith.muli %iota3A, %mul3A_19 : vector<16xi32>
    %scan3A = arith.constant 0 : i32
    %scan3A_21 = arith.constant 5 : i32
    %scan3A_22 = arith.addi %scan3A, %scan3A_21 : i32
    %scan3A_23 = arith.constant 1 : i32
    scf.for %scan3A_25 = %scan3A to %scan3A_22 step %scan3A_23  : i32 {
      %mul3A_26 = arith.constant 2000 : i32
      %mul3A_27 = arith.muli %scan3A_25, %mul3A_26 : i32
      %add3A_28 = arith.constant 0 : i32
      %add3A_29 = arith.addi %add3A_28, %mul3A_27 : i32
      %add3A_30 = arith.addi %mul3A_2, %add3A_29 : i32
      "tpu.region"() ({
        %run_scoped3A = tpu.sem_alloc : memref<!tpu.dma_semaphore, #tpu.memory_space<semaphore_mem>>
        %dma_start3A = tpu.memref_slice %arg3[%add3A_30] : memref<320000xi32, #tpu.memory_space<hbm>> -> memref<2000xi32, #tpu.memory_space<hbm>>
        %dma_start3A_46 = tpu.memref_slice %arg3[%add3A_30] : memref<320000xi32, #tpu.memory_space<hbm>> -> memref<2000xi32, #tpu.memory_space<hbm>>
        tpu.enqueue_dma source(%dma_start3A_46 : memref<2000xi32, #tpu.memory_space<hbm>>) target(%arg12 : memref<2000xi32, #tpu.memory_space<vmem>>) target_semaphore(%run_scoped3A : memref<!tpu.dma_semaphore, #tpu.memory_space<semaphore_mem>>)
        %dma_wait3A = tpu.memref_slice %arg3[%add3A_30] : memref<320000xi32, #tpu.memory_space<hbm>> -> memref<2000xi32, #tpu.memory_space<hbm>>
        %dma_wait3A_47 = tpu.memref_slice %arg3[%add3A_30] : memref<320000xi32, #tpu.memory_space<hbm>> -> memref<2000xi32, #tpu.memory_space<hbm>>
        tpu.wait_dma2 semaphore(%run_scoped3A : memref<!tpu.dma_semaphore, #tpu.memory_space<semaphore_mem>>) src(%dma_wait3A_47 : memref<2000xi32, #tpu.memory_space<hbm>>) dst(%arg12 : memref<2000xi32, #tpu.memory_space<vmem>>)
        tpu.yield
      }) : () -> ()
      "tpu.region"() ({
        %run_scoped3A = tpu.sem_alloc : memref<!tpu.dma_semaphore, #tpu.memory_space<semaphore_mem>>
        %dma_start3A = tpu.memref_slice %arg4[%add3A_30] : memref<320000xi32, #tpu.memory_space<hbm>> -> memref<2000xi32, #tpu.memory_space<hbm>>
        %dma_start3A_46 = tpu.memref_slice %arg4[%add3A_30] : memref<320000xi32, #tpu.memory_space<hbm>> -> memref<2000xi32, #tpu.memory_space<hbm>>
        tpu.enqueue_dma source(%dma_start3A_46 : memref<2000xi32, #tpu.memory_space<hbm>>) target(%arg13 : memref<2000xi32, #tpu.memory_space<vmem>>) target_semaphore(%run_scoped3A : memref<!tpu.dma_semaphore, #tpu.memory_space<semaphore_mem>>)
        %dma_wait3A = tpu.memref_slice %arg4[%add3A_30] : memref<320000xi32, #tpu.memory_space<hbm>> -> memref<2000xi32, #tpu.memory_space<hbm>>
        %dma_wait3A_47 = tpu.memref_slice %arg4[%add3A_30] : memref<320000xi32, #tpu.memory_space<hbm>> -> memref<2000xi32, #tpu.memory_space<hbm>>
        tpu.wait_dma2 semaphore(%run_scoped3A : memref<!tpu.dma_semaphore, #tpu.memory_space<semaphore_mem>>) src(%dma_wait3A_47 : memref<2000xi32, #tpu.memory_space<hbm>>) dst(%arg13 : memref<2000xi32, #tpu.memory_space<vmem>>)
        tpu.yield
      }) : () -> ()
      %mul3A_31 = arith.constant 4 : i32
      %mul3A_32 = arith.muli %mul3A_31, %add3A_30 : i32
      "tpu.region"() ({
        %run_scoped3A = tpu.sem_alloc : memref<!tpu.dma_semaphore, #tpu.memory_space<semaphore_mem>>
        %dma_start3A = tpu.memref_slice %arg9[%mul3A_32] : memref<1280000xf32, #tpu.memory_space<hbm>> -> memref<8000xf32, #tpu.memory_space<hbm>>
        %dma_start3A_46 = tpu.memref_slice %arg9[%mul3A_32] : memref<1280000xf32, #tpu.memory_space<hbm>> -> memref<8000xf32, #tpu.memory_space<hbm>>
        tpu.enqueue_dma source(%dma_start3A_46 : memref<8000xf32, #tpu.memory_space<hbm>>) target(%arg15 : memref<8000xf32, #tpu.memory_space<vmem>>) target_semaphore(%run_scoped3A : memref<!tpu.dma_semaphore, #tpu.memory_space<semaphore_mem>>)
        %dma_wait3A = tpu.memref_slice %arg9[%mul3A_32] : memref<1280000xf32, #tpu.memory_space<hbm>> -> memref<8000xf32, #tpu.memory_space<hbm>>
        %dma_wait3A_47 = tpu.memref_slice %arg9[%mul3A_32] : memref<1280000xf32, #tpu.memory_space<hbm>> -> memref<8000xf32, #tpu.memory_space<hbm>>
        tpu.wait_dma2 semaphore(%run_scoped3A : memref<!tpu.dma_semaphore, #tpu.memory_space<semaphore_mem>>) src(%dma_wait3A_47 : memref<8000xf32, #tpu.memory_space<hbm>>) dst(%arg15 : memref<8000xf32, #tpu.memory_space<vmem>>)
        tpu.yield
      }) : () -> ()
      "tpu.region"() ({
        %run_scoped3A = tpu.sem_alloc : memref<!tpu.dma_semaphore, #tpu.memory_space<semaphore_mem>>
        %dma_start3A = arith.constant 0 : i32
        %dma_start3A_46 = tpu.memref_slice %arg14[%dma_start3A] : memref<8000xf32, #tpu.memory_space<vmem>> -> memref<2000xf32, #tpu.memory_space<vmem>>
        %dma_start3A_47 = tpu.memref_slice %arg5[%add3A_30] : memref<320000xf32, #tpu.memory_space<hbm>> -> memref<2000xf32, #tpu.memory_space<hbm>>
        %dma_start3A_48 = arith.constant 0 : i32
        %dma_start3A_49 = tpu.memref_slice %arg14[%dma_start3A_48] : memref<8000xf32, #tpu.memory_space<vmem>> -> memref<2000xf32, #tpu.memory_space<vmem>>
        %dma_start3A_50 = tpu.memref_slice %arg5[%add3A_30] : memref<320000xf32, #tpu.memory_space<hbm>> -> memref<2000xf32, #tpu.memory_space<hbm>>
        tpu.enqueue_dma source(%dma_start3A_50 : memref<2000xf32, #tpu.memory_space<hbm>>) target(%dma_start3A_49 : memref<2000xf32, #tpu.memory_space<vmem>>) target_semaphore(%run_scoped3A : memref<!tpu.dma_semaphore, #tpu.memory_space<semaphore_mem>>)
        %dma_wait3A = arith.constant 0 : i32
        %dma_wait3A_51 = tpu.memref_slice %arg14[%dma_wait3A] : memref<8000xf32, #tpu.memory_space<vmem>> -> memref<2000xf32, #tpu.memory_space<vmem>>
        %dma_wait3A_52 = tpu.memref_slice %arg5[%add3A_30] : memref<320000xf32, #tpu.memory_space<hbm>> -> memref<2000xf32, #tpu.memory_space<hbm>>
        %dma_wait3A_53 = arith.constant 0 : i32
        %dma_wait3A_54 = tpu.memref_slice %arg14[%dma_wait3A_53] : memref<8000xf32, #tpu.memory_space<vmem>> -> memref<2000xf32, #tpu.memory_space<vmem>>
        %dma_wait3A_55 = tpu.memref_slice %arg5[%add3A_30] : memref<320000xf32, #tpu.memory_space<hbm>> -> memref<2000xf32, #tpu.memory_space<hbm>>
        tpu.wait_dma2 semaphore(%run_scoped3A : memref<!tpu.dma_semaphore, #tpu.memory_space<semaphore_mem>>) src(%dma_wait3A_55 : memref<2000xf32, #tpu.memory_space<hbm>>) dst(%dma_wait3A_54 : memref<2000xf32, #tpu.memory_space<vmem>>)
        tpu.yield
      }) : () -> ()
      "tpu.region"() ({
        %run_scoped3A = tpu.sem_alloc : memref<!tpu.dma_semaphore, #tpu.memory_space<semaphore_mem>>
        %dma_start3A = arith.constant 2000 : i32
        %dma_start3A_46 = tpu.memref_slice %arg14[%dma_start3A] : memref<8000xf32, #tpu.memory_space<vmem>> -> memref<2000xf32, #tpu.memory_space<vmem>>
        %dma_start3A_47 = tpu.memref_slice %arg6[%add3A_30] : memref<320000xf32, #tpu.memory_space<hbm>> -> memref<2000xf32, #tpu.memory_space<hbm>>
        %dma_start3A_48 = arith.constant 2000 : i32
        %dma_start3A_49 = tpu.memref_slice %arg14[%dma_start3A_48] : memref<8000xf32, #tpu.memory_space<vmem>> -> memref<2000xf32, #tpu.memory_space<vmem>>
        %dma_start3A_50 = tpu.memref_slice %arg6[%add3A_30] : memref<320000xf32, #tpu.memory_space<hbm>> -> memref<2000xf32, #tpu.memory_space<hbm>>
        tpu.enqueue_dma source(%dma_start3A_50 : memref<2000xf32, #tpu.memory_space<hbm>>) target(%dma_start3A_49 : memref<2000xf32, #tpu.memory_space<vmem>>) target_semaphore(%run_scoped3A : memref<!tpu.dma_semaphore, #tpu.memory_space<semaphore_mem>>)
        %dma_wait3A = arith.constant 2000 : i32
        %dma_wait3A_51 = tpu.memref_slice %arg14[%dma_wait3A] : memref<8000xf32, #tpu.memory_space<vmem>> -> memref<2000xf32, #tpu.memory_space<vmem>>
        %dma_wait3A_52 = tpu.memref_slice %arg6[%add3A_30] : memref<320000xf32, #tpu.memory_space<hbm>> -> memref<2000xf32, #tpu.memory_space<hbm>>
        %dma_wait3A_53 = arith.constant 2000 : i32
        %dma_wait3A_54 = tpu.memref_slice %arg14[%dma_wait3A_53] : memref<8000xf32, #tpu.memory_space<vmem>> -> memref<2000xf32, #tpu.memory_space<vmem>>
        %dma_wait3A_55 = tpu.memref_slice %arg6[%add3A_30] : memref<320000xf32, #tpu.memory_space<hbm>> -> memref<2000xf32, #tpu.memory_space<hbm>>
        tpu.wait_dma2 semaphore(%run_scoped3A : memref<!tpu.dma_semaphore, #tpu.memory_space<semaphore_mem>>) src(%dma_wait3A_55 : memref<2000xf32, #tpu.memory_space<hbm>>) dst(%dma_wait3A_54 : memref<2000xf32, #tpu.memory_space<vmem>>)
        tpu.yield
      }) : () -> ()
      "tpu.region"() ({
        %run_scoped3A = tpu.sem_alloc : memref<!tpu.dma_semaphore, #tpu.memory_space<semaphore_mem>>
        %dma_start3A = arith.constant 4000 : i32
        %dma_start3A_46 = tpu.memref_slice %arg14[%dma_start3A] : memref<8000xf32, #tpu.memory_space<vmem>> -> memref<2000xf32, #tpu.memory_space<vmem>>
        %dma_start3A_47 = tpu.memref_slice %arg7[%add3A_30] : memref<320000xf32, #tpu.memory_space<hbm>> -> memref<2000xf32, #tpu.memory_space<hbm>>
        %dma_start3A_48 = arith.constant 4000 : i32
        %dma_start3A_49 = tpu.memref_slice %arg14[%dma_start3A_48] : memref<8000xf32, #tpu.memory_space<vmem>> -> memref<2000xf32, #tpu.memory_space<vmem>>
        %dma_start3A_50 = tpu.memref_slice %arg7[%add3A_30] : memref<320000xf32, #tpu.memory_space<hbm>> -> memref<2000xf32, #tpu.memory_space<hbm>>
        tpu.enqueue_dma source(%dma_start3A_50 : memref<2000xf32, #tpu.memory_space<hbm>>) target(%dma_start3A_49 : memref<2000xf32, #tpu.memory_space<vmem>>) target_semaphore(%run_scoped3A : memref<!tpu.dma_semaphore, #tpu.memory_space<semaphore_mem>>)
        %dma_wait3A = arith.constant 4000 : i32
        %dma_wait3A_51 = tpu.memref_slice %arg14[%dma_wait3A] : memref<8000xf32, #tpu.memory_space<vmem>> -> memref<2000xf32, #tpu.memory_space<vmem>>
        %dma_wait3A_52 = tpu.memref_slice %arg7[%add3A_30] : memref<320000xf32, #tpu.memory_space<hbm>> -> memref<2000xf32, #tpu.memory_space<hbm>>
        %dma_wait3A_53 = arith.constant 4000 : i32
        %dma_wait3A_54 = tpu.memref_slice %arg14[%dma_wait3A_53] : memref<8000xf32, #tpu.memory_space<vmem>> -> memref<2000xf32, #tpu.memory_space<vmem>>
        %dma_wait3A_55 = tpu.memref_slice %arg7[%add3A_30] : memref<320000xf32, #tpu.memory_space<hbm>> -> memref<2000xf32, #tpu.memory_space<hbm>>
        tpu.wait_dma2 semaphore(%run_scoped3A : memref<!tpu.dma_semaphore, #tpu.memory_space<semaphore_mem>>) src(%dma_wait3A_55 : memref<2000xf32, #tpu.memory_space<hbm>>) dst(%dma_wait3A_54 : memref<2000xf32, #tpu.memory_space<vmem>>)
        tpu.yield
      }) : () -> ()
      "tpu.region"() ({
        %run_scoped3A = tpu.sem_alloc : memref<!tpu.dma_semaphore, #tpu.memory_space<semaphore_mem>>
        %dma_start3A = arith.constant 6000 : i32
        %dma_start3A_46 = tpu.memref_slice %arg14[%dma_start3A] : memref<8000xf32, #tpu.memory_space<vmem>> -> memref<2000xf32, #tpu.memory_space<vmem>>
        %dma_start3A_47 = tpu.memref_slice %arg8[%add3A_30] : memref<320000xf32, #tpu.memory_space<hbm>> -> memref<2000xf32, #tpu.memory_space<hbm>>
        %dma_start3A_48 = arith.constant 6000 : i32
        %dma_start3A_49 = tpu.memref_slice %arg14[%dma_start3A_48] : memref<8000xf32, #tpu.memory_space<vmem>> -> memref<2000xf32, #tpu.memory_space<vmem>>
        %dma_start3A_50 = tpu.memref_slice %arg8[%add3A_30] : memref<320000xf32, #tpu.memory_space<hbm>> -> memref<2000xf32, #tpu.memory_space<hbm>>
        tpu.enqueue_dma source(%dma_start3A_50 : memref<2000xf32, #tpu.memory_space<hbm>>) target(%dma_start3A_49 : memref<2000xf32, #tpu.memory_space<vmem>>) target_semaphore(%run_scoped3A : memref<!tpu.dma_semaphore, #tpu.memory_space<semaphore_mem>>)
        %dma_wait3A = arith.constant 6000 : i32
        %dma_wait3A_51 = tpu.memref_slice %arg14[%dma_wait3A] : memref<8000xf32, #tpu.memory_space<vmem>> -> memref<2000xf32, #tpu.memory_space<vmem>>
        %dma_wait3A_52 = tpu.memref_slice %arg8[%add3A_30] : memref<320000xf32, #tpu.memory_space<hbm>> -> memref<2000xf32, #tpu.memory_space<hbm>>
        %dma_wait3A_53 = arith.constant 6000 : i32
        %dma_wait3A_54 = tpu.memref_slice %arg14[%dma_wait3A_53] : memref<8000xf32, #tpu.memory_space<vmem>> -> memref<2000xf32, #tpu.memory_space<vmem>>
        %dma_wait3A_55 = tpu.memref_slice %arg8[%add3A_30] : memref<320000xf32, #tpu.memory_space<hbm>> -> memref<2000xf32, #tpu.memory_space<hbm>>
        tpu.wait_dma2 semaphore(%run_scoped3A : memref<!tpu.dma_semaphore, #tpu.memory_space<semaphore_mem>>) src(%dma_wait3A_55 : memref<2000xf32, #tpu.memory_space<hbm>>) dst(%dma_wait3A_54 : memref<2000xf32, #tpu.memory_space<vmem>>)
        tpu.yield
      }) : () -> ()
      %scan3A_33 = arith.constant 0 : i32
      %scan3A_34 = arith.constant 125 : i32
      %scan3A_35 = arith.addi %scan3A_33, %scan3A_34 : i32
      %scan3A_36 = arith.constant 1 : i32
      scf.for %scan3A_46 = %scan3A_33 to %scan3A_35 step %scan3A_36  : i32 {
        %mul3A_47 = arith.constant 16 : i32
        %mul3A_48 = arith.muli %scan3A_46, %mul3A_47 : i32
        %add3A_49 = arith.constant 0 : i32
        %add3A_50 = arith.addi %add3A_49, %mul3A_48 : i32
        %get3A = arith.index_cast %add3A_50 : i32 to index
        %get3A_51 = tpu.vector_load %arg12[%get3A] {strides = array<i32>} : memref<2000xi32, #tpu.memory_space<vmem>>, vector<16xi32>,
        %mul3A_52 = arith.constant 8 : i32
        %mul3A_53 = vector.broadcast %mul3A_52 : i32 to vector<16xi32>
        %mul3A_54 = arith.muli %get3A_51, %mul3A_53 : vector<16xi32>
        %get3A_55 = arith.index_cast %add3A_50 : i32 to index
        %get3A_56 = tpu.vector_load %arg13[%get3A_55] {strides = array<i32>} : memref<2000xi32, #tpu.memory_space<vmem>>, vector<16xi32>,
        %mul3A_57 = arith.constant 8 : i32
        %mul3A_58 = vector.broadcast %mul3A_57 : i32 to vector<16xi32>
        %mul3A_59 = arith.muli %get3A_56, %mul3A_58 : vector<16xi32>
        %add3A_60 = arith.addi %mul3A_54, %broadcast_in_dim3A_3 : vector<16xi32>
        %gather3A = tpu.vector_load_idx %arg11[%add3A_60] : memref<80000xf32, #tpu.memory_space<vmem>>[vector<16xi32>], vector<16xf32>,
        %add3A_61 = arith.addi %mul3A_59, %broadcast_in_dim3A_11 : vector<16xi32>
        %gather3A_62 = tpu.vector_load_idx %arg11[%add3A_61] : memref<80000xf32, #tpu.memory_space<vmem>>[vector<16xi32>], vector<16xf32>,
        %add3A_63 = arith.constant 0 : i32
        %add3A_64 = arith.addi %add3A_63, %add3A_50 : i32
        %get3A_65 = arith.index_cast %add3A_64 : i32 to index
        %get3A_66 = tpu.vector_load %arg14[%get3A_65] {strides = array<i32>} : memref<8000xf32, #tpu.memory_space<vmem>>, vector<16xf32>,
        %mul3A_67 = arith.constant 4 : i32
        %mul3A_68 = arith.muli %mul3A_67, %add3A_50 : i32
        %add3A_69 = arith.constant 0 : i32
        %add3A_70 = arith.addi %mul3A_68, %add3A_69 : i32
        %add3A_71 = vector.broadcast %add3A_70 : i32 to vector<16xi32>
        %add3A_72 = arith.addi %mul3A_20, %add3A_71 : vector<16xi32>
        %gather3A_73 = tpu.vector_load_idx %arg15[%add3A_72] : memref<8000xf32, #tpu.memory_space<vmem>>[vector<16xi32>], vector<16xf32>,
        %add3A_74 = arith.addf %gather3A, %gather3A_62 : vector<16xf32>
        %add3A_75 = arith.addf %add3A_74, %get3A_66 : vector<16xf32>
        %add3A_76 = arith.addf %add3A_75, %gather3A_73 : vector<16xf32>
        %add3A_77 = arith.constant 0 : i32
        %add3A_78 = arith.addi %add3A_77, %add3A_50 : i32
        %swap3A = arith.index_cast %add3A_78 : i32 to index
        %swap3A_79 = tpu.vector_load %arg16[%swap3A] {strides = array<i32>} : memref<8000xf32, #tpu.memory_space<vmem>>, vector<16xf32>,
        tpu.vector_store %arg16[%swap3A], %add3A_76 {strides = array<i32>} : memref<8000xf32, #tpu.memory_space<vmem>>, vector<16xf32>,
        %add3A_80 = arith.addi %mul3A_54, %broadcast_in_dim3A_5 : vector<16xi32>
        %gather3A_81 = tpu.vector_load_idx %arg11[%add3A_80] : memref<80000xf32, #tpu.memory_space<vmem>>[vector<16xi32>], vector<16xf32>,
        %add3A_82 = arith.addi %mul3A_59, %broadcast_in_dim3A_13 : vector<16xi32>
        %gather3A_83 = tpu.vector_load_idx %arg11[%add3A_82] : memref<80000xf32, #tpu.memory_space<vmem>>[vector<16xi32>], vector<16xf32>,
        %add3A_84 = arith.constant 2000 : i32
        %add3A_85 = arith.addi %add3A_84, %add3A_50 : i32
        %get3A_86 = arith.index_cast %add3A_85 : i32 to index
        %get3A_87 = tpu.vector_load %arg14[%get3A_86] {strides = array<i32>} : memref<8000xf32, #tpu.memory_space<vmem>>, vector<16xf32>,
        %mul3A_88 = arith.constant 4 : i32
        %mul3A_89 = arith.muli %mul3A_88, %add3A_50 : i32
        %add3A_90 = arith.constant 1 : i32
        %add3A_91 = arith.addi %mul3A_89, %add3A_90 : i32
        %add3A_92 = vector.broadcast %add3A_91 : i32 to vector<16xi32>
        %add3A_93 = arith.addi %mul3A_20, %add3A_92 : vector<16xi32>
        %gather3A_94 = tpu.vector_load_idx %arg15[%add3A_93] : memref<8000xf32, #tpu.memory_space<vmem>>[vector<16xi32>], vector<16xf32>,
        %add3A_95 = arith.addf %gather3A_81, %gather3A_83 : vector<16xf32>
        %add3A_96 = arith.addf %add3A_95, %get3A_87 : vector<16xf32>
        %add3A_97 = arith.addf %add3A_96, %gather3A_94 : vector<16xf32>
        %add3A_98 = arith.constant 2000 : i32
        %add3A_99 = arith.addi %add3A_98, %add3A_50 : i32
        %swap3A_100 = arith.index_cast %add3A_99 : i32 to index
        %swap3A_101 = tpu.vector_load %arg16[%swap3A_100] {strides = array<i32>} : memref<8000xf32, #tpu.memory_space<vmem>>, vector<16xf32>,
        tpu.vector_store %arg16[%swap3A_100], %add3A_97 {strides = array<i32>} : memref<8000xf32, #tpu.memory_space<vmem>>, vector<16xf32>,
        %add3A_102 = arith.addi %mul3A_54, %broadcast_in_dim3A_7 : vector<16xi32>
        %gather3A_103 = tpu.vector_load_idx %arg11[%add3A_102] : memref<80000xf32, #tpu.memory_space<vmem>>[vector<16xi32>], vector<16xf32>,
        %add3A_104 = arith.addi %mul3A_59, %broadcast_in_dim3A_15 : vector<16xi32>
        %gather3A_105 = tpu.vector_load_idx %arg11[%add3A_104] : memref<80000xf32, #tpu.memory_space<vmem>>[vector<16xi32>], vector<16xf32>,
        %add3A_106 = arith.constant 4000 : i32
        %add3A_107 = arith.addi %add3A_106, %add3A_50 : i32
        %get3A_108 = arith.index_cast %add3A_107 : i32 to index
        %get3A_109 = tpu.vector_load %arg14[%get3A_108] {strides = array<i32>} : memref<8000xf32, #tpu.memory_space<vmem>>, vector<16xf32>,
        %mul3A_110 = arith.constant 4 : i32
        %mul3A_111 = arith.muli %mul3A_110, %add3A_50 : i32
        %add3A_112 = arith.constant 2 : i32
        %add3A_113 = arith.addi %mul3A_111, %add3A_112 : i32
        %add3A_114 = vector.broadcast %add3A_113 : i32 to vector<16xi32>
        %add3A_115 = arith.addi %mul3A_20, %add3A_114 : vector<16xi32>
        %gather3A_116 = tpu.vector_load_idx %arg15[%add3A_115] : memref<8000xf32, #tpu.memory_space<vmem>>[vector<16xi32>], vector<16xf32>,
        %add3A_117 = arith.addf %gather3A_103, %gather3A_105 : vector<16xf32>
        %add3A_118 = arith.addf %add3A_117, %get3A_109 : vector<16xf32>
        %add3A_119 = arith.addf %add3A_118, %gather3A_116 : vector<16xf32>
        %add3A_120 = arith.constant 4000 : i32
        %add3A_121 = arith.addi %add3A_120, %add3A_50 : i32
        %swap3A_122 = arith.index_cast %add3A_121 : i32 to index
        %swap3A_123 = tpu.vector_load %arg16[%swap3A_122] {strides = array<i32>} : memref<8000xf32, #tpu.memory_space<vmem>>, vector<16xf32>,
        tpu.vector_store %arg16[%swap3A_122], %add3A_119 {strides = array<i32>} : memref<8000xf32, #tpu.memory_space<vmem>>, vector<16xf32>,
        %add3A_124 = arith.addi %mul3A_54, %broadcast_in_dim3A_9 : vector<16xi32>
        %gather3A_125 = tpu.vector_load_idx %arg11[%add3A_124] : memref<80000xf32, #tpu.memory_space<vmem>>[vector<16xi32>], vector<16xf32>,
        %add3A_126 = arith.addi %mul3A_59, %broadcast_in_dim3A_17 : vector<16xi32>
        %gather3A_127 = tpu.vector_load_idx %arg11[%add3A_126] : memref<80000xf32, #tpu.memory_space<vmem>>[vector<16xi32>], vector<16xf32>,
        %add3A_128 = arith.constant 6000 : i32
        %add3A_129 = arith.addi %add3A_128, %add3A_50 : i32
        %get3A_130 = arith.index_cast %add3A_129 : i32 to index
        %get3A_131 = tpu.vector_load %arg14[%get3A_130] {strides = array<i32>} : memref<8000xf32, #tpu.memory_space<vmem>>, vector<16xf32>,
        %mul3A_132 = arith.constant 4 : i32
        %mul3A_133 = arith.muli %mul3A_132, %add3A_50 : i32
        %add3A_134 = arith.constant 3 : i32
        %add3A_135 = arith.addi %mul3A_133, %add3A_134 : i32
        %add3A_136 = vector.broadcast %add3A_135 : i32 to vector<16xi32>
        %add3A_137 = arith.addi %mul3A_20, %add3A_136 : vector<16xi32>
        %gather3A_138 = tpu.vector_load_idx %arg15[%add3A_137] : memref<8000xf32, #tpu.memory_space<vmem>>[vector<16xi32>], vector<16xf32>,
        %add3A_139 = arith.addf %gather3A_125, %gather3A_127 : vector<16xf32>
        %add3A_140 = arith.addf %add3A_139, %get3A_131 : vector<16xf32>
        %add3A_141 = arith.addf %add3A_140, %gather3A_138 : vector<16xf32>
        %add3A_142 = arith.constant 6000 : i32
        %add3A_143 = arith.addi %add3A_142, %add3A_50 : i32
        %swap3A_144 = arith.index_cast %add3A_143 : i32 to index
        %swap3A_145 = tpu.vector_load %arg16[%swap3A_144] {strides = array<i32>} : memref<8000xf32, #tpu.memory_space<vmem>>, vector<16xf32>,
        tpu.vector_store %arg16[%swap3A_144], %add3A_141 {strides = array<i32>} : memref<8000xf32, #tpu.memory_space<vmem>>, vector<16xf32>,
      }
      %scan3A_37 = arith.constant 125 : i32
      %add3A_38 = arith.constant 0 : i32
      %add3A_39 = arith.addi %add3A_38, %add3A_30 : i32
      "tpu.region"() ({
        %run_scoped3A = tpu.sem_alloc : memref<!tpu.dma_semaphore, #tpu.memory_space<semaphore_mem>>
        %dma_start3A = arith.constant 0 : i32
        %dma_start3A_46 = tpu.memref_slice %arg16[%dma_start3A] : memref<8000xf32, #tpu.memory_space<vmem>> -> memref<2000xf32, #tpu.memory_space<vmem>>
        %dma_start3A_47 = tpu.memref_slice %arg10[%add3A_39] : memref<1280000xf32, #tpu.memory_space<hbm>> -> memref<2000xf32, #tpu.memory_space<hbm>>
        %dma_start3A_48 = tpu.memref_slice %arg10[%add3A_39] : memref<1280000xf32, #tpu.memory_space<hbm>> -> memref<2000xf32, #tpu.memory_space<hbm>>
        %dma_start3A_49 = arith.constant 0 : i32
        %dma_start3A_50 = tpu.memref_slice %arg16[%dma_start3A_49] : memref<8000xf32, #tpu.memory_space<vmem>> -> memref<2000xf32, #tpu.memory_space<vmem>>
        tpu.enqueue_dma source(%dma_start3A_50 : memref<2000xf32, #tpu.memory_space<vmem>>) target(%dma_start3A_48 : memref<2000xf32, #tpu.memory_space<hbm>>) target_semaphore(%run_scoped3A : memref<!tpu.dma_semaphore, #tpu.memory_space<semaphore_mem>>)
        %dma_wait3A = arith.constant 0 : i32
        %dma_wait3A_51 = tpu.memref_slice %arg16[%dma_wait3A] : memref<8000xf32, #tpu.memory_space<vmem>> -> memref<2000xf32, #tpu.memory_space<vmem>>
        %dma_wait3A_52 = tpu.memref_slice %arg10[%add3A_39] : memref<1280000xf32, #tpu.memory_space<hbm>> -> memref<2000xf32, #tpu.memory_space<hbm>>
        %dma_wait3A_53 = tpu.memref_slice %arg10[%add3A_39] : memref<1280000xf32, #tpu.memory_space<hbm>> -> memref<2000xf32, #tpu.memory_space<hbm>>
        %dma_wait3A_54 = arith.constant 0 : i32
        %dma_wait3A_55 = tpu.memref_slice %arg16[%dma_wait3A_54] : memref<8000xf32, #tpu.memory_space<vmem>> -> memref<2000xf32, #tpu.memory_space<vmem>>
        tpu.wait_dma2 semaphore(%run_scoped3A : memref<!tpu.dma_semaphore, #tpu.memory_space<semaphore_mem>>) src(%dma_wait3A_55 : memref<2000xf32, #tpu.memory_space<vmem>>) dst(%dma_wait3A_53 : memref<2000xf32, #tpu.memory_space<hbm>>)
        tpu.yield
      }) : () -> ()
      %add3A_40 = arith.constant 320000 : i32
      %add3A_41 = arith.addi %add3A_40, %add3A_30 : i32
      "tpu.region"() ({
        %run_scoped3A = tpu.sem_alloc : memref<!tpu.dma_semaphore, #tpu.memory_space<semaphore_mem>>
        %dma_start3A = arith.constant 2000 : i32
        %dma_start3A_46 = tpu.memref_slice %arg16[%dma_start3A] : memref<8000xf32, #tpu.memory_space<vmem>> -> memref<2000xf32, #tpu.memory_space<vmem>>
        %dma_start3A_47 = tpu.memref_slice %arg10[%add3A_41] : memref<1280000xf32, #tpu.memory_space<hbm>> -> memref<2000xf32, #tpu.memory_space<hbm>>
        %dma_start3A_48 = tpu.memref_slice %arg10[%add3A_41] : memref<1280000xf32, #tpu.memory_space<hbm>> -> memref<2000xf32, #tpu.memory_space<hbm>>
        %dma_start3A_49 = arith.constant 2000 : i32
        %dma_start3A_50 = tpu.memref_slice %arg16[%dma_start3A_49] : memref<8000xf32, #tpu.memory_space<vmem>> -> memref<2000xf32, #tpu.memory_space<vmem>>
        tpu.enqueue_dma source(%dma_start3A_50 : memref<2000xf32, #tpu.memory_space<vmem>>) target(%dma_start3A_48 : memref<2000xf32, #tpu.memory_space<hbm>>) target_semaphore(%run_scoped3A : memref<!tpu.dma_semaphore, #tpu.memory_space<semaphore_mem>>)
        %dma_wait3A = arith.constant 2000 : i32
        %dma_wait3A_51 = tpu.memref_slice %arg16[%dma_wait3A] : memref<8000xf32, #tpu.memory_space<vmem>> -> memref<2000xf32, #tpu.memory_space<vmem>>
        %dma_wait3A_52 = tpu.memref_slice %arg10[%add3A_41] : memref<1280000xf32, #tpu.memory_space<hbm>> -> memref<2000xf32, #tpu.memory_space<hbm>>
        %dma_wait3A_53 = tpu.memref_slice %arg10[%add3A_41] : memref<1280000xf32, #tpu.memory_space<hbm>> -> memref<2000xf32, #tpu.memory_space<hbm>>
        %dma_wait3A_54 = arith.constant 2000 : i32
        %dma_wait3A_55 = tpu.memref_slice %arg16[%dma_wait3A_54] : memref<8000xf32, #tpu.memory_space<vmem>> -> memref<2000xf32, #tpu.memory_space<vmem>>
        tpu.wait_dma2 semaphore(%run_scoped3A : memref<!tpu.dma_semaphore, #tpu.memory_space<semaphore_mem>>) src(%dma_wait3A_55 : memref<2000xf32, #tpu.memory_space<vmem>>) dst(%dma_wait3A_53 : memref<2000xf32, #tpu.memory_space<hbm>>)
        tpu.yield
      }) : () -> ()
      %add3A_42 = arith.constant 640000 : i32
      %add3A_43 = arith.addi %add3A_42, %add3A_30 : i32
      "tpu.region"() ({
        %run_scoped3A = tpu.sem_alloc : memref<!tpu.dma_semaphore, #tpu.memory_space<semaphore_mem>>
        %dma_start3A = arith.constant 4000 : i32
        %dma_start3A_46 = tpu.memref_slice %arg16[%dma_start3A] : memref<8000xf32, #tpu.memory_space<vmem>> -> memref<2000xf32, #tpu.memory_space<vmem>>
        %dma_start3A_47 = tpu.memref_slice %arg10[%add3A_43] : memref<1280000xf32, #tpu.memory_space<hbm>> -> memref<2000xf32, #tpu.memory_space<hbm>>
        %dma_start3A_48 = tpu.memref_slice %arg10[%add3A_43] : memref<1280000xf32, #tpu.memory_space<hbm>> -> memref<2000xf32, #tpu.memory_space<hbm>>
        %dma_start3A_49 = arith.constant 4000 : i32
        %dma_start3A_50 = tpu.memref_slice %arg16[%dma_start3A_49] : memref<8000xf32, #tpu.memory_space<vmem>> -> memref<2000xf32, #tpu.memory_space<vmem>>
        tpu.enqueue_dma source(%dma_start3A_50 : memref<2000xf32, #tpu.memory_space<vmem>>) target(%dma_start3A_48 : memref<2000xf32, #tpu.memory_space<hbm>>) target_semaphore(%run_scoped3A : memref<!tpu.dma_semaphore, #tpu.memory_space<semaphore_mem>>)
        %dma_wait3A = arith.constant 4000 : i32
        %dma_wait3A_51 = tpu.memref_slice %arg16[%dma_wait3A] : memref<8000xf32, #tpu.memory_space<vmem>> -> memref<2000xf32, #tpu.memory_space<vmem>>
        %dma_wait3A_52 = tpu.memref_slice %arg10[%add3A_43] : memref<1280000xf32, #tpu.memory_space<hbm>> -> memref<2000xf32, #tpu.memory_space<hbm>>
        %dma_wait3A_53 = tpu.memref_slice %arg10[%add3A_43] : memref<1280000xf32, #tpu.memory_space<hbm>> -> memref<2000xf32, #tpu.memory_space<hbm>>
        %dma_wait3A_54 = arith.constant 4000 : i32
        %dma_wait3A_55 = tpu.memref_slice %arg16[%dma_wait3A_54] : memref<8000xf32, #tpu.memory_space<vmem>> -> memref<2000xf32, #tpu.memory_space<vmem>>
        tpu.wait_dma2 semaphore(%run_scoped3A : memref<!tpu.dma_semaphore, #tpu.memory_space<semaphore_mem>>) src(%dma_wait3A_55 : memref<2000xf32, #tpu.memory_space<vmem>>) dst(%dma_wait3A_53 : memref<2000xf32, #tpu.memory_space<hbm>>)
        tpu.yield
      }) : () -> ()
      %add3A_44 = arith.constant 960000 : i32
      %add3A_45 = arith.addi %add3A_44, %add3A_30 : i32
      "tpu.region"() ({
        %run_scoped3A = tpu.sem_alloc : memref<!tpu.dma_semaphore, #tpu.memory_space<semaphore_mem>>
        %dma_start3A = arith.constant 6000 : i32
        %dma_start3A_46 = tpu.memref_slice %arg16[%dma_start3A] : memref<8000xf32, #tpu.memory_space<vmem>> -> memref<2000xf32, #tpu.memory_space<vmem>>
        %dma_start3A_47 = tpu.memref_slice %arg10[%add3A_45] : memref<1280000xf32, #tpu.memory_space<hbm>> -> memref<2000xf32, #tpu.memory_space<hbm>>
        %dma_start3A_48 = tpu.memref_slice %arg10[%add3A_45] : memref<1280000xf32, #tpu.memory_space<hbm>> -> memref<2000xf32, #tpu.memory_space<hbm>>
        %dma_start3A_49 = arith.constant 6000 : i32
        %dma_start3A_50 = tpu.memref_slice %arg16[%dma_start3A_49] : memref<8000xf32, #tpu.memory_space<vmem>> -> memref<2000xf32, #tpu.memory_space<vmem>>
        tpu.enqueue_dma source(%dma_start3A_50 : memref<2000xf32, #tpu.memory_space<vmem>>) target(%dma_start3A_48 : memref<2000xf32, #tpu.memory_space<hbm>>) target_semaphore(%run_scoped3A : memref<!tpu.dma_semaphore, #tpu.memory_space<semaphore_mem>>)
        %dma_wait3A = arith.constant 6000 : i32
        %dma_wait3A_51 = tpu.memref_slice %arg16[%dma_wait3A] : memref<8000xf32, #tpu.memory_space<vmem>> -> memref<2000xf32, #tpu.memory_space<vmem>>
        %dma_wait3A_52 = tpu.memref_slice %arg10[%add3A_45] : memref<1280000xf32, #tpu.memory_space<hbm>> -> memref<2000xf32, #tpu.memory_space<hbm>>
        %dma_wait3A_53 = tpu.memref_slice %arg10[%add3A_45] : memref<1280000xf32, #tpu.memory_space<hbm>> -> memref<2000xf32, #tpu.memory_space<hbm>>
        %dma_wait3A_54 = arith.constant 6000 : i32
        %dma_wait3A_55 = tpu.memref_slice %arg16[%dma_wait3A_54] : memref<8000xf32, #tpu.memory_space<vmem>> -> memref<2000xf32, #tpu.memory_space<vmem>>
        tpu.wait_dma2 semaphore(%run_scoped3A : memref<!tpu.dma_semaphore, #tpu.memory_space<semaphore_mem>>) src(%dma_wait3A_55 : memref<2000xf32, #tpu.memory_space<vmem>>) dst(%dma_wait3A_53 : memref<2000xf32, #tpu.memory_space<hbm>>)
        tpu.yield
      }) : () -> ()
    }
    %scan3A_24 = arith.constant 5 : i32
    return
  }
}

#map = affine_map<(d0, d1) -> (0)>
#map1 = affine_map<(d0, d1) -> (0, 0, 0)>
module attributes {stable_mosaic.version = 14 : i64} {
  func.func @_k4b_body(%arg0: i32, %arg1: i32, %arg2: memref<320000xi32, #tpu.memory_space<hbm>>, %arg3: memref<320000xf32, #tpu.memory_space<hbm>>, %arg4: memref<320000xf32, #tpu.memory_space<hbm>>, %arg5: memref<5120000xf32, #tpu.memory_space<hbm>>, %arg6: memref<16xf32, #tpu.memory_space<hbm>>, %arg7: memref<2x10000x128xf32, #tpu.memory_space<hbm>>, %arg8: memref<10000x128xf32, #tpu.memory_space<vmem_shared>>, %arg9: memref<200xi32, #tpu.memory_space<vmem>>, %arg10: memref<200xf32, #tpu.memory_space<vmem>>, %arg11: memref<200xf32, #tpu.memory_space<vmem>>, %arg12: memref<3200xf32, #tpu.memory_space<vmem>>, %arg13: memref<16xf32, #tpu.memory_space<vmem>>, %arg14: memref<200x128xf32, #tpu.memory_space<vmem>>) attributes {dimension_semantics = [#tpu.dimension_semantics<core_parallel>, #tpu.dimension_semantics<subcore_parallel>], iteration_bounds = array<i64: 2, 16>, scalar_prefetch = 0 : i64, scratch_operands = 7 : i64, tpu.core_type = #tpu.core_type<sc_vector_subcore>, window_params = [{transform_indices = #map}, {transform_indices = #map}, {transform_indices = #map}, {transform_indices = #map}, {transform_indices = #map}, {transform_indices = #map1}]} {
    %mul3A = arith.constant 16 : i32
    %mul3A_0 = arith.muli %arg0, %mul3A : i32
    %add3A = arith.addi %mul3A_0, %arg1 : i32
    %iota3A = tpu.iota {dimensions = array<i32: 0>} : vector<16xi32>
    %eq3A = arith.constant 0 : i32
    %eq3A_1 = vector.broadcast %eq3A : i32 to vector<16xi32>
    %eq3A_2 = arith.cmpi eq, %iota3A, %eq3A_1 : vector<16xi32>
    %jit3A = arith.constant 1.000000e+00 : f32
    %jit3A_3 = arith.constant 0.000000e+00 : f32
    %broadcast_in_dim3A = vector.broadcast %jit3A : f32 to vector<16xf32>
    %broadcast_in_dim3A_4 = vector.broadcast %jit3A_3 : f32 to vector<16xf32>
    %select_n3A = arith.select %eq3A_2, %broadcast_in_dim3A, %broadcast_in_dim3A_4 : vector<16xi1>, vector<16xf32>
    "tpu.region"() ({
      %run_scoped3A = tpu.sem_alloc : memref<!tpu.dma_semaphore, #tpu.memory_space<semaphore_mem>>
      tpu.enqueue_dma source(%arg6 : memref<16xf32, #tpu.memory_space<hbm>>) target(%arg13 : memref<16xf32, #tpu.memory_space<vmem>>) target_semaphore(%run_scoped3A : memref<!tpu.dma_semaphore, #tpu.memory_space<semaphore_mem>>)
      tpu.wait_dma2 semaphore(%run_scoped3A : memref<!tpu.dma_semaphore, #tpu.memory_space<semaphore_mem>>) src(%arg6 : memref<16xf32, #tpu.memory_space<hbm>>) dst(%arg13 : memref<16xf32, #tpu.memory_space<vmem>>)
      tpu.yield
    }) : () -> ()
    %get3A = arith.constant 0 : index
    %get3A_5 = tpu.vector_load %arg13[%get3A] {strides = array<i32>} : memref<16xf32, #tpu.memory_space<vmem>>, vector<16xf32>,
    %neg3A = arith.constant 0.000000e+00 : f32
    %neg3A_6 = vector.broadcast %neg3A : f32 to vector<16xf32>
    %neg3A_7 = arith.subf %neg3A_6, %get3A_5 : vector<16xf32>
    %broadcast_in_dim3A_8 = arith.constant 0.000000e+00 : f32
    %broadcast_in_dim3A_9 = vector.broadcast %broadcast_in_dim3A_8 : f32 to vector<16xf32>
    %scan3A = arith.constant 0 : i32
    %scan3A_10 = arith.constant 200 : i32
    %scan3A_11 = arith.addi %scan3A, %scan3A_10 : i32
    %scan3A_12 = arith.constant 1 : i32
    scf.for %scan3A_41 = %scan3A to %scan3A_11 step %scan3A_12  : i32 {
      %mul3A_42 = arith.constant 1 : i32
      %mul3A_43 = arith.muli %scan3A_41, %mul3A_42 : i32
      %add3A_44 = arith.constant 0 : i32
      %add3A_45 = arith.addi %add3A_44, %mul3A_43 : i32
      %swap3A = arith.index_cast %add3A_45 : i32 to index
      %swap3A_46 = arith.constant 0 : index
      %swap3A_47 = tpu.vector_load %arg14[%swap3A, %swap3A_46] {strides = array<i32>} : memref<200x128xf32, #tpu.memory_space<vmem>>, vector<16xf32>,
      tpu.vector_store %arg14[%swap3A, %swap3A_46], %broadcast_in_dim3A_9 {strides = array<i32>} : memref<200x128xf32, #tpu.memory_space<vmem>>, vector<16xf32>,
      %swap3A_48 = arith.index_cast %add3A_45 : i32 to index
      %swap3A_49 = arith.constant 16 : index
      %swap3A_50 = tpu.vector_load %arg14[%swap3A_48, %swap3A_49] {strides = array<i32>} : memref<200x128xf32, #tpu.memory_space<vmem>>, vector<16xf32>,
      tpu.vector_store %arg14[%swap3A_48, %swap3A_49], %broadcast_in_dim3A_9 {strides = array<i32>} : memref<200x128xf32, #tpu.memory_space<vmem>>, vector<16xf32>,
      %swap3A_51 = arith.index_cast %add3A_45 : i32 to index
      %swap3A_52 = arith.constant 32 : index
      %swap3A_53 = tpu.vector_load %arg14[%swap3A_51, %swap3A_52] {strides = array<i32>} : memref<200x128xf32, #tpu.memory_space<vmem>>, vector<16xf32>,
      tpu.vector_store %arg14[%swap3A_51, %swap3A_52], %broadcast_in_dim3A_9 {strides = array<i32>} : memref<200x128xf32, #tpu.memory_space<vmem>>, vector<16xf32>,
      %swap3A_54 = arith.index_cast %add3A_45 : i32 to index
      %swap3A_55 = arith.constant 48 : index
      %swap3A_56 = tpu.vector_load %arg14[%swap3A_54, %swap3A_55] {strides = array<i32>} : memref<200x128xf32, #tpu.memory_space<vmem>>, vector<16xf32>,
      tpu.vector_store %arg14[%swap3A_54, %swap3A_55], %broadcast_in_dim3A_9 {strides = array<i32>} : memref<200x128xf32, #tpu.memory_space<vmem>>, vector<16xf32>,
      %swap3A_57 = arith.index_cast %add3A_45 : i32 to index
      %swap3A_58 = arith.constant 64 : index
      %swap3A_59 = tpu.vector_load %arg14[%swap3A_57, %swap3A_58] {strides = array<i32>} : memref<200x128xf32, #tpu.memory_space<vmem>>, vector<16xf32>,
      tpu.vector_store %arg14[%swap3A_57, %swap3A_58], %broadcast_in_dim3A_9 {strides = array<i32>} : memref<200x128xf32, #tpu.memory_space<vmem>>, vector<16xf32>,
      %swap3A_60 = arith.index_cast %add3A_45 : i32 to index
      %swap3A_61 = arith.constant 80 : index
      %swap3A_62 = tpu.vector_load %arg14[%swap3A_60, %swap3A_61] {strides = array<i32>} : memref<200x128xf32, #tpu.memory_space<vmem>>, vector<16xf32>,
      tpu.vector_store %arg14[%swap3A_60, %swap3A_61], %broadcast_in_dim3A_9 {strides = array<i32>} : memref<200x128xf32, #tpu.memory_space<vmem>>, vector<16xf32>,
      %swap3A_63 = arith.index_cast %add3A_45 : i32 to index
      %swap3A_64 = arith.constant 96 : index
      %swap3A_65 = tpu.vector_load %arg14[%swap3A_63, %swap3A_64] {strides = array<i32>} : memref<200x128xf32, #tpu.memory_space<vmem>>, vector<16xf32>,
      tpu.vector_store %arg14[%swap3A_63, %swap3A_64], %broadcast_in_dim3A_9 {strides = array<i32>} : memref<200x128xf32, #tpu.memory_space<vmem>>, vector<16xf32>,
      %swap3A_66 = arith.index_cast %add3A_45 : i32 to index
      %swap3A_67 = arith.constant 112 : index
      %swap3A_68 = tpu.vector_load %arg14[%swap3A_66, %swap3A_67] {strides = array<i32>} : memref<200x128xf32, #tpu.memory_space<vmem>>, vector<16xf32>,
      tpu.vector_store %arg14[%swap3A_66, %swap3A_67], %broadcast_in_dim3A_9 {strides = array<i32>} : memref<200x128xf32, #tpu.memory_space<vmem>>, vector<16xf32>,
    }
    %scan3A_13 = arith.constant 200 : i32
    %mul3A_14 = arith.constant 632 : i32
    %mul3A_15 = arith.muli %arg1, %mul3A_14 : i32
    %lt3A = arith.constant 15 : i32
    %lt3A_16 = arith.cmpi slt, %arg1, %lt3A : i32
    %convert_element_type3A = arith.extui %lt3A_16 : i1 to i32
    %cond3A = arith.constant 0 : i32
    %cond3A_17 = arith.cmpi ne, %convert_element_type3A, %cond3A : i32
    scf.if %cond3A_17 {
      %add3A_41 = arith.constant 0 : i32
      %add3A_42 = arith.addi %mul3A_15, %add3A_41 : i32
      "tpu.region"() ({
        %run_scoped3A = tpu.sem_alloc : memref<!tpu.dma_semaphore, #tpu.memory_space<semaphore_mem>>
        %dma_start3A = arith.constant 0 : i32
        %dma_start3A_49 = arith.constant 0 : i32
        %dma_start3A_50 = tpu.memref_slice %arg14[%dma_start3A, %dma_start3A_49] : memref<200x128xf32, #tpu.memory_space<vmem>> -> memref<200x128xf32, #tpu.memory_space<vmem>>
        %dma_start3A_51 = arith.constant 0 : i32
        %dma_start3A_52 = tpu.memref_slice %arg8[%add3A_42, %dma_start3A_51] : memref<10000x128xf32, #tpu.memory_space<vmem_shared>> -> memref<200x128xf32, #tpu.memory_space<vmem_shared>>
        %dma_start3A_53 = arith.constant 0 : i32
        %dma_start3A_54 = tpu.memref_slice %arg8[%add3A_42, %dma_start3A_53] : memref<10000x128xf32, #tpu.memory_space<vmem_shared>> -> memref<200x128xf32, #tpu.memory_space<vmem_shared>>
        %dma_start3A_55 = arith.constant 0 : i32
        %dma_start3A_56 = arith.constant 0 : i32
        %dma_start3A_57 = tpu.memref_slice %arg14[%dma_start3A_55, %dma_start3A_56] : memref<200x128xf32, #tpu.memory_space<vmem>> -> memref<200x128xf32, #tpu.memory_space<vmem>>
        tpu.enqueue_dma source(%dma_start3A_57 : memref<200x128xf32, #tpu.memory_space<vmem>>) target(%dma_start3A_54 : memref<200x128xf32, #tpu.memory_space<vmem_shared>>) target_semaphore(%run_scoped3A : memref<!tpu.dma_semaphore, #tpu.memory_space<semaphore_mem>>)
        %dma_wait3A = arith.constant 0 : i32
        %dma_wait3A_58 = arith.constant 0 : i32
        %dma_wait3A_59 = tpu.memref_slice %arg14[%dma_wait3A, %dma_wait3A_58] : memref<200x128xf32, #tpu.memory_space<vmem>> -> memref<200x128xf32, #tpu.memory_space<vmem>>
        %dma_wait3A_60 = arith.constant 0 : i32
        %dma_wait3A_61 = tpu.memref_slice %arg8[%add3A_42, %dma_wait3A_60] : memref<10000x128xf32, #tpu.memory_space<vmem_shared>> -> memref<200x128xf32, #tpu.memory_space<vmem_shared>>
        %dma_wait3A_62 = arith.constant 0 : i32
        %dma_wait3A_63 = tpu.memref_slice %arg8[%add3A_42, %dma_wait3A_62] : memref<10000x128xf32, #tpu.memory_space<vmem_shared>> -> memref<200x128xf32, #tpu.memory_space<vmem_shared>>
        %dma_wait3A_64 = arith.constant 0 : i32
        %dma_wait3A_65 = arith.constant 0 : i32
        %dma_wait3A_66 = tpu.memref_slice %arg14[%dma_wait3A_64, %dma_wait3A_65] : memref<200x128xf32, #tpu.memory_space<vmem>> -> memref<200x128xf32, #tpu.memory_space<vmem>>
        tpu.wait_dma2 semaphore(%run_scoped3A : memref<!tpu.dma_semaphore, #tpu.memory_space<semaphore_mem>>) src(%dma_wait3A_66 : memref<200x128xf32, #tpu.memory_space<vmem>>) dst(%dma_wait3A_63 : memref<200x128xf32, #tpu.memory_space<vmem_shared>>)
        tpu.yield
      }) : () -> ()
      %add3A_43 = arith.constant 200 : i32
      %add3A_44 = arith.addi %mul3A_15, %add3A_43 : i32
      "tpu.region"() ({
        %run_scoped3A = tpu.sem_alloc : memref<!tpu.dma_semaphore, #tpu.memory_space<semaphore_mem>>
        %dma_start3A = arith.constant 0 : i32
        %dma_start3A_49 = arith.constant 0 : i32
        %dma_start3A_50 = tpu.memref_slice %arg14[%dma_start3A, %dma_start3A_49] : memref<200x128xf32, #tpu.memory_space<vmem>> -> memref<200x128xf32, #tpu.memory_space<vmem>>
        %dma_start3A_51 = arith.constant 0 : i32
        %dma_start3A_52 = tpu.memref_slice %arg8[%add3A_44, %dma_start3A_51] : memref<10000x128xf32, #tpu.memory_space<vmem_shared>> -> memref<200x128xf32, #tpu.memory_space<vmem_shared>>
        %dma_start3A_53 = arith.constant 0 : i32
        %dma_start3A_54 = tpu.memref_slice %arg8[%add3A_44, %dma_start3A_53] : memref<10000x128xf32, #tpu.memory_space<vmem_shared>> -> memref<200x128xf32, #tpu.memory_space<vmem_shared>>
        %dma_start3A_55 = arith.constant 0 : i32
        %dma_start3A_56 = arith.constant 0 : i32
        %dma_start3A_57 = tpu.memref_slice %arg14[%dma_start3A_55, %dma_start3A_56] : memref<200x128xf32, #tpu.memory_space<vmem>> -> memref<200x128xf32, #tpu.memory_space<vmem>>
        tpu.enqueue_dma source(%dma_start3A_57 : memref<200x128xf32, #tpu.memory_space<vmem>>) target(%dma_start3A_54 : memref<200x128xf32, #tpu.memory_space<vmem_shared>>) target_semaphore(%run_scoped3A : memref<!tpu.dma_semaphore, #tpu.memory_space<semaphore_mem>>)
        %dma_wait3A = arith.constant 0 : i32
        %dma_wait3A_58 = arith.constant 0 : i32
        %dma_wait3A_59 = tpu.memref_slice %arg14[%dma_wait3A, %dma_wait3A_58] : memref<200x128xf32, #tpu.memory_space<vmem>> -> memref<200x128xf32, #tpu.memory_space<vmem>>
        %dma_wait3A_60 = arith.constant 0 : i32
        %dma_wait3A_61 = tpu.memref_slice %arg8[%add3A_44, %dma_wait3A_60] : memref<10000x128xf32, #tpu.memory_space<vmem_shared>> -> memref<200x128xf32, #tpu.memory_space<vmem_shared>>
        %dma_wait3A_62 = arith.constant 0 : i32
        %dma_wait3A_63 = tpu.memref_slice %arg8[%add3A_44, %dma_wait3A_62] : memref<10000x128xf32, #tpu.memory_space<vmem_shared>> -> memref<200x128xf32, #tpu.memory_space<vmem_shared>>
        %dma_wait3A_64 = arith.constant 0 : i32
        %dma_wait3A_65 = arith.constant 0 : i32
        %dma_wait3A_66 = tpu.memref_slice %arg14[%dma_wait3A_64, %dma_wait3A_65] : memref<200x128xf32, #tpu.memory_space<vmem>> -> memref<200x128xf32, #tpu.memory_space<vmem>>
        tpu.wait_dma2 semaphore(%run_scoped3A : memref<!tpu.dma_semaphore, #tpu.memory_space<semaphore_mem>>) src(%dma_wait3A_66 : memref<200x128xf32, #tpu.memory_space<vmem>>) dst(%dma_wait3A_63 : memref<200x128xf32, #tpu.memory_space<vmem_shared>>)
        tpu.yield
      }) : () -> ()
      %add3A_45 = arith.constant 400 : i32
      %add3A_46 = arith.addi %mul3A_15, %add3A_45 : i32
      "tpu.region"() ({
        %run_scoped3A = tpu.sem_alloc : memref<!tpu.dma_semaphore, #tpu.memory_space<semaphore_mem>>
        %dma_start3A = arith.constant 0 : i32
        %dma_start3A_49 = arith.constant 0 : i32
        %dma_start3A_50 = tpu.memref_slice %arg14[%dma_start3A, %dma_start3A_49] : memref<200x128xf32, #tpu.memory_space<vmem>> -> memref<200x128xf32, #tpu.memory_space<vmem>>
        %dma_start3A_51 = arith.constant 0 : i32
        %dma_start3A_52 = tpu.memref_slice %arg8[%add3A_46, %dma_start3A_51] : memref<10000x128xf32, #tpu.memory_space<vmem_shared>> -> memref<200x128xf32, #tpu.memory_space<vmem_shared>>
        %dma_start3A_53 = arith.constant 0 : i32
        %dma_start3A_54 = tpu.memref_slice %arg8[%add3A_46, %dma_start3A_53] : memref<10000x128xf32, #tpu.memory_space<vmem_shared>> -> memref<200x128xf32, #tpu.memory_space<vmem_shared>>
        %dma_start3A_55 = arith.constant 0 : i32
        %dma_start3A_56 = arith.constant 0 : i32
        %dma_start3A_57 = tpu.memref_slice %arg14[%dma_start3A_55, %dma_start3A_56] : memref<200x128xf32, #tpu.memory_space<vmem>> -> memref<200x128xf32, #tpu.memory_space<vmem>>
        tpu.enqueue_dma source(%dma_start3A_57 : memref<200x128xf32, #tpu.memory_space<vmem>>) target(%dma_start3A_54 : memref<200x128xf32, #tpu.memory_space<vmem_shared>>) target_semaphore(%run_scoped3A : memref<!tpu.dma_semaphore, #tpu.memory_space<semaphore_mem>>)
        %dma_wait3A = arith.constant 0 : i32
        %dma_wait3A_58 = arith.constant 0 : i32
        %dma_wait3A_59 = tpu.memref_slice %arg14[%dma_wait3A, %dma_wait3A_58] : memref<200x128xf32, #tpu.memory_space<vmem>> -> memref<200x128xf32, #tpu.memory_space<vmem>>
        %dma_wait3A_60 = arith.constant 0 : i32
        %dma_wait3A_61 = tpu.memref_slice %arg8[%add3A_46, %dma_wait3A_60] : memref<10000x128xf32, #tpu.memory_space<vmem_shared>> -> memref<200x128xf32, #tpu.memory_space<vmem_shared>>
        %dma_wait3A_62 = arith.constant 0 : i32
        %dma_wait3A_63 = tpu.memref_slice %arg8[%add3A_46, %dma_wait3A_62] : memref<10000x128xf32, #tpu.memory_space<vmem_shared>> -> memref<200x128xf32, #tpu.memory_space<vmem_shared>>
        %dma_wait3A_64 = arith.constant 0 : i32
        %dma_wait3A_65 = arith.constant 0 : i32
        %dma_wait3A_66 = tpu.memref_slice %arg14[%dma_wait3A_64, %dma_wait3A_65] : memref<200x128xf32, #tpu.memory_space<vmem>> -> memref<200x128xf32, #tpu.memory_space<vmem>>
        tpu.wait_dma2 semaphore(%run_scoped3A : memref<!tpu.dma_semaphore, #tpu.memory_space<semaphore_mem>>) src(%dma_wait3A_66 : memref<200x128xf32, #tpu.memory_space<vmem>>) dst(%dma_wait3A_63 : memref<200x128xf32, #tpu.memory_space<vmem_shared>>)
        tpu.yield
      }) : () -> ()
      %add3A_47 = arith.constant 600 : i32
      %add3A_48 = arith.addi %mul3A_15, %add3A_47 : i32
      "tpu.region"() ({
        %run_scoped3A = tpu.sem_alloc : memref<!tpu.dma_semaphore, #tpu.memory_space<semaphore_mem>>
        %dma_start3A = arith.constant 0 : i32
        %dma_start3A_49 = arith.constant 0 : i32
        %dma_start3A_50 = tpu.memref_slice %arg14[%dma_start3A, %dma_start3A_49] : memref<200x128xf32, #tpu.memory_space<vmem>> -> memref<32x128xf32, #tpu.memory_space<vmem>>
        %dma_start3A_51 = arith.constant 0 : i32
        %dma_start3A_52 = tpu.memref_slice %arg8[%add3A_48, %dma_start3A_51] : memref<10000x128xf32, #tpu.memory_space<vmem_shared>> -> memref<32x128xf32, #tpu.memory_space<vmem_shared>>
        %dma_start3A_53 = arith.constant 0 : i32
        %dma_start3A_54 = tpu.memref_slice %arg8[%add3A_48, %dma_start3A_53] : memref<10000x128xf32, #tpu.memory_space<vmem_shared>> -> memref<32x128xf32, #tpu.memory_space<vmem_shared>>
        %dma_start3A_55 = arith.constant 0 : i32
        %dma_start3A_56 = arith.constant 0 : i32
        %dma_start3A_57 = tpu.memref_slice %arg14[%dma_start3A_55, %dma_start3A_56] : memref<200x128xf32, #tpu.memory_space<vmem>> -> memref<32x128xf32, #tpu.memory_space<vmem>>
        tpu.enqueue_dma source(%dma_start3A_57 : memref<32x128xf32, #tpu.memory_space<vmem>>) target(%dma_start3A_54 : memref<32x128xf32, #tpu.memory_space<vmem_shared>>) target_semaphore(%run_scoped3A : memref<!tpu.dma_semaphore, #tpu.memory_space<semaphore_mem>>)
        %dma_wait3A = arith.constant 0 : i32
        %dma_wait3A_58 = arith.constant 0 : i32
        %dma_wait3A_59 = tpu.memref_slice %arg14[%dma_wait3A, %dma_wait3A_58] : memref<200x128xf32, #tpu.memory_space<vmem>> -> memref<32x128xf32, #tpu.memory_space<vmem>>
        %dma_wait3A_60 = arith.constant 0 : i32
        %dma_wait3A_61 = tpu.memref_slice %arg8[%add3A_48, %dma_wait3A_60] : memref<10000x128xf32, #tpu.memory_space<vmem_shared>> -> memref<32x128xf32, #tpu.memory_space<vmem_shared>>
        %dma_wait3A_62 = arith.constant 0 : i32
        %dma_wait3A_63 = tpu.memref_slice %arg8[%add3A_48, %dma_wait3A_62] : memref<10000x128xf32, #tpu.memory_space<vmem_shared>> -> memref<32x128xf32, #tpu.memory_space<vmem_shared>>
        %dma_wait3A_64 = arith.constant 0 : i32
        %dma_wait3A_65 = arith.constant 0 : i32
        %dma_wait3A_66 = tpu.memref_slice %arg14[%dma_wait3A_64, %dma_wait3A_65] : memref<200x128xf32, #tpu.memory_space<vmem>> -> memref<32x128xf32, #tpu.memory_space<vmem>>
        tpu.wait_dma2 semaphore(%run_scoped3A : memref<!tpu.dma_semaphore, #tpu.memory_space<semaphore_mem>>) src(%dma_wait3A_66 : memref<32x128xf32, #tpu.memory_space<vmem>>) dst(%dma_wait3A_63 : memref<32x128xf32, #tpu.memory_space<vmem_shared>>)
        tpu.yield
      }) : () -> ()
    } else {
    }
    %eq3A_18 = arith.constant 15 : i32
    %eq3A_19 = arith.cmpi eq, %arg1, %eq3A_18 : i32
    %convert_element_type3A_20 = arith.extui %eq3A_19 : i1 to i32
    %cond3A_21 = arith.constant 0 : i32
    %cond3A_22 = arith.cmpi ne, %convert_element_type3A_20, %cond3A_21 : i32
    scf.if %cond3A_22 {
      %add3A_41 = arith.constant 0 : i32
      %add3A_42 = arith.addi %mul3A_15, %add3A_41 : i32
      "tpu.region"() ({
        %run_scoped3A = tpu.sem_alloc : memref<!tpu.dma_semaphore, #tpu.memory_space<semaphore_mem>>
        %dma_start3A = arith.constant 0 : i32
        %dma_start3A_47 = arith.constant 0 : i32
        %dma_start3A_48 = tpu.memref_slice %arg14[%dma_start3A, %dma_start3A_47] : memref<200x128xf32, #tpu.memory_space<vmem>> -> memref<200x128xf32, #tpu.memory_space<vmem>>
        %dma_start3A_49 = arith.constant 0 : i32
        %dma_start3A_50 = tpu.memref_slice %arg8[%add3A_42, %dma_start3A_49] : memref<10000x128xf32, #tpu.memory_space<vmem_shared>> -> memref<200x128xf32, #tpu.memory_space<vmem_shared>>
        %dma_start3A_51 = arith.constant 0 : i32
        %dma_start3A_52 = tpu.memref_slice %arg8[%add3A_42, %dma_start3A_51] : memref<10000x128xf32, #tpu.memory_space<vmem_shared>> -> memref<200x128xf32, #tpu.memory_space<vmem_shared>>
        %dma_start3A_53 = arith.constant 0 : i32
        %dma_start3A_54 = arith.constant 0 : i32
        %dma_start3A_55 = tpu.memref_slice %arg14[%dma_start3A_53, %dma_start3A_54] : memref<200x128xf32, #tpu.memory_space<vmem>> -> memref<200x128xf32, #tpu.memory_space<vmem>>
        tpu.enqueue_dma source(%dma_start3A_55 : memref<200x128xf32, #tpu.memory_space<vmem>>) target(%dma_start3A_52 : memref<200x128xf32, #tpu.memory_space<vmem_shared>>) target_semaphore(%run_scoped3A : memref<!tpu.dma_semaphore, #tpu.memory_space<semaphore_mem>>)
        %dma_wait3A = arith.constant 0 : i32
        %dma_wait3A_56 = arith.constant 0 : i32
        %dma_wait3A_57 = tpu.memref_slice %arg14[%dma_wait3A, %dma_wait3A_56] : memref<200x128xf32, #tpu.memory_space<vmem>> -> memref<200x128xf32, #tpu.memory_space<vmem>>
        %dma_wait3A_58 = arith.constant 0 : i32
        %dma_wait3A_59 = tpu.memref_slice %arg8[%add3A_42, %dma_wait3A_58] : memref<10000x128xf32, #tpu.memory_space<vmem_shared>> -> memref<200x128xf32, #tpu.memory_space<vmem_shared>>
        %dma_wait3A_60 = arith.constant 0 : i32
        %dma_wait3A_61 = tpu.memref_slice %arg8[%add3A_42, %dma_wait3A_60] : memref<10000x128xf32, #tpu.memory_space<vmem_shared>> -> memref<200x128xf32, #tpu.memory_space<vmem_shared>>
        %dma_wait3A_62 = arith.constant 0 : i32
        %dma_wait3A_63 = arith.constant 0 : i32
        %dma_wait3A_64 = tpu.memref_slice %arg14[%dma_wait3A_62, %dma_wait3A_63] : memref<200x128xf32, #tpu.memory_space<vmem>> -> memref<200x128xf32, #tpu.memory_space<vmem>>
        tpu.wait_dma2 semaphore(%run_scoped3A : memref<!tpu.dma_semaphore, #tpu.memory_space<semaphore_mem>>) src(%dma_wait3A_64 : memref<200x128xf32, #tpu.memory_space<vmem>>) dst(%dma_wait3A_61 : memref<200x128xf32, #tpu.memory_space<vmem_shared>>)
        tpu.yield
      }) : () -> ()
      %add3A_43 = arith.constant 200 : i32
      %add3A_44 = arith.addi %mul3A_15, %add3A_43 : i32
      "tpu.region"() ({
        %run_scoped3A = tpu.sem_alloc : memref<!tpu.dma_semaphore, #tpu.memory_space<semaphore_mem>>
        %dma_start3A = arith.constant 0 : i32
        %dma_start3A_47 = arith.constant 0 : i32
        %dma_start3A_48 = tpu.memref_slice %arg14[%dma_start3A, %dma_start3A_47] : memref<200x128xf32, #tpu.memory_space<vmem>> -> memref<200x128xf32, #tpu.memory_space<vmem>>
        %dma_start3A_49 = arith.constant 0 : i32
        %dma_start3A_50 = tpu.memref_slice %arg8[%add3A_44, %dma_start3A_49] : memref<10000x128xf32, #tpu.memory_space<vmem_shared>> -> memref<200x128xf32, #tpu.memory_space<vmem_shared>>
        %dma_start3A_51 = arith.constant 0 : i32
        %dma_start3A_52 = tpu.memref_slice %arg8[%add3A_44, %dma_start3A_51] : memref<10000x128xf32, #tpu.memory_space<vmem_shared>> -> memref<200x128xf32, #tpu.memory_space<vmem_shared>>
        %dma_start3A_53 = arith.constant 0 : i32
        %dma_start3A_54 = arith.constant 0 : i32
        %dma_start3A_55 = tpu.memref_slice %arg14[%dma_start3A_53, %dma_start3A_54] : memref<200x128xf32, #tpu.memory_space<vmem>> -> memref<200x128xf32, #tpu.memory_space<vmem>>
        tpu.enqueue_dma source(%dma_start3A_55 : memref<200x128xf32, #tpu.memory_space<vmem>>) target(%dma_start3A_52 : memref<200x128xf32, #tpu.memory_space<vmem_shared>>) target_semaphore(%run_scoped3A : memref<!tpu.dma_semaphore, #tpu.memory_space<semaphore_mem>>)
        %dma_wait3A = arith.constant 0 : i32
        %dma_wait3A_56 = arith.constant 0 : i32
        %dma_wait3A_57 = tpu.memref_slice %arg14[%dma_wait3A, %dma_wait3A_56] : memref<200x128xf32, #tpu.memory_space<vmem>> -> memref<200x128xf32, #tpu.memory_space<vmem>>
        %dma_wait3A_58 = arith.constant 0 : i32
        %dma_wait3A_59 = tpu.memref_slice %arg8[%add3A_44, %dma_wait3A_58] : memref<10000x128xf32, #tpu.memory_space<vmem_shared>> -> memref<200x128xf32, #tpu.memory_space<vmem_shared>>
        %dma_wait3A_60 = arith.constant 0 : i32
        %dma_wait3A_61 = tpu.memref_slice %arg8[%add3A_44, %dma_wait3A_60] : memref<10000x128xf32, #tpu.memory_space<vmem_shared>> -> memref<200x128xf32, #tpu.memory_space<vmem_shared>>
        %dma_wait3A_62 = arith.constant 0 : i32
        %dma_wait3A_63 = arith.constant 0 : i32
        %dma_wait3A_64 = tpu.memref_slice %arg14[%dma_wait3A_62, %dma_wait3A_63] : memref<200x128xf32, #tpu.memory_space<vmem>> -> memref<200x128xf32, #tpu.memory_space<vmem>>
        tpu.wait_dma2 semaphore(%run_scoped3A : memref<!tpu.dma_semaphore, #tpu.memory_space<semaphore_mem>>) src(%dma_wait3A_64 : memref<200x128xf32, #tpu.memory_space<vmem>>) dst(%dma_wait3A_61 : memref<200x128xf32, #tpu.memory_space<vmem_shared>>)
        tpu.yield
      }) : () -> ()
      %add3A_45 = arith.constant 400 : i32
      %add3A_46 = arith.addi %mul3A_15, %add3A_45 : i32
      "tpu.region"() ({
        %run_scoped3A = tpu.sem_alloc : memref<!tpu.dma_semaphore, #tpu.memory_space<semaphore_mem>>
        %dma_start3A = arith.constant 0 : i32
        %dma_start3A_47 = arith.constant 0 : i32
        %dma_start3A_48 = tpu.memref_slice %arg14[%dma_start3A, %dma_start3A_47] : memref<200x128xf32, #tpu.memory_space<vmem>> -> memref<120x128xf32, #tpu.memory_space<vmem>>
        %dma_start3A_49 = arith.constant 0 : i32
        %dma_start3A_50 = tpu.memref_slice %arg8[%add3A_46, %dma_start3A_49] : memref<10000x128xf32, #tpu.memory_space<vmem_shared>> -> memref<120x128xf32, #tpu.memory_space<vmem_shared>>
        %dma_start3A_51 = arith.constant 0 : i32
        %dma_start3A_52 = tpu.memref_slice %arg8[%add3A_46, %dma_start3A_51] : memref<10000x128xf32, #tpu.memory_space<vmem_shared>> -> memref<120x128xf32, #tpu.memory_space<vmem_shared>>
        %dma_start3A_53 = arith.constant 0 : i32
        %dma_start3A_54 = arith.constant 0 : i32
        %dma_start3A_55 = tpu.memref_slice %arg14[%dma_start3A_53, %dma_start3A_54] : memref<200x128xf32, #tpu.memory_space<vmem>> -> memref<120x128xf32, #tpu.memory_space<vmem>>
        tpu.enqueue_dma source(%dma_start3A_55 : memref<120x128xf32, #tpu.memory_space<vmem>>) target(%dma_start3A_52 : memref<120x128xf32, #tpu.memory_space<vmem_shared>>) target_semaphore(%run_scoped3A : memref<!tpu.dma_semaphore, #tpu.memory_space<semaphore_mem>>)
        %dma_wait3A = arith.constant 0 : i32
        %dma_wait3A_56 = arith.constant 0 : i32
        %dma_wait3A_57 = tpu.memref_slice %arg14[%dma_wait3A, %dma_wait3A_56] : memref<200x128xf32, #tpu.memory_space<vmem>> -> memref<120x128xf32, #tpu.memory_space<vmem>>
        %dma_wait3A_58 = arith.constant 0 : i32
        %dma_wait3A_59 = tpu.memref_slice %arg8[%add3A_46, %dma_wait3A_58] : memref<10000x128xf32, #tpu.memory_space<vmem_shared>> -> memref<120x128xf32, #tpu.memory_space<vmem_shared>>
        %dma_wait3A_60 = arith.constant 0 : i32
        %dma_wait3A_61 = tpu.memref_slice %arg8[%add3A_46, %dma_wait3A_60] : memref<10000x128xf32, #tpu.memory_space<vmem_shared>> -> memref<120x128xf32, #tpu.memory_space<vmem_shared>>
        %dma_wait3A_62 = arith.constant 0 : i32
        %dma_wait3A_63 = arith.constant 0 : i32
        %dma_wait3A_64 = tpu.memref_slice %arg14[%dma_wait3A_62, %dma_wait3A_63] : memref<200x128xf32, #tpu.memory_space<vmem>> -> memref<120x128xf32, #tpu.memory_space<vmem>>
        tpu.wait_dma2 semaphore(%run_scoped3A : memref<!tpu.dma_semaphore, #tpu.memory_space<semaphore_mem>>) src(%dma_wait3A_64 : memref<120x128xf32, #tpu.memory_space<vmem>>) dst(%dma_wait3A_61 : memref<120x128xf32, #tpu.memory_space<vmem_shared>>)
        tpu.yield
      }) : () -> ()
    } else {
    }
    %barrier3A = arith.constant 0 : index
    tpu.barrier barrier_id(%barrier3A)
    %scan3A_23 = arith.constant 0 : i32
    %scan3A_24 = arith.constant 50 : i32
    %scan3A_25 = arith.addi %scan3A_23, %scan3A_24 : i32
    %scan3A_26 = arith.constant 1 : i32
    scf.for %scan3A_41 = %scan3A_23 to %scan3A_25 step %scan3A_26  : i32 {
      %mul3A_42 = arith.constant 200 : i32
      %mul3A_43 = arith.muli %scan3A_41, %mul3A_42 : i32
      %add3A_44 = arith.constant 0 : i32
      %add3A_45 = arith.addi %add3A_44, %mul3A_43 : i32
      %mul3A_46 = arith.constant 10000 : i32
      %mul3A_47 = arith.muli %add3A, %mul3A_46 : i32
      %add3A_48 = arith.addi %mul3A_47, %add3A_45 : i32
      "tpu.region"() ({
        %run_scoped3A = tpu.sem_alloc : memref<!tpu.dma_semaphore, #tpu.memory_space<semaphore_mem>>
        %dma_start3A = tpu.memref_slice %arg2[%add3A_48] : memref<320000xi32, #tpu.memory_space<hbm>> -> memref<200xi32, #tpu.memory_space<hbm>>
        %dma_start3A_56 = tpu.memref_slice %arg2[%add3A_48] : memref<320000xi32, #tpu.memory_space<hbm>> -> memref<200xi32, #tpu.memory_space<hbm>>
        tpu.enqueue_dma source(%dma_start3A_56 : memref<200xi32, #tpu.memory_space<hbm>>) target(%arg9 : memref<200xi32, #tpu.memory_space<vmem>>) target_semaphore(%run_scoped3A : memref<!tpu.dma_semaphore, #tpu.memory_space<semaphore_mem>>)
        %dma_wait3A = tpu.memref_slice %arg2[%add3A_48] : memref<320000xi32, #tpu.memory_space<hbm>> -> memref<200xi32, #tpu.memory_space<hbm>>
        %dma_wait3A_57 = tpu.memref_slice %arg2[%add3A_48] : memref<320000xi32, #tpu.memory_space<hbm>> -> memref<200xi32, #tpu.memory_space<hbm>>
        tpu.wait_dma2 semaphore(%run_scoped3A : memref<!tpu.dma_semaphore, #tpu.memory_space<semaphore_mem>>) src(%dma_wait3A_57 : memref<200xi32, #tpu.memory_space<hbm>>) dst(%arg9 : memref<200xi32, #tpu.memory_space<vmem>>)
        tpu.yield
      }) : () -> ()
      "tpu.region"() ({
        %run_scoped3A = tpu.sem_alloc : memref<!tpu.dma_semaphore, #tpu.memory_space<semaphore_mem>>
        %dma_start3A = tpu.memref_slice %arg3[%add3A_48] : memref<320000xf32, #tpu.memory_space<hbm>> -> memref<200xf32, #tpu.memory_space<hbm>>
        %dma_start3A_56 = tpu.memref_slice %arg3[%add3A_48] : memref<320000xf32, #tpu.memory_space<hbm>> -> memref<200xf32, #tpu.memory_space<hbm>>
        tpu.enqueue_dma source(%dma_start3A_56 : memref<200xf32, #tpu.memory_space<hbm>>) target(%arg10 : memref<200xf32, #tpu.memory_space<vmem>>) target_semaphore(%run_scoped3A : memref<!tpu.dma_semaphore, #tpu.memory_space<semaphore_mem>>)
        %dma_wait3A = tpu.memref_slice %arg3[%add3A_48] : memref<320000xf32, #tpu.memory_space<hbm>> -> memref<200xf32, #tpu.memory_space<hbm>>
        %dma_wait3A_57 = tpu.memref_slice %arg3[%add3A_48] : memref<320000xf32, #tpu.memory_space<hbm>> -> memref<200xf32, #tpu.memory_space<hbm>>
        tpu.wait_dma2 semaphore(%run_scoped3A : memref<!tpu.dma_semaphore, #tpu.memory_space<semaphore_mem>>) src(%dma_wait3A_57 : memref<200xf32, #tpu.memory_space<hbm>>) dst(%arg10 : memref<200xf32, #tpu.memory_space<vmem>>)
        tpu.yield
      }) : () -> ()
      "tpu.region"() ({
        %run_scoped3A = tpu.sem_alloc : memref<!tpu.dma_semaphore, #tpu.memory_space<semaphore_mem>>
        %dma_start3A = tpu.memref_slice %arg4[%add3A_48] : memref<320000xf32, #tpu.memory_space<hbm>> -> memref<200xf32, #tpu.memory_space<hbm>>
        %dma_start3A_56 = tpu.memref_slice %arg4[%add3A_48] : memref<320000xf32, #tpu.memory_space<hbm>> -> memref<200xf32, #tpu.memory_space<hbm>>
        tpu.enqueue_dma source(%dma_start3A_56 : memref<200xf32, #tpu.memory_space<hbm>>) target(%arg11 : memref<200xf32, #tpu.memory_space<vmem>>) target_semaphore(%run_scoped3A : memref<!tpu.dma_semaphore, #tpu.memory_space<semaphore_mem>>)
        %dma_wait3A = tpu.memref_slice %arg4[%add3A_48] : memref<320000xf32, #tpu.memory_space<hbm>> -> memref<200xf32, #tpu.memory_space<hbm>>
        %dma_wait3A_57 = tpu.memref_slice %arg4[%add3A_48] : memref<320000xf32, #tpu.memory_space<hbm>> -> memref<200xf32, #tpu.memory_space<hbm>>
        tpu.wait_dma2 semaphore(%run_scoped3A : memref<!tpu.dma_semaphore, #tpu.memory_space<semaphore_mem>>) src(%dma_wait3A_57 : memref<200xf32, #tpu.memory_space<hbm>>) dst(%arg11 : memref<200xf32, #tpu.memory_space<vmem>>)
        tpu.yield
      }) : () -> ()
      %mul3A_49 = arith.constant 16 : i32
      %mul3A_50 = arith.muli %mul3A_49, %add3A_48 : i32
      "tpu.region"() ({
        %run_scoped3A = tpu.sem_alloc : memref<!tpu.dma_semaphore, #tpu.memory_space<semaphore_mem>>
        %dma_start3A = tpu.memref_slice %arg5[%mul3A_50] : memref<5120000xf32, #tpu.memory_space<hbm>> -> memref<3200xf32, #tpu.memory_space<hbm>>
        %dma_start3A_56 = tpu.memref_slice %arg5[%mul3A_50] : memref<5120000xf32, #tpu.memory_space<hbm>> -> memref<3200xf32, #tpu.memory_space<hbm>>
        tpu.enqueue_dma source(%dma_start3A_56 : memref<3200xf32, #tpu.memory_space<hbm>>) target(%arg12 : memref<3200xf32, #tpu.memory_space<vmem>>) target_semaphore(%run_scoped3A : memref<!tpu.dma_semaphore, #tpu.memory_space<semaphore_mem>>)
        %dma_wait3A = tpu.memref_slice %arg5[%mul3A_50] : memref<5120000xf32, #tpu.memory_space<hbm>> -> memref<3200xf32, #tpu.memory_space<hbm>>
        %dma_wait3A_57 = tpu.memref_slice %arg5[%mul3A_50] : memref<5120000xf32, #tpu.memory_space<hbm>> -> memref<3200xf32, #tpu.memory_space<hbm>>
        tpu.wait_dma2 semaphore(%run_scoped3A : memref<!tpu.dma_semaphore, #tpu.memory_space<semaphore_mem>>) src(%dma_wait3A_57 : memref<3200xf32, #tpu.memory_space<hbm>>) dst(%arg12 : memref<3200xf32, #tpu.memory_space<vmem>>)
        tpu.yield
      }) : () -> ()
      %scan3A_51 = arith.constant 0 : i32
      %scan3A_52 = arith.constant 200 : i32
      %scan3A_53 = arith.addi %scan3A_51, %scan3A_52 : i32
      %scan3A_54 = arith.constant 1 : i32
      scf.for %scan3A_56 = %scan3A_51 to %scan3A_53 step %scan3A_54  : i32 {
        %mul3A_57 = arith.constant 1 : i32
        %mul3A_58 = arith.muli %scan3A_56, %mul3A_57 : i32
        %add3A_59 = arith.constant 0 : i32
        %add3A_60 = arith.addi %add3A_59, %mul3A_58 : i32
        %broadcast_in_dim3A_61 = vector.broadcast %add3A_60 : i32 to vector<16xi32>
        %gather3A = tpu.vector_load_idx %arg10[%broadcast_in_dim3A_61] : memref<200xf32, #tpu.memory_space<vmem>>[vector<16xi32>], vector<16xf32>,
        %gather3A_62 = tpu.vector_load_idx %arg11[%broadcast_in_dim3A_61] : memref<200xf32, #tpu.memory_space<vmem>>[vector<16xi32>], vector<16xf32>,
        %max3A = arith.constant 0.000000e+00 : f32
        %max3A_63 = vector.broadcast %max3A : f32 to vector<16xf32>
        %max3A_64 = arith.maximumf %gather3A_62, %max3A_63 : vector<16xf32>
        %mul3A_65 = arith.constant 16 : i32
        %mul3A_66 = arith.muli %mul3A_65, %add3A_60 : i32
        %get3A_67 = arith.index_cast %mul3A_66 : i32 to index
        %get3A_68 = tpu.vector_load %arg12[%get3A_67] {strides = array<i32>} : memref<3200xf32, #tpu.memory_space<vmem>>, vector<16xf32>,
        %mul3A_69 = arith.mulf %get3A_68, %gather3A : vector<16xf32>
        %swap3A = arith.index_cast %add3A_60 : i32 to index
        %swap3A_70 = arith.constant 0 : index
        %swap3A_71 = tpu.vector_load %arg14[%swap3A, %swap3A_70] {strides = array<i32>} : memref<200x128xf32, #tpu.memory_space<vmem>>, vector<16xf32>,
        tpu.vector_store %arg14[%swap3A, %swap3A_70], %mul3A_69 {strides = array<i32>} : memref<200x128xf32, #tpu.memory_space<vmem>>, vector<16xf32>,
        %mul3A_72 = arith.mulf %max3A_64, %neg3A_7 : vector<16xf32>
        %exp3A = math.exp %mul3A_72 : vector<16xf32>
        %mul3A_73 = arith.mulf %exp3A, %gather3A : vector<16xf32>
        %swap3A_74 = arith.index_cast %add3A_60 : i32 to index
        %swap3A_75 = arith.constant 16 : index
        %swap3A_76 = tpu.vector_load %arg14[%swap3A_74, %swap3A_75] {strides = array<i32>} : memref<200x128xf32, #tpu.memory_space<vmem>>, vector<16xf32>,
        tpu.vector_store %arg14[%swap3A_74, %swap3A_75], %mul3A_73 {strides = array<i32>} : memref<200x128xf32, #tpu.memory_space<vmem>>, vector<16xf32>,
        %mul3A_77 = arith.mulf %select_n3A, %gather3A : vector<16xf32>
        %swap3A_78 = arith.index_cast %add3A_60 : i32 to index
        %swap3A_79 = arith.constant 32 : index
        %swap3A_80 = tpu.vector_load %arg14[%swap3A_78, %swap3A_79] {strides = array<i32>} : memref<200x128xf32, #tpu.memory_space<vmem>>, vector<16xf32>,
        tpu.vector_store %arg14[%swap3A_78, %swap3A_79], %mul3A_77 {strides = array<i32>} : memref<200x128xf32, #tpu.memory_space<vmem>>, vector<16xf32>,
      }
      %scan3A_55 = arith.constant 200 : i32
      "tpu.region"() ({
        %run_scoped3A = tpu.sem_alloc : memref<!tpu.dma_semaphore, #tpu.memory_space<semaphore_mem>>
        %dma_start3A = arith.constant 0 : i32
        %dma_start3A_56 = arith.constant 0 : i32
        %dma_start3A_57 = tpu.memref_slice %arg8[%dma_start3A, %dma_start3A_56] : memref<10000x128xf32, #tpu.memory_space<vmem_shared>> -> memref<10000x128xf32, #tpu.memory_space<vmem_shared>>
        tpu.enqueue_indirect_dma source(%arg14 : memref<200x128xf32, #tpu.memory_space<vmem>>) target(%dma_start3A_57 : memref<10000x128xf32, #tpu.memory_space<vmem_shared>>) offsets(%arg9 : memref<200xi32, #tpu.memory_space<vmem>>) semaphore(%run_scoped3A : memref<!tpu.dma_semaphore, #tpu.memory_space<semaphore_mem>>) {add = true}
        %dma_wait3A = arith.constant 0 : i32
        %dma_wait3A_58 = arith.constant 0 : i32
        %dma_wait3A_59 = tpu.memref_slice %arg8[%dma_wait3A, %dma_wait3A_58] : memref<10000x128xf32, #tpu.memory_space<vmem_shared>> -> memref<10000x128xf32, #tpu.memory_space<vmem_shared>>
        tpu.wait_indirect_dma semaphore(%run_scoped3A : memref<!tpu.dma_semaphore, #tpu.memory_space<semaphore_mem>>) src(%arg14 : memref<200x128xf32, #tpu.memory_space<vmem>>) dst(%dma_wait3A_59 : memref<10000x128xf32, #tpu.memory_space<vmem_shared>>)
        tpu.yield
      }) : () -> ()
    }
    %scan3A_27 = arith.constant 50 : i32
    %barrier3A_28 = arith.constant 0 : index
    tpu.barrier barrier_id(%barrier3A_28)
    %mul3A_29 = arith.constant 632 : i32
    %mul3A_30 = arith.muli %arg1, %mul3A_29 : i32
    %lt3A_31 = arith.constant 15 : i32
    %lt3A_32 = arith.cmpi slt, %arg1, %lt3A_31 : i32
    %convert_element_type3A_33 = arith.extui %lt3A_32 : i1 to i32
    %cond3A_34 = arith.constant 0 : i32
    %cond3A_35 = arith.cmpi ne, %convert_element_type3A_33, %cond3A_34 : i32
    scf.if %cond3A_35 {
      %add3A_41 = arith.constant 0 : i32
      %add3A_42 = arith.addi %mul3A_30, %add3A_41 : i32
      %add3A_43 = arith.constant 0 : i32
      %add3A_44 = arith.addi %mul3A_30, %add3A_43 : i32
      "tpu.region"() ({
        %run_scoped3A = tpu.sem_alloc : memref<!tpu.dma_semaphore, #tpu.memory_space<semaphore_mem>>
        %dma_start3A = arith.constant 0 : i32
        %dma_start3A_57 = tpu.memref_slice %arg7[%arg0, %add3A_44, %dma_start3A] : memref<2x10000x128xf32, #tpu.memory_space<hbm>> -> memref<1x200x128xf32, #tpu.memory_space<hbm>>
        %dma_start3A_58 = tpu.memref_squeeze %dma_start3A_57 : memref<1x200x128xf32, #tpu.memory_space<hbm>> -> memref<200x128xf32, #tpu.memory_space<hbm>>
        %dma_start3A_59 = arith.constant 0 : i32
        %dma_start3A_60 = tpu.memref_slice %arg8[%add3A_42, %dma_start3A_59] : memref<10000x128xf32, #tpu.memory_space<vmem_shared>> -> memref<200x128xf32, #tpu.memory_space<vmem_shared>>
        tpu.enqueue_dma source(%dma_start3A_60 : memref<200x128xf32, #tpu.memory_space<vmem_shared>>) target(%dma_start3A_58 : memref<200x128xf32, #tpu.memory_space<hbm>>) target_semaphore(%run_scoped3A : memref<!tpu.dma_semaphore, #tpu.memory_space<semaphore_mem>>)
        %dma_wait3A = arith.constant 0 : i32
        %dma_wait3A_61 = tpu.memref_slice %arg7[%arg0, %add3A_44, %dma_wait3A] : memref<2x10000x128xf32, #tpu.memory_space<hbm>> -> memref<1x200x128xf32, #tpu.memory_space<hbm>>
        %dma_wait3A_62 = tpu.memref_squeeze %dma_wait3A_61 : memref<1x200x128xf32, #tpu.memory_space<hbm>> -> memref<200x128xf32, #tpu.memory_space<hbm>>
        %dma_wait3A_63 = arith.constant 0 : i32
        %dma_wait3A_64 = tpu.memref_slice %arg8[%add3A_42, %dma_wait3A_63] : memref<10000x128xf32, #tpu.memory_space<vmem_shared>> -> memref<200x128xf32, #tpu.memory_space<vmem_shared>>
        tpu.wait_dma2 semaphore(%run_scoped3A : memref<!tpu.dma_semaphore, #tpu.memory_space<semaphore_mem>>) src(%dma_wait3A_64 : memref<200x128xf32, #tpu.memory_space<vmem_shared>>) dst(%dma_wait3A_62 : memref<200x128xf32, #tpu.memory_space<hbm>>)
        tpu.yield
      }) : () -> ()
      %add3A_45 = arith.constant 200 : i32
      %add3A_46 = arith.addi %mul3A_30, %add3A_45 : i32
      %add3A_47 = arith.constant 200 : i32
      %add3A_48 = arith.addi %mul3A_30, %add3A_47 : i32
      "tpu.region"() ({
        %run_scoped3A = tpu.sem_alloc : memref<!tpu.dma_semaphore, #tpu.memory_space<semaphore_mem>>
        %dma_start3A = arith.constant 0 : i32
        %dma_start3A_57 = tpu.memref_slice %arg7[%arg0, %add3A_48, %dma_start3A] : memref<2x10000x128xf32, #tpu.memory_space<hbm>> -> memref<1x200x128xf32, #tpu.memory_space<hbm>>
        %dma_start3A_58 = tpu.memref_squeeze %dma_start3A_57 : memref<1x200x128xf32, #tpu.memory_space<hbm>> -> memref<200x128xf32, #tpu.memory_space<hbm>>
        %dma_start3A_59 = arith.constant 0 : i32
        %dma_start3A_60 = tpu.memref_slice %arg8[%add3A_46, %dma_start3A_59] : memref<10000x128xf32, #tpu.memory_space<vmem_shared>> -> memref<200x128xf32, #tpu.memory_space<vmem_shared>>
        tpu.enqueue_dma source(%dma_start3A_60 : memref<200x128xf32, #tpu.memory_space<vmem_shared>>) target(%dma_start3A_58 : memref<200x128xf32, #tpu.memory_space<hbm>>) target_semaphore(%run_scoped3A : memref<!tpu.dma_semaphore, #tpu.memory_space<semaphore_mem>>)
        %dma_wait3A = arith.constant 0 : i32
        %dma_wait3A_61 = tpu.memref_slice %arg7[%arg0, %add3A_48, %dma_wait3A] : memref<2x10000x128xf32, #tpu.memory_space<hbm>> -> memref<1x200x128xf32, #tpu.memory_space<hbm>>
        %dma_wait3A_62 = tpu.memref_squeeze %dma_wait3A_61 : memref<1x200x128xf32, #tpu.memory_space<hbm>> -> memref<200x128xf32, #tpu.memory_space<hbm>>
        %dma_wait3A_63 = arith.constant 0 : i32
        %dma_wait3A_64 = tpu.memref_slice %arg8[%add3A_46, %dma_wait3A_63] : memref<10000x128xf32, #tpu.memory_space<vmem_shared>> -> memref<200x128xf32, #tpu.memory_space<vmem_shared>>
        tpu.wait_dma2 semaphore(%run_scoped3A : memref<!tpu.dma_semaphore, #tpu.memory_space<semaphore_mem>>) src(%dma_wait3A_64 : memref<200x128xf32, #tpu.memory_space<vmem_shared>>) dst(%dma_wait3A_62 : memref<200x128xf32, #tpu.memory_space<hbm>>)
        tpu.yield
      }) : () -> ()
      %add3A_49 = arith.constant 400 : i32
      %add3A_50 = arith.addi %mul3A_30, %add3A_49 : i32
      %add3A_51 = arith.constant 400 : i32
      %add3A_52 = arith.addi %mul3A_30, %add3A_51 : i32
      "tpu.region"() ({
        %run_scoped3A = tpu.sem_alloc : memref<!tpu.dma_semaphore, #tpu.memory_space<semaphore_mem>>
        %dma_start3A = arith.constant 0 : i32
        %dma_start3A_57 = tpu.memref_slice %arg7[%arg0, %add3A_52, %dma_start3A] : memref<2x10000x128xf32, #tpu.memory_space<hbm>> -> memref<1x200x128xf32, #tpu.memory_space<hbm>>
        %dma_start3A_58 = tpu.memref_squeeze %dma_start3A_57 : memref<1x200x128xf32, #tpu.memory_space<hbm>> -> memref<200x128xf32, #tpu.memory_space<hbm>>
        %dma_start3A_59 = arith.constant 0 : i32
        %dma_start3A_60 = tpu.memref_slice %arg8[%add3A_50, %dma_start3A_59] : memref<10000x128xf32, #tpu.memory_space<vmem_shared>> -> memref<200x128xf32, #tpu.memory_space<vmem_shared>>
        tpu.enqueue_dma source(%dma_start3A_60 : memref<200x128xf32, #tpu.memory_space<vmem_shared>>) target(%dma_start3A_58 : memref<200x128xf32, #tpu.memory_space<hbm>>) target_semaphore(%run_scoped3A : memref<!tpu.dma_semaphore, #tpu.memory_space<semaphore_mem>>)
        %dma_wait3A = arith.constant 0 : i32
        %dma_wait3A_61 = tpu.memref_slice %arg7[%arg0, %add3A_52, %dma_wait3A] : memref<2x10000x128xf32, #tpu.memory_space<hbm>> -> memref<1x200x128xf32, #tpu.memory_space<hbm>>
        %dma_wait3A_62 = tpu.memref_squeeze %dma_wait3A_61 : memref<1x200x128xf32, #tpu.memory_space<hbm>> -> memref<200x128xf32, #tpu.memory_space<hbm>>
        %dma_wait3A_63 = arith.constant 0 : i32
        %dma_wait3A_64 = tpu.memref_slice %arg8[%add3A_50, %dma_wait3A_63] : memref<10000x128xf32, #tpu.memory_space<vmem_shared>> -> memref<200x128xf32, #tpu.memory_space<vmem_shared>>
        tpu.wait_dma2 semaphore(%run_scoped3A : memref<!tpu.dma_semaphore, #tpu.memory_space<semaphore_mem>>) src(%dma_wait3A_64 : memref<200x128xf32, #tpu.memory_space<vmem_shared>>) dst(%dma_wait3A_62 : memref<200x128xf32, #tpu.memory_space<hbm>>)
        tpu.yield
      }) : () -> ()
      %add3A_53 = arith.constant 600 : i32
      %add3A_54 = arith.addi %mul3A_30, %add3A_53 : i32
      %add3A_55 = arith.constant 600 : i32
      %add3A_56 = arith.addi %mul3A_30, %add3A_55 : i32
      "tpu.region"() ({
        %run_scoped3A = tpu.sem_alloc : memref<!tpu.dma_semaphore, #tpu.memory_space<semaphore_mem>>
        %dma_start3A = arith.constant 0 : i32
        %dma_start3A_57 = tpu.memref_slice %arg7[%arg0, %add3A_56, %dma_start3A] : memref<2x10000x128xf32, #tpu.memory_space<hbm>> -> memref<1x32x128xf32, #tpu.memory_space<hbm>>
        %dma_start3A_58 = tpu.memref_squeeze %dma_start3A_57 : memref<1x32x128xf32, #tpu.memory_space<hbm>> -> memref<32x128xf32, #tpu.memory_space<hbm>>
        %dma_start3A_59 = arith.constant 0 : i32
        %dma_start3A_60 = tpu.memref_slice %arg8[%add3A_54, %dma_start3A_59] : memref<10000x128xf32, #tpu.memory_space<vmem_shared>> -> memref<32x128xf32, #tpu.memory_space<vmem_shared>>
        tpu.enqueue_dma source(%dma_start3A_60 : memref<32x128xf32, #tpu.memory_space<vmem_shared>>) target(%dma_start3A_58 : memref<32x128xf32, #tpu.memory_space<hbm>>) target_semaphore(%run_scoped3A : memref<!tpu.dma_semaphore, #tpu.memory_space<semaphore_mem>>)
        %dma_wait3A = arith.constant 0 : i32
        %dma_wait3A_61 = tpu.memref_slice %arg7[%arg0, %add3A_56, %dma_wait3A] : memref<2x10000x128xf32, #tpu.memory_space<hbm>> -> memref<1x32x128xf32, #tpu.memory_space<hbm>>
        %dma_wait3A_62 = tpu.memref_squeeze %dma_wait3A_61 : memref<1x32x128xf32, #tpu.memory_space<hbm>> -> memref<32x128xf32, #tpu.memory_space<hbm>>
        %dma_wait3A_63 = arith.constant 0 : i32
        %dma_wait3A_64 = tpu.memref_slice %arg8[%add3A_54, %dma_wait3A_63] : memref<10000x128xf32, #tpu.memory_space<vmem_shared>> -> memref<32x128xf32, #tpu.memory_space<vmem_shared>>
        tpu.wait_dma2 semaphore(%run_scoped3A : memref<!tpu.dma_semaphore, #tpu.memory_space<semaphore_mem>>) src(%dma_wait3A_64 : memref<32x128xf32, #tpu.memory_space<vmem_shared>>) dst(%dma_wait3A_62 : memref<32x128xf32, #tpu.memory_space<hbm>>)
        tpu.yield
      }) : () -> ()
    } else {
    }
    %eq3A_36 = arith.constant 15 : i32
    %eq3A_37 = arith.cmpi eq, %arg1, %eq3A_36 : i32
    %convert_element_type3A_38 = arith.extui %eq3A_37 : i1 to i32
    %cond3A_39 = arith.constant 0 : i32
    %cond3A_40 = arith.cmpi ne, %convert_element_type3A_38, %cond3A_39 : i32
    scf.if %cond3A_40 {
      %add3A_41 = arith.constant 0 : i32
      %add3A_42 = arith.addi %mul3A_30, %add3A_41 : i32
      %add3A_43 = arith.constant 0 : i32
      %add3A_44 = arith.addi %mul3A_30, %add3A_43 : i32
      "tpu.region"() ({
        %run_scoped3A = tpu.sem_alloc : memref<!tpu.dma_semaphore, #tpu.memory_space<semaphore_mem>>
        %dma_start3A = arith.constant 0 : i32
        %dma_start3A_53 = tpu.memref_slice %arg7[%arg0, %add3A_44, %dma_start3A] : memref<2x10000x128xf32, #tpu.memory_space<hbm>> -> memref<1x200x128xf32, #tpu.memory_space<hbm>>
        %dma_start3A_54 = tpu.memref_squeeze %dma_start3A_53 : memref<1x200x128xf32, #tpu.memory_space<hbm>> -> memref<200x128xf32, #tpu.memory_space<hbm>>
        %dma_start3A_55 = arith.constant 0 : i32
        %dma_start3A_56 = tpu.memref_slice %arg8[%add3A_42, %dma_start3A_55] : memref<10000x128xf32, #tpu.memory_space<vmem_shared>> -> memref<200x128xf32, #tpu.memory_space<vmem_shared>>
        tpu.enqueue_dma source(%dma_start3A_56 : memref<200x128xf32, #tpu.memory_space<vmem_shared>>) target(%dma_start3A_54 : memref<200x128xf32, #tpu.memory_space<hbm>>) target_semaphore(%run_scoped3A : memref<!tpu.dma_semaphore, #tpu.memory_space<semaphore_mem>>)
        %dma_wait3A = arith.constant 0 : i32
        %dma_wait3A_57 = tpu.memref_slice %arg7[%arg0, %add3A_44, %dma_wait3A] : memref<2x10000x128xf32, #tpu.memory_space<hbm>> -> memref<1x200x128xf32, #tpu.memory_space<hbm>>
        %dma_wait3A_58 = tpu.memref_squeeze %dma_wait3A_57 : memref<1x200x128xf32, #tpu.memory_space<hbm>> -> memref<200x128xf32, #tpu.memory_space<hbm>>
        %dma_wait3A_59 = arith.constant 0 : i32
        %dma_wait3A_60 = tpu.memref_slice %arg8[%add3A_42, %dma_wait3A_59] : memref<10000x128xf32, #tpu.memory_space<vmem_shared>> -> memref<200x128xf32, #tpu.memory_space<vmem_shared>>
        tpu.wait_dma2 semaphore(%run_scoped3A : memref<!tpu.dma_semaphore, #tpu.memory_space<semaphore_mem>>) src(%dma_wait3A_60 : memref<200x128xf32, #tpu.memory_space<vmem_shared>>) dst(%dma_wait3A_58 : memref<200x128xf32, #tpu.memory_space<hbm>>)
        tpu.yield
      }) : () -> ()
      %add3A_45 = arith.constant 200 : i32
      %add3A_46 = arith.addi %mul3A_30, %add3A_45 : i32
      %add3A_47 = arith.constant 200 : i32
      %add3A_48 = arith.addi %mul3A_30, %add3A_47 : i32
      "tpu.region"() ({
        %run_scoped3A = tpu.sem_alloc : memref<!tpu.dma_semaphore, #tpu.memory_space<semaphore_mem>>
        %dma_start3A = arith.constant 0 : i32
        %dma_start3A_53 = tpu.memref_slice %arg7[%arg0, %add3A_48, %dma_start3A] : memref<2x10000x128xf32, #tpu.memory_space<hbm>> -> memref<1x200x128xf32, #tpu.memory_space<hbm>>
        %dma_start3A_54 = tpu.memref_squeeze %dma_start3A_53 : memref<1x200x128xf32, #tpu.memory_space<hbm>> -> memref<200x128xf32, #tpu.memory_space<hbm>>
        %dma_start3A_55 = arith.constant 0 : i32
        %dma_start3A_56 = tpu.memref_slice %arg8[%add3A_46, %dma_start3A_55] : memref<10000x128xf32, #tpu.memory_space<vmem_shared>> -> memref<200x128xf32, #tpu.memory_space<vmem_shared>>
        tpu.enqueue_dma source(%dma_start3A_56 : memref<200x128xf32, #tpu.memory_space<vmem_shared>>) target(%dma_start3A_54 : memref<200x128xf32, #tpu.memory_space<hbm>>) target_semaphore(%run_scoped3A : memref<!tpu.dma_semaphore, #tpu.memory_space<semaphore_mem>>)
        %dma_wait3A = arith.constant 0 : i32
        %dma_wait3A_57 = tpu.memref_slice %arg7[%arg0, %add3A_48, %dma_wait3A] : memref<2x10000x128xf32, #tpu.memory_space<hbm>> -> memref<1x200x128xf32, #tpu.memory_space<hbm>>
        %dma_wait3A_58 = tpu.memref_squeeze %dma_wait3A_57 : memref<1x200x128xf32, #tpu.memory_space<hbm>> -> memref<200x128xf32, #tpu.memory_space<hbm>>
        %dma_wait3A_59 = arith.constant 0 : i32
        %dma_wait3A_60 = tpu.memref_slice %arg8[%add3A_46, %dma_wait3A_59] : memref<10000x128xf32, #tpu.memory_space<vmem_shared>> -> memref<200x128xf32, #tpu.memory_space<vmem_shared>>
        tpu.wait_dma2 semaphore(%run_scoped3A : memref<!tpu.dma_semaphore, #tpu.memory_space<semaphore_mem>>) src(%dma_wait3A_60 : memref<200x128xf32, #tpu.memory_space<vmem_shared>>) dst(%dma_wait3A_58 : memref<200x128xf32, #tpu.memory_space<hbm>>)
        tpu.yield
      }) : () -> ()
      %add3A_49 = arith.constant 400 : i32
      %add3A_50 = arith.addi %mul3A_30, %add3A_49 : i32
      %add3A_51 = arith.constant 400 : i32
      %add3A_52 = arith.addi %mul3A_30, %add3A_51 : i32
      "tpu.region"() ({
        %run_scoped3A = tpu.sem_alloc : memref<!tpu.dma_semaphore, #tpu.memory_space<semaphore_mem>>
        %dma_start3A = arith.constant 0 : i32
        %dma_start3A_53 = tpu.memref_slice %arg7[%arg0, %add3A_52, %dma_start3A] : memref<2x10000x128xf32, #tpu.memory_space<hbm>> -> memref<1x120x128xf32, #tpu.memory_space<hbm>>
        %dma_start3A_54 = tpu.memref_squeeze %dma_start3A_53 : memref<1x120x128xf32, #tpu.memory_space<hbm>> -> memref<120x128xf32, #tpu.memory_space<hbm>>
        %dma_start3A_55 = arith.constant 0 : i32
        %dma_start3A_56 = tpu.memref_slice %arg8[%add3A_50, %dma_start3A_55] : memref<10000x128xf32, #tpu.memory_space<vmem_shared>> -> memref<120x128xf32, #tpu.memory_space<vmem_shared>>
        tpu.enqueue_dma source(%dma_start3A_56 : memref<120x128xf32, #tpu.memory_space<vmem_shared>>) target(%dma_start3A_54 : memref<120x128xf32, #tpu.memory_space<hbm>>) target_semaphore(%run_scoped3A : memref<!tpu.dma_semaphore, #tpu.memory_space<semaphore_mem>>)
        %dma_wait3A = arith.constant 0 : i32
        %dma_wait3A_57 = tpu.memref_slice %arg7[%arg0, %add3A_52, %dma_wait3A] : memref<2x10000x128xf32, #tpu.memory_space<hbm>> -> memref<1x120x128xf32, #tpu.memory_space<hbm>>
        %dma_wait3A_58 = tpu.memref_squeeze %dma_wait3A_57 : memref<1x120x128xf32, #tpu.memory_space<hbm>> -> memref<120x128xf32, #tpu.memory_space<hbm>>
        %dma_wait3A_59 = arith.constant 0 : i32
        %dma_wait3A_60 = tpu.memref_slice %arg8[%add3A_50, %dma_wait3A_59] : memref<10000x128xf32, #tpu.memory_space<vmem_shared>> -> memref<120x128xf32, #tpu.memory_space<vmem_shared>>
        tpu.wait_dma2 semaphore(%run_scoped3A : memref<!tpu.dma_semaphore, #tpu.memory_space<semaphore_mem>>) src(%dma_wait3A_60 : memref<120x128xf32, #tpu.memory_space<vmem_shared>>) dst(%dma_wait3A_58 : memref<120x128xf32, #tpu.memory_space<hbm>>)
        tpu.yield
      }) : () -> ()
    } else {
    }
    return
  }
}

module attributes {stable_mosaic.version = 14 : i64} {
  func.func @_k1a_body(%arg0: memref<10000x128xf32, #tpu.memory_space<vmem>>, %arg1: memref<128x128xf32, #tpu.memory_space<vmem>>, %arg2: memref<128x4xf32, #tpu.memory_space<vmem>>, %arg3: memref<128x4xf32, #tpu.memory_space<vmem>>, %arg4: memref<16x128xf32, #tpu.memory_space<vmem>>, %arg5: memref<16x128xf32, #tpu.memory_space<vmem>>, %arg6: memref<1x128xf32, #tpu.memory_space<vmem>>, %arg7: memref<1x4xf32, #tpu.memory_space<vmem>>, %arg8: memref<16x1xf32, #tpu.memory_space<vmem>>, %arg9: memref<10000x128xf32, #tpu.memory_space<vmem>>, %arg10: memref<10000x8xf32, #tpu.memory_space<vmem>>, %arg11: memref<32x4xf32, #tpu.memory_space<vmem>>, %arg12: memref<1x4xf32, #tpu.memory_space<vmem>>, %arg13: memref<16x1xf32, #tpu.memory_space<vmem>>) attributes {dimension_semantics = [], scalar_prefetch = 0 : i64, scratch_operands = 0 : i64, tpu.core_type = #tpu.core_type<tc>} {
    %get3A = arith.constant 0 : index
    %get3A_0 = arith.constant 0 : index
    %get3A_1 = vector.load %arg0[%get3A, %get3A_0] : memref<10000x128xf32, #tpu.memory_space<vmem>>, vector<10000x128xf32>
    %get3A_2 = arith.constant 0 : index
    %get3A_3 = arith.constant 0 : index
    %get3A_4 = vector.load %arg1[%get3A_2, %get3A_3] : memref<128x128xf32, #tpu.memory_space<vmem>>, vector<128x128xf32>
    %dot_general3A = arith.constant dense<0.000000e+00> : vector<10000x128xf32>
    %dot_general3A_5 = tpu.matmul %get3A_1, %get3A_4, %dot_general3A {dimension_numbers = #tpu.dot_dimension_numbers<[1], [0], [0], [1], [0, 0, 1, 1], [], []>, transpose_lhs_hint = false} : vector<10000x128xf32>, vector<128x128xf32>, vector<10000x128xf32> -> vector<10000x128xf32>
    %swap3A = arith.constant 0 : index
    %swap3A_6 = arith.constant 0 : index
    %swap3A_7 = vector.load %arg9[%swap3A, %swap3A_6] : memref<10000x128xf32, #tpu.memory_space<vmem>>, vector<10000x128xf32>
    tpu.vector_store %arg9[%swap3A, %swap3A_6], %dot_general3A_5 {strides = array<i32>} : memref<10000x128xf32, #tpu.memory_space<vmem>>, vector<10000x128xf32>,
    %get3A_8 = arith.constant 0 : index
    %get3A_9 = arith.constant 0 : index
    %get3A_10 = vector.load %arg2[%get3A_8, %get3A_9] : memref<128x4xf32, #tpu.memory_space<vmem>>, vector<128x4xf32>
    %dot_general3A_11 = arith.constant dense<0.000000e+00> : vector<10000x4xf32>
    %dot_general3A_12 = tpu.matmul %dot_general3A_5, %get3A_10, %dot_general3A_11 {dimension_numbers = #tpu.dot_dimension_numbers<[1], [0], [0], [1], [0, 0, 1, 1], [], []>, transpose_lhs_hint = false} : vector<10000x128xf32>, vector<128x4xf32>, vector<10000x4xf32> -> vector<10000x4xf32>
    %get3A_13 = arith.constant 0 : index
    %get3A_14 = arith.constant 0 : index
    %get3A_15 = vector.load %arg3[%get3A_13, %get3A_14] : memref<128x4xf32, #tpu.memory_space<vmem>>, vector<128x4xf32>
    %dot_general3A_16 = arith.constant dense<0.000000e+00> : vector<10000x4xf32>
    %dot_general3A_17 = tpu.matmul %get3A_1, %get3A_15, %dot_general3A_16 {dimension_numbers = #tpu.dot_dimension_numbers<[1], [0], [0], [1], [0, 0, 1, 1], [], []>, transpose_lhs_hint = false} : vector<10000x128xf32>, vector<128x4xf32>, vector<10000x4xf32> -> vector<10000x4xf32>
    %concatenate3A = tpu.concatenate %dot_general3A_12, %dot_general3A_17 in 1 : vector<10000x4xf32>, vector<10000x4xf32> -> vector<10000x8xf32>
    %swap3A_18 = arith.constant 0 : index
    %swap3A_19 = arith.constant 0 : index
    %swap3A_20 = vector.load %arg10[%swap3A_18, %swap3A_19] : memref<10000x8xf32, #tpu.memory_space<vmem>>, vector<10000x8xf32>
    tpu.vector_store %arg10[%swap3A_18, %swap3A_19], %concatenate3A {strides = array<i32>} : memref<10000x8xf32, #tpu.memory_space<vmem>>, vector<10000x8xf32>,
    %get3A_21 = arith.constant 0 : index
    %get3A_22 = arith.constant 0 : index
    %get3A_23 = vector.load %arg4[%get3A_21, %get3A_22] : memref<16x128xf32, #tpu.memory_space<vmem>>, vector<16x128xf32>
    %dot_general3A_24 = arith.constant dense<0.000000e+00> : vector<16x4xf32>
    %dot_general3A_25 = tpu.matmul %get3A_23, %get3A_10, %dot_general3A_24 {dimension_numbers = #tpu.dot_dimension_numbers<[1], [0], [0], [1], [0, 0, 1, 1], [], []>, transpose_lhs_hint = false} : vector<16x128xf32>, vector<128x4xf32>, vector<16x4xf32> -> vector<16x4xf32>
    %get3A_26 = arith.constant 0 : index
    %get3A_27 = arith.constant 0 : index
    %get3A_28 = vector.load %arg5[%get3A_26, %get3A_27] : memref<16x128xf32, #tpu.memory_space<vmem>>, vector<16x128xf32>
    %dot_general3A_29 = arith.constant dense<0.000000e+00> : vector<16x4xf32>
    %dot_general3A_30 = tpu.matmul %get3A_28, %get3A_10, %dot_general3A_29 {dimension_numbers = #tpu.dot_dimension_numbers<[1], [0], [0], [1], [0, 0, 1, 1], [], []>, transpose_lhs_hint = false} : vector<16x128xf32>, vector<128x4xf32>, vector<16x4xf32> -> vector<16x4xf32>
    %concatenate3A_31 = tpu.concatenate %dot_general3A_25, %dot_general3A_30 in 0 : vector<16x4xf32>, vector<16x4xf32> -> vector<32x4xf32>
    %swap3A_32 = arith.constant 0 : index
    %swap3A_33 = arith.constant 0 : index
    %swap3A_34 = vector.load %arg11[%swap3A_32, %swap3A_33] : memref<32x4xf32, #tpu.memory_space<vmem>>, vector<32x4xf32>
    tpu.vector_store %arg11[%swap3A_32, %swap3A_33], %concatenate3A_31 {strides = array<i32>} : memref<32x4xf32, #tpu.memory_space<vmem>>, vector<32x4xf32>,
    %get3A_35 = arith.constant 0 : index
    %get3A_36 = arith.constant 0 : index
    %get3A_37 = vector.load %arg6[%get3A_35, %get3A_36] : memref<1x128xf32, #tpu.memory_space<vmem>>, vector<1x128xf32>
    %dot_general3A_38 = arith.constant dense<0.000000e+00> : vector<1x4xf32>
    %dot_general3A_39 = tpu.matmul %get3A_37, %get3A_10, %dot_general3A_38 {dimension_numbers = #tpu.dot_dimension_numbers<[1], [0], [0], [1], [0, 0, 1, 1], [], []>, transpose_lhs_hint = false} : vector<1x128xf32>, vector<128x4xf32>, vector<1x4xf32> -> vector<1x4xf32>
    %get3A_40 = arith.constant 0 : index
    %get3A_41 = arith.constant 0 : index
    %get3A_42 = vector.load %arg7[%get3A_40, %get3A_41] : memref<1x4xf32, #tpu.memory_space<vmem>>, vector<1x4xf32>
    %add3A = arith.addf %dot_general3A_39, %get3A_42 : vector<1x4xf32>
    %swap3A_43 = arith.constant 0 : index
    %swap3A_44 = arith.constant 0 : index
    %swap3A_45 = vector.load %arg12[%swap3A_43, %swap3A_44] : memref<1x4xf32, #tpu.memory_space<vmem>>, vector<1x4xf32>
    tpu.vector_store %arg12[%swap3A_43, %swap3A_44], %add3A {strides = array<i32>} : memref<1x4xf32, #tpu.memory_space<vmem>>, vector<1x4xf32>,
    %get3A_46 = arith.constant 0 : index
    %get3A_47 = arith.constant 0 : index
    %get3A_48 = vector.load %arg8[%get3A_46, %get3A_47] : memref<16x1xf32, #tpu.memory_space<vmem>>, vector<16x1xf32>
    %max3A = arith.constant 0.000000e+00 : f32
    %max3A_49 = vector.broadcast %max3A : f32 to vector<16x1xf32>
    %max3A_50 = arith.maximumf %get3A_48, %max3A_49 : vector<16x1xf32>
    %abs3A = math.absf %get3A_48 : vector<16x1xf32>
    %neg3A = arith.constant 0.000000e+00 : f32
    %neg3A_51 = vector.broadcast %neg3A : f32 to vector<16x1xf32>
    %neg3A_52 = arith.subf %neg3A_51, %abs3A : vector<16x1xf32>
    %exp3A = math.exp %neg3A_52 : vector<16x1xf32>
    %log1p3A = math.log1p %exp3A : vector<16x1xf32>
    %add3A_53 = arith.addf %max3A_50, %log1p3A : vector<16x1xf32>
    %swap3A_54 = arith.constant 0 : index
    %swap3A_55 = arith.constant 0 : index
    %swap3A_56 = vector.load %arg13[%swap3A_54, %swap3A_55] : memref<16x1xf32, #tpu.memory_space<vmem>>, vector<16x1xf32>
    tpu.vector_store %arg13[%swap3A_54, %swap3A_55], %add3A_53 {strides = array<i32>} : memref<16x1xf32, #tpu.memory_space<vmem>>, vector<16x1xf32>,
    return
  }
}

module attributes {stable_mosaic.version = 14 : i64} {
  func.func @_k1t_body(%arg0: i32, %arg1: memref<1x32000xf32, #tpu.memory_space<vmem>>, %arg2: memref<32x4xf32, #tpu.memory_space<vmem>>, %arg3: memref<16x1xf32, #tpu.memory_space<vmem>>, %arg4: memref<1x4xf32, #tpu.memory_space<vmem>>, %arg5: memref<1x32000xf32, #tpu.memory_space<vmem>>, %arg6: memref<1x32000xf32, #tpu.memory_space<vmem>>, %arg7: memref<1x32000xf32, #tpu.memory_space<vmem>>, %arg8: memref<1x32000xf32, #tpu.memory_space<vmem>>) attributes {dimension_semantics = [#tpu.dimension_semantics<arbitrary>], iteration_bounds = array<i64: 10>, scalar_prefetch = 0 : i64, scratch_operands = 0 : i64, tpu.core_type = #tpu.core_type<tc>, window_params = [{transform_indices = @transform_0, window_bounds = array<i64: 1, 32000>}, {pipeline_mode = #tpu.pipeline_mode<synchronous>, transform_indices = @transform_1, window_bounds = array<i64: 32, 4>}, {pipeline_mode = #tpu.pipeline_mode<synchronous>, transform_indices = @transform_2, window_bounds = array<i64: 16, 1>}, {pipeline_mode = #tpu.pipeline_mode<synchronous>, transform_indices = @transform_3, window_bounds = array<i64: 1, 4>}, {transform_indices = @transform_4, window_bounds = array<i64: 1, 32000>}, {transform_indices = @transform_5, window_bounds = array<i64: 1, 32000>}, {transform_indices = @transform_6, window_bounds = array<i64: 1, 32000>}, {transform_indices = @transform_7, window_bounds = array<i64: 1, 32000>}]} {
    %get3A = arith.constant 0 : index
    %get3A_0 = arith.constant 0 : index
    %get3A_1 = vector.load %arg1[%get3A, %get3A_0] : memref<1x32000xf32, #tpu.memory_space<vmem>>, vector<1x32000xf32>
    %max3A = arith.constant 0.000000e+00 : f32
    %max3A_2 = vector.broadcast %max3A : f32 to vector<1x32000xf32>
    %max3A_3 = arith.maximumf %get3A_1, %max3A_2 : vector<1x32000xf32>
    %get3A_4 = arith.constant 0 : index
    %get3A_5 = arith.constant 0 : index
    %get3A_6 = vector.load %arg3[%get3A_4, %get3A_5] : memref<16x1xf32, #tpu.memory_space<vmem>>, vector<16x1xf32>
    %neg3A = arith.constant 0.000000e+00 : f32
    %neg3A_7 = vector.broadcast %neg3A : f32 to vector<16x1xf32>
    %neg3A_8 = arith.subf %neg3A_7, %get3A_6 : vector<16x1xf32>
    %mul3A = vector.broadcast %neg3A_8 : vector<16x1xf32> to vector<16x32000xf32>
    %mul3A_9 = vector.broadcast %max3A_3 : vector<1x32000xf32> to vector<16x32000xf32>
    %mul3A_10 = arith.mulf %mul3A, %mul3A_9 : vector<16x32000xf32>
    %exp3A = math.exp %mul3A_10 : vector<16x32000xf32>
    %get3A_11 = arith.constant 0 : index
    %get3A_12 = arith.constant 0 : index
    %get3A_13 = vector.load %arg2[%get3A_11, %get3A_12] : memref<32x4xf32, #tpu.memory_space<vmem>>, vector<32x4xf32>
    %slice3A = vector.extract_strided_slice %get3A_13 {offsets = [16, 0], sizes = [16, 1], strides = [1, 1]} : vector<32x4xf32> to vector<16x1xf32>
    %mul3A_14 = vector.broadcast %slice3A : vector<16x1xf32> to vector<16x32000xf32>
    %mul3A_15 = arith.mulf %mul3A_14, %exp3A : vector<16x32000xf32>
    %reduce_sum3A = arith.constant dense<0.000000e+00> : vector<32000xf32>
    %reduce_sum3A_16 = vector.multi_reduction <add>, %mul3A_15, %reduce_sum3A [0] : vector<16x32000xf32> to vector<32000xf32>
    %broadcast_in_dim3A = vector.shape_cast %reduce_sum3A_16 : vector<32000xf32> to vector<1x32000xf32>
    %get3A_17 = arith.constant 0 : index
    %get3A_18 = arith.constant 0 : index
    %get3A_19 = vector.load %arg4[%get3A_17, %get3A_18] : memref<1x4xf32, #tpu.memory_space<vmem>>, vector<1x1xf32>
    %get3A_20 = vector.extract %get3A_19[0, 0] : f32 from vector<1x1xf32>
    %add3A = vector.broadcast %get3A_20 : f32 to vector<1x32000xf32>
    %add3A_21 = arith.addf %broadcast_in_dim3A, %add3A : vector<1x32000xf32>
    %swap3A = arith.constant 0 : index
    %swap3A_22 = arith.constant 0 : index
    %swap3A_23 = vector.load %arg5[%swap3A, %swap3A_22] : memref<1x32000xf32, #tpu.memory_space<vmem>>, vector<1x32000xf32>
    tpu.vector_store %arg5[%swap3A, %swap3A_22], %add3A_21 {strides = array<i32>} : memref<1x32000xf32, #tpu.memory_space<vmem>>, vector<1x32000xf32>,
    %slice3A_24 = vector.extract_strided_slice %get3A_13 {offsets = [16, 1], sizes = [16, 1], strides = [1, 1]} : vector<32x4xf32> to vector<16x1xf32>
    %mul3A_25 = vector.broadcast %slice3A_24 : vector<16x1xf32> to vector<16x32000xf32>
    %mul3A_26 = arith.mulf %mul3A_25, %exp3A : vector<16x32000xf32>
    %reduce_sum3A_27 = arith.constant dense<0.000000e+00> : vector<32000xf32>
    %reduce_sum3A_28 = vector.multi_reduction <add>, %mul3A_26, %reduce_sum3A_27 [0] : vector<16x32000xf32> to vector<32000xf32>
    %broadcast_in_dim3A_29 = vector.shape_cast %reduce_sum3A_28 : vector<32000xf32> to vector<1x32000xf32>
    %get3A_30 = arith.constant 0 : index
    %get3A_31 = arith.constant 1 : index
    %get3A_32 = vector.load %arg4[%get3A_30, %get3A_31] : memref<1x4xf32, #tpu.memory_space<vmem>>, vector<1x1xf32>
    %get3A_33 = vector.extract %get3A_32[0, 0] : f32 from vector<1x1xf32>
    %add3A_34 = vector.broadcast %get3A_33 : f32 to vector<1x32000xf32>
    %add3A_35 = arith.addf %broadcast_in_dim3A_29, %add3A_34 : vector<1x32000xf32>
    %swap3A_36 = arith.constant 0 : index
    %swap3A_37 = arith.constant 0 : index
    %swap3A_38 = vector.load %arg6[%swap3A_36, %swap3A_37] : memref<1x32000xf32, #tpu.memory_space<vmem>>, vector<1x32000xf32>
    tpu.vector_store %arg6[%swap3A_36, %swap3A_37], %add3A_35 {strides = array<i32>} : memref<1x32000xf32, #tpu.memory_space<vmem>>, vector<1x32000xf32>,
    %slice3A_39 = vector.extract_strided_slice %get3A_13 {offsets = [16, 2], sizes = [16, 1], strides = [1, 1]} : vector<32x4xf32> to vector<16x1xf32>
    %mul3A_40 = vector.broadcast %slice3A_39 : vector<16x1xf32> to vector<16x32000xf32>
    %mul3A_41 = arith.mulf %mul3A_40, %exp3A : vector<16x32000xf32>
    %reduce_sum3A_42 = arith.constant dense<0.000000e+00> : vector<32000xf32>
    %reduce_sum3A_43 = vector.multi_reduction <add>, %mul3A_41, %reduce_sum3A_42 [0] : vector<16x32000xf32> to vector<32000xf32>
    %broadcast_in_dim3A_44 = vector.shape_cast %reduce_sum3A_43 : vector<32000xf32> to vector<1x32000xf32>
    %get3A_45 = arith.constant 0 : index
    %get3A_46 = arith.constant 2 : index
    %get3A_47 = vector.load %arg4[%get3A_45, %get3A_46] : memref<1x4xf32, #tpu.memory_space<vmem>>, vector<1x1xf32>
    %get3A_48 = vector.extract %get3A_47[0, 0] : f32 from vector<1x1xf32>
    %add3A_49 = vector.broadcast %get3A_48 : f32 to vector<1x32000xf32>
    %add3A_50 = arith.addf %broadcast_in_dim3A_44, %add3A_49 : vector<1x32000xf32>
    %swap3A_51 = arith.constant 0 : index
    %swap3A_52 = arith.constant 0 : index
    %swap3A_53 = vector.load %arg7[%swap3A_51, %swap3A_52] : memref<1x32000xf32, #tpu.memory_space<vmem>>, vector<1x32000xf32>
    tpu.vector_store %arg7[%swap3A_51, %swap3A_52], %add3A_50 {strides = array<i32>} : memref<1x32000xf32, #tpu.memory_space<vmem>>, vector<1x32000xf32>,
    %slice3A_54 = vector.extract_strided_slice %get3A_13 {offsets = [16, 3], sizes = [16, 1], strides = [1, 1]} : vector<32x4xf32> to vector<16x1xf32>
    %mul3A_55 = vector.broadcast %slice3A_54 : vector<16x1xf32> to vector<16x32000xf32>
    %mul3A_56 = arith.mulf %mul3A_55, %exp3A : vector<16x32000xf32>
    %reduce_sum3A_57 = arith.constant dense<0.000000e+00> : vector<32000xf32>
    %reduce_sum3A_58 = vector.multi_reduction <add>, %mul3A_56, %reduce_sum3A_57 [0] : vector<16x32000xf32> to vector<32000xf32>
    %broadcast_in_dim3A_59 = vector.shape_cast %reduce_sum3A_58 : vector<32000xf32> to vector<1x32000xf32>
    %get3A_60 = arith.constant 0 : index
    %get3A_61 = arith.constant 3 : index
    %get3A_62 = vector.load %arg4[%get3A_60, %get3A_61] : memref<1x4xf32, #tpu.memory_space<vmem>>, vector<1x1xf32>
    %get3A_63 = vector.extract %get3A_62[0, 0] : f32 from vector<1x1xf32>
    %add3A_64 = vector.broadcast %get3A_63 : f32 to vector<1x32000xf32>
    %add3A_65 = arith.addf %broadcast_in_dim3A_59, %add3A_64 : vector<1x32000xf32>
    %swap3A_66 = arith.constant 0 : index
    %swap3A_67 = arith.constant 0 : index
    %swap3A_68 = vector.load %arg8[%swap3A_66, %swap3A_67] : memref<1x32000xf32, #tpu.memory_space<vmem>>, vector<1x32000xf32>
    tpu.vector_store %arg8[%swap3A_66, %swap3A_67], %add3A_65 {strides = array<i32>} : memref<1x32000xf32, #tpu.memory_space<vmem>>, vector<1x32000xf32>,
    return
  }
  func.func @transform_0(%arg0: i32) -> (i32, i32) {
    %c0_i32 = arith.constant 0 : i32
    %c0_i32_0 = arith.constant 0 : i32
    return %c0_i32, %arg0 : i32, i32
  }
  func.func @transform_1(%arg0: i32) -> (i32, i32) {
    %c0_i32 = arith.constant 0 : i32
    %c0_i32_0 = arith.constant 0 : i32
    %c0_i32_1 = arith.constant 0 : i32
    return %c0_i32, %c0_i32_0 : i32, i32
  }
  func.func @transform_2(%arg0: i32) -> (i32, i32) {
    %c0_i32 = arith.constant 0 : i32
    %c0_i32_0 = arith.constant 0 : i32
    %c0_i32_1 = arith.constant 0 : i32
    return %c0_i32, %c0_i32_0 : i32, i32
  }
  func.func @transform_3(%arg0: i32) -> (i32, i32) {
    %c0_i32 = arith.constant 0 : i32
    %c0_i32_0 = arith.constant 0 : i32
    %c0_i32_1 = arith.constant 0 : i32
    return %c0_i32, %c0_i32_0 : i32, i32
  }
  func.func @transform_4(%arg0: i32) -> (i32, i32) {
    %c0_i32 = arith.constant 0 : i32
    %c0_i32_0 = arith.constant 0 : i32
    return %c0_i32, %arg0 : i32, i32
  }
  func.func @transform_5(%arg0: i32) -> (i32, i32) {
    %c0_i32 = arith.constant 0 : i32
    %c0_i32_0 = arith.constant 0 : i32
    return %c0_i32, %arg0 : i32, i32
  }
  func.func @transform_6(%arg0: i32) -> (i32, i32) {
    %c0_i32 = arith.constant 0 : i32
    %c0_i32_0 = arith.constant 0 : i32
    return %c0_i32, %arg0 : i32, i32
  }
  func.func @transform_7(%arg0: i32) -> (i32, i32) {
    %c0_i32 = arith.constant 0 : i32
    %c0_i32_0 = arith.constant 0 : i32
    return %c0_i32, %arg0 : i32, i32
  }
}

module attributes {stable_mosaic.version = 14 : i64} {
  func.func @_k1e_body(%arg0: i32, %arg1: memref<2000x512xf32, #tpu.memory_space<vmem>>, %arg2: memref<128x32xf32, #tpu.memory_space<vmem>>, %arg3: memref<2000x128xf32, #tpu.memory_space<vmem>>) attributes {dimension_semantics = [#tpu.dimension_semantics<arbitrary>], iteration_bounds = array<i64: 5>, scalar_prefetch = 0 : i64, scratch_operands = 0 : i64, tpu.core_type = #tpu.core_type<tc>, window_params = [{transform_indices = @transform_0, window_bounds = array<i64: 2000, 512>}, {pipeline_mode = #tpu.pipeline_mode<synchronous>, transform_indices = @transform_1, window_bounds = array<i64: 128, 32>}, {transform_indices = @transform_2, window_bounds = array<i64: 2000, 128>}]} {
    %get3A = arith.constant 0 : index
    %get3A_0 = arith.constant 0 : index
    %get3A_1 = vector.load %arg2[%get3A, %get3A_0] : memref<128x32xf32, #tpu.memory_space<vmem>>, vector<128x32xf32>
    %get3A_2 = arith.constant 0 : index
    %get3A_3 = arith.constant 0 : index
    %get3A_4 = vector.load %arg1[%get3A_2, %get3A_3] : memref<2000x512xf32, #tpu.memory_space<vmem>>, vector<2000x512xf32>
    %slice3A = vector.extract_strided_slice %get3A_4 {offsets = [0, 0], sizes = [2000, 128], strides = [1, 1]} : vector<2000x512xf32> to vector<2000x128xf32>
    %dot_general3A = arith.constant dense<0.000000e+00> : vector<2000x32xf32>
    %dot_general3A_5 = tpu.matmul %slice3A, %get3A_1, %dot_general3A {dimension_numbers = #tpu.dot_dimension_numbers<[1], [0], [0], [1], [0, 0, 1, 1], [], []>, transpose_lhs_hint = false} : vector<2000x128xf32>, vector<128x32xf32>, vector<2000x32xf32> -> vector<2000x32xf32>
    %slice3A_6 = vector.extract_strided_slice %get3A_4 {offsets = [0, 128], sizes = [2000, 128], strides = [1, 1]} : vector<2000x512xf32> to vector<2000x128xf32>
    %dot_general3A_7 = arith.constant dense<0.000000e+00> : vector<2000x32xf32>
    %dot_general3A_8 = tpu.matmul %slice3A_6, %get3A_1, %dot_general3A_7 {dimension_numbers = #tpu.dot_dimension_numbers<[1], [0], [0], [1], [0, 0, 1, 1], [], []>, transpose_lhs_hint = false} : vector<2000x128xf32>, vector<128x32xf32>, vector<2000x32xf32> -> vector<2000x32xf32>
    %slice3A_9 = vector.extract_strided_slice %get3A_4 {offsets = [0, 256], sizes = [2000, 128], strides = [1, 1]} : vector<2000x512xf32> to vector<2000x128xf32>
    %dot_general3A_10 = arith.constant dense<0.000000e+00> : vector<2000x32xf32>
    %dot_general3A_11 = tpu.matmul %slice3A_9, %get3A_1, %dot_general3A_10 {dimension_numbers = #tpu.dot_dimension_numbers<[1], [0], [0], [1], [0, 0, 1, 1], [], []>, transpose_lhs_hint = false} : vector<2000x128xf32>, vector<128x32xf32>, vector<2000x32xf32> -> vector<2000x32xf32>
    %slice3A_12 = vector.extract_strided_slice %get3A_4 {offsets = [0, 384], sizes = [2000, 128], strides = [1, 1]} : vector<2000x512xf32> to vector<2000x128xf32>
    %dot_general3A_13 = arith.constant dense<0.000000e+00> : vector<2000x32xf32>
    %dot_general3A_14 = tpu.matmul %slice3A_12, %get3A_1, %dot_general3A_13 {dimension_numbers = #tpu.dot_dimension_numbers<[1], [0], [0], [1], [0, 0, 1, 1], [], []>, transpose_lhs_hint = false} : vector<2000x128xf32>, vector<128x32xf32>, vector<2000x32xf32> -> vector<2000x32xf32>
    %concatenate3A = tpu.concatenate %dot_general3A_5, %dot_general3A_8, %dot_general3A_11, %dot_general3A_14 in 1 : vector<2000x32xf32>, vector<2000x32xf32>, vector<2000x32xf32>, vector<2000x32xf32> -> vector<2000x128xf32>
    %swap3A = arith.constant 0 : index
    %swap3A_15 = arith.constant 0 : index
    %swap3A_16 = vector.load %arg3[%swap3A, %swap3A_15] : memref<2000x128xf32, #tpu.memory_space<vmem>>, vector<2000x128xf32>
    tpu.vector_store %arg3[%swap3A, %swap3A_15], %concatenate3A {strides = array<i32>} : memref<2000x128xf32, #tpu.memory_space<vmem>>, vector<2000x128xf32>,
    return
  }
  func.func @transform_0(%arg0: i32) -> (i32, i32) {
    %c0_i32 = arith.constant 0 : i32
    %c0_i32_0 = arith.constant 0 : i32
    return %arg0, %c0_i32 : i32, i32
  }
  func.func @transform_1(%arg0: i32) -> (i32, i32) {
    %c0_i32 = arith.constant 0 : i32
    %c0_i32_0 = arith.constant 0 : i32
    %c0_i32_1 = arith.constant 0 : i32
    return %c0_i32, %c0_i32_0 : i32, i32
  }
  func.func @transform_2(%arg0: i32) -> (i32, i32) {
    %c0_i32 = arith.constant 0 : i32
    %c0_i32_0 = arith.constant 0 : i32
    return %arg0, %c0_i32 : i32, i32
  }
}

module attributes {stable_mosaic.version = 14 : i64} {
  func.func @_k3_body(%arg0: memref<4x2500x128xf32, #tpu.memory_space<vmem>>, %arg1: memref<2500x128xf32, #tpu.memory_space<vmem>>) attributes {dimension_semantics = [], scalar_prefetch = 0 : i64, scratch_operands = 0 : i64, tpu.core_type = #tpu.core_type<tc>} {
    %get3A = arith.constant 0 : index
    %get3A_0 = arith.constant 0 : index
    %get3A_1 = arith.constant 0 : index
    %get3A_2 = vector.load %arg0[%get3A, %get3A_0, %get3A_1] : memref<4x2500x128xf32, #tpu.memory_space<vmem>>, vector<4x2500x128xf32>
    %reduce_max3A = arith.constant dense<0xFF800000> : vector<4xf32>
    %reduce_max3A_3 = vector.multi_reduction <maximumf>, %get3A_2, %reduce_max3A [1, 2] : vector<4x2500x128xf32> to vector<4xf32>
    %broadcast_in_dim3A = vector.shape_cast %reduce_max3A_3 : vector<4xf32> to vector<4x1x1xf32>
    %sub3A = vector.broadcast %broadcast_in_dim3A : vector<4x1x1xf32> to vector<4x2500x128xf32>
    %sub3A_4 = arith.subf %get3A_2, %sub3A : vector<4x2500x128xf32>
    %exp3A = math.exp %sub3A_4 : vector<4x2500x128xf32>
    %reduce_sum3A = arith.constant dense<0.000000e+00> : vector<4xf32>
    %reduce_sum3A_5 = vector.multi_reduction <add>, %exp3A, %reduce_sum3A [1, 2] : vector<4x2500x128xf32> to vector<4xf32>
    %broadcast_in_dim3A_6 = vector.shape_cast %reduce_sum3A_5 : vector<4xf32> to vector<4x1x1xf32>
    %div3A = vector.broadcast %broadcast_in_dim3A_6 : vector<4x1x1xf32> to vector<4x2500x128xf32>
    %div3A_7 = arith.divf %exp3A, %div3A : vector<4x2500x128xf32>
    %reduce_sum3A_8 = arith.constant dense<0.000000e+00> : vector<2500x128xf32>
    %reduce_sum3A_9 = vector.multi_reduction <add>, %div3A_7, %reduce_sum3A_8 [0] : vector<4x2500x128xf32> to vector<2500x128xf32>
    %div3A_10 = arith.constant 4.000000e+00 : f32
    %div3A_11 = vector.broadcast %div3A_10 : f32 to vector<2500x128xf32>
    %div3A_12 = arith.divf %reduce_sum3A_9, %div3A_11 : vector<2500x128xf32>
    %swap3A = arith.constant 0 : index
    %swap3A_13 = arith.constant 0 : index
    %swap3A_14 = vector.load %arg1[%swap3A, %swap3A_13] : memref<2500x128xf32, #tpu.memory_space<vmem>>, vector<2500x128xf32>
    tpu.vector_store %arg1[%swap3A, %swap3A_13], %div3A_12 {strides = array<i32>} : memref<2500x128xf32, #tpu.memory_space<vmem>>, vector<2500x128xf32>,
    return
  }
}

module attributes {stable_mosaic.version = 14 : i64} {
  func.func @_k5_body(%arg0: memref<2x10000x128xf32, #tpu.memory_space<vmem>>, %arg1: memref<2x10000x128xf32, #tpu.memory_space<vmem>>, %arg2: memref<10000x128xf32, #tpu.memory_space<vmem>>, %arg3: memref<16x128xf32, #tpu.memory_space<vmem>>, %arg4: memref<16x128xf32, #tpu.memory_space<vmem>>, %arg5: memref<1x128xf32, #tpu.memory_space<vmem>>, %arg6: memref<128x128xf32, #tpu.memory_space<vmem>>, %arg7: memref<128x128xf32, #tpu.memory_space<vmem>>, %arg8: memref<1x128xf32, #tpu.memory_space<vmem>>, %arg9: memref<1x128xf32, #tpu.memory_space<vmem>>, %arg10: memref<1x128xf32, #tpu.memory_space<vmem>>, %arg11: memref<10000x128xf32, #tpu.memory_space<vmem>>) attributes {dimension_semantics = [], scalar_prefetch = 0 : i64, scratch_operands = 0 : i64, tpu.core_type = #tpu.core_type<tc>} {
    %get3A = arith.constant 0 : index
    %get3A_0 = arith.constant 0 : index
    %get3A_1 = arith.constant 0 : index
    %get3A_2 = vector.load %arg0[%get3A, %get3A_0, %get3A_1] : memref<2x10000x128xf32, #tpu.memory_space<vmem>>, vector<1x10000x128xf32>
    %get3A_3 = vector.shape_cast %get3A_2 : vector<1x10000x128xf32> to vector<10000x128xf32>
    %get3A_4 = arith.constant 1 : index
    %get3A_5 = arith.constant 0 : index
    %get3A_6 = arith.constant 0 : index
    %get3A_7 = vector.load %arg0[%get3A_4, %get3A_5, %get3A_6] : memref<2x10000x128xf32, #tpu.memory_space<vmem>>, vector<1x10000x128xf32>
    %get3A_8 = vector.shape_cast %get3A_7 : vector<1x10000x128xf32> to vector<10000x128xf32>
    %add3A = arith.addf %get3A_3, %get3A_8 : vector<10000x128xf32>
    %get3A_9 = arith.constant 0 : index
    %get3A_10 = arith.constant 0 : index
    %get3A_11 = arith.constant 0 : index
    %get3A_12 = vector.load %arg1[%get3A_9, %get3A_10, %get3A_11] : memref<2x10000x128xf32, #tpu.memory_space<vmem>>, vector<1x10000x128xf32>
    %get3A_13 = vector.shape_cast %get3A_12 : vector<1x10000x128xf32> to vector<10000x128xf32>
    %get3A_14 = arith.constant 1 : index
    %get3A_15 = arith.constant 0 : index
    %get3A_16 = arith.constant 0 : index
    %get3A_17 = vector.load %arg1[%get3A_14, %get3A_15, %get3A_16] : memref<2x10000x128xf32, #tpu.memory_space<vmem>>, vector<1x10000x128xf32>
    %get3A_18 = vector.shape_cast %get3A_17 : vector<1x10000x128xf32> to vector<10000x128xf32>
    %add3A_19 = arith.addf %get3A_13, %get3A_18 : vector<10000x128xf32>
    %slice3A = vector.extract_strided_slice %add3A_19 {offsets = [0, 0], sizes = [10000, 16], strides = [1, 1]} : vector<10000x128xf32> to vector<10000x16xf32>
    %slice3A_20 = vector.extract_strided_slice %add3A_19 {offsets = [0, 16], sizes = [10000, 16], strides = [1, 1]} : vector<10000x128xf32> to vector<10000x16xf32>
    %slice3A_21 = vector.extract_strided_slice %add3A_19 {offsets = [0, 32], sizes = [10000, 1], strides = [1, 1]} : vector<10000x128xf32> to vector<10000x1xf32>
    %get3A_22 = arith.constant 0 : index
    %get3A_23 = arith.constant 0 : index
    %get3A_24 = vector.load %arg3[%get3A_22, %get3A_23] : memref<16x128xf32, #tpu.memory_space<vmem>>, vector<16x128xf32>
    %dot_general3A = arith.constant dense<0.000000e+00> : vector<10000x128xf32>
    %dot_general3A_25 = tpu.matmul %slice3A, %get3A_24, %dot_general3A {dimension_numbers = #tpu.dot_dimension_numbers<[1], [0], [0], [1], [0, 0, 1, 1], [], []>, transpose_lhs_hint = false} : vector<10000x16xf32>, vector<16x128xf32>, vector<10000x128xf32> -> vector<10000x128xf32>
    %add3A_26 = arith.addf %add3A, %dot_general3A_25 : vector<10000x128xf32>
    %get3A_27 = arith.constant 0 : index
    %get3A_28 = arith.constant 0 : index
    %get3A_29 = vector.load %arg4[%get3A_27, %get3A_28] : memref<16x128xf32, #tpu.memory_space<vmem>>, vector<16x128xf32>
    %dot_general3A_30 = arith.constant dense<0.000000e+00> : vector<10000x128xf32>
    %dot_general3A_31 = tpu.matmul %slice3A_20, %get3A_29, %dot_general3A_30 {dimension_numbers = #tpu.dot_dimension_numbers<[1], [0], [0], [1], [0, 0, 1, 1], [], []>, transpose_lhs_hint = false} : vector<10000x16xf32>, vector<16x128xf32>, vector<10000x128xf32> -> vector<10000x128xf32>
    %add3A_32 = arith.addf %add3A_26, %dot_general3A_31 : vector<10000x128xf32>
    %get3A_33 = arith.constant 0 : index
    %get3A_34 = arith.constant 0 : index
    %get3A_35 = vector.load %arg5[%get3A_33, %get3A_34] : memref<1x128xf32, #tpu.memory_space<vmem>>, vector<1x128xf32>
    %mul3A = vector.broadcast %slice3A_21 : vector<10000x1xf32> to vector<10000x128xf32>
    %mul3A_36 = vector.broadcast %get3A_35 : vector<1x128xf32> to vector<10000x128xf32>
    %mul3A_37 = arith.mulf %mul3A, %mul3A_36 : vector<10000x128xf32>
    %add3A_38 = arith.addf %add3A_32, %mul3A_37 : vector<10000x128xf32>
    %get3A_39 = arith.constant 0 : index
    %get3A_40 = arith.constant 0 : index
    %get3A_41 = vector.load %arg6[%get3A_39, %get3A_40] : memref<128x128xf32, #tpu.memory_space<vmem>>, vector<128x128xf32>
    %dot_general3A_42 = arith.constant dense<0.000000e+00> : vector<10000x128xf32>
    %dot_general3A_43 = tpu.matmul %add3A_38, %get3A_41, %dot_general3A_42 {dimension_numbers = #tpu.dot_dimension_numbers<[1], [0], [0], [1], [0, 0, 1, 1], [], []>, transpose_lhs_hint = false} : vector<10000x128xf32>, vector<128x128xf32>, vector<10000x128xf32> -> vector<10000x128xf32>
    %get3A_44 = arith.constant 0 : index
    %get3A_45 = arith.constant 0 : index
    %get3A_46 = vector.load %arg2[%get3A_44, %get3A_45] : memref<10000x128xf32, #tpu.memory_space<vmem>>, vector<10000x128xf32>
    %get3A_47 = arith.constant 0 : index
    %get3A_48 = arith.constant 0 : index
    %get3A_49 = vector.load %arg7[%get3A_47, %get3A_48] : memref<128x128xf32, #tpu.memory_space<vmem>>, vector<128x128xf32>
    %dot_general3A_50 = arith.constant dense<0.000000e+00> : vector<10000x128xf32>
    %dot_general3A_51 = tpu.matmul %get3A_46, %get3A_49, %dot_general3A_50 {dimension_numbers = #tpu.dot_dimension_numbers<[1], [0], [0], [1], [0, 0, 1, 1], [], []>, transpose_lhs_hint = false} : vector<10000x128xf32>, vector<128x128xf32>, vector<10000x128xf32> -> vector<10000x128xf32>
    %add3A_52 = arith.addf %dot_general3A_43, %dot_general3A_51 : vector<10000x128xf32>
    %get3A_53 = arith.constant 0 : index
    %get3A_54 = arith.constant 0 : index
    %get3A_55 = vector.load %arg8[%get3A_53, %get3A_54] : memref<1x128xf32, #tpu.memory_space<vmem>>, vector<1x128xf32>
    %add3A_56 = vector.broadcast %get3A_55 : vector<1x128xf32> to vector<10000x128xf32>
    %add3A_57 = arith.addf %add3A_52, %add3A_56 : vector<10000x128xf32>
    %mul3A_58 = arith.constant 5.000000e-01 : f32
    %mul3A_59 = vector.broadcast %mul3A_58 : f32 to vector<10000x128xf32>
    %mul3A_60 = arith.mulf %mul3A_59, %add3A_57 : vector<10000x128xf32>
    %mul3A_61 = arith.constant 0.707106769 : f32
    %mul3A_62 = vector.broadcast %mul3A_61 : f32 to vector<10000x128xf32>
    %mul3A_63 = arith.mulf %add3A_57, %mul3A_62 : vector<10000x128xf32>
    %erf3A = math.erf %mul3A_63 : vector<10000x128xf32>
    %add3A_64 = arith.constant 1.000000e+00 : f32
    %add3A_65 = vector.broadcast %add3A_64 : f32 to vector<10000x128xf32>
    %add3A_66 = arith.addf %add3A_65, %erf3A : vector<10000x128xf32>
    %mul3A_67 = arith.mulf %mul3A_60, %add3A_66 : vector<10000x128xf32>
    %reduce_sum3A = arith.constant dense<0.000000e+00> : vector<10000xf32>
    %reduce_sum3A_68 = vector.multi_reduction <add>, %mul3A_67, %reduce_sum3A [1] : vector<10000x128xf32> to vector<10000xf32>
    %broadcast_in_dim3A = vector.shape_cast %reduce_sum3A_68 : vector<10000xf32> to vector<10000x1xf32>
    %div3A = arith.constant 1.280000e+02 : f32
    %div3A_69 = vector.broadcast %div3A : f32 to vector<10000x1xf32>
    %div3A_70 = arith.divf %broadcast_in_dim3A, %div3A_69 : vector<10000x1xf32>
    %sub3A = vector.broadcast %div3A_70 : vector<10000x1xf32> to vector<10000x128xf32>
    %sub3A_71 = arith.subf %mul3A_67, %sub3A : vector<10000x128xf32>
    %mul3A_72 = arith.mulf %sub3A_71, %sub3A_71 : vector<10000x128xf32>
    %reduce_sum3A_73 = arith.constant dense<0.000000e+00> : vector<10000xf32>
    %reduce_sum3A_74 = vector.multi_reduction <add>, %mul3A_72, %reduce_sum3A_73 [1] : vector<10000x128xf32> to vector<10000xf32>
    %broadcast_in_dim3A_75 = vector.shape_cast %reduce_sum3A_74 : vector<10000xf32> to vector<10000x1xf32>
    %div3A_76 = arith.constant 1.280000e+02 : f32
    %div3A_77 = vector.broadcast %div3A_76 : f32 to vector<10000x1xf32>
    %div3A_78 = arith.divf %broadcast_in_dim3A_75, %div3A_77 : vector<10000x1xf32>
    %add3A_79 = arith.constant 9.99999974E-6 : f32
    %add3A_80 = vector.broadcast %add3A_79 : f32 to vector<10000x1xf32>
    %add3A_81 = arith.addf %div3A_78, %add3A_80 : vector<10000x1xf32>
    %rsqrt3A = math.rsqrt %add3A_81 : vector<10000x1xf32>
    %mul3A_82 = vector.broadcast %rsqrt3A : vector<10000x1xf32> to vector<10000x128xf32>
    %mul3A_83 = arith.mulf %sub3A_71, %mul3A_82 : vector<10000x128xf32>
    %get3A_84 = arith.constant 0 : index
    %get3A_85 = arith.constant 0 : index
    %get3A_86 = vector.load %arg9[%get3A_84, %get3A_85] : memref<1x128xf32, #tpu.memory_space<vmem>>, vector<1x128xf32>
    %mul3A_87 = vector.broadcast %get3A_86 : vector<1x128xf32> to vector<10000x128xf32>
    %mul3A_88 = arith.mulf %mul3A_83, %mul3A_87 : vector<10000x128xf32>
    %get3A_89 = arith.constant 0 : index
    %get3A_90 = arith.constant 0 : index
    %get3A_91 = vector.load %arg10[%get3A_89, %get3A_90] : memref<1x128xf32, #tpu.memory_space<vmem>>, vector<1x128xf32>
    %add3A_92 = vector.broadcast %get3A_91 : vector<1x128xf32> to vector<10000x128xf32>
    %add3A_93 = arith.addf %mul3A_88, %add3A_92 : vector<10000x128xf32>
    %swap3A = arith.constant 0 : index
    %swap3A_94 = arith.constant 0 : index
    %swap3A_95 = vector.load %arg11[%swap3A, %swap3A_94] : memref<10000x128xf32, #tpu.memory_space<vmem>>, vector<10000x128xf32>
    tpu.vector_store %arg11[%swap3A, %swap3A_94], %add3A_93 {strides = array<i32>} : memref<10000x128xf32, #tpu.memory_space<vmem>>, vector<10000x128xf32>,
    return
  }
}

</mosaic_0001>

<sc_bundles>
// kernel: kernel.10.cloned.1.call-start
scs
__scs_entry_jumppad:
0x0: {  	(pc) =	sbr.rel $0x88, $3  }
0x1: {  	(tag) =	ssettag $0x0;
	lr =	simm.s32 $0x1  }
0x2: {  	[smem:$0x3F94] =	sst lr;
	_ =	strace $0xD0000000  }
0x3: {  	_ = 	snop  }
0x4: {  	_ = 	snop  }
0x5: {  	_ = 	snop  }
0x6: {  	_ = 	snop  }
0x7: {  	_ = 	snop  }
__scs_overlays_trampoline_lowered:
0x8: {  	[smem:$0x3FA3] =	sst s0  }
0x9: {  	[smem:$0x3FA4] =	sst s1  }
0xa: {  	[smem:$0x3FA5] =	sst s2  }
0xb: {  	[smem:$0x3FA6] =	sst s3  }
0xc: {  	[smem:$0x3FA7] =	sst s4  }
0xd: {  	[smem:$0x3FA8] =	sst s5  }
0xe: {  	[smem:$0x3FA9] =	sst s6  }
0xf: {  	[smem:$0x3FAA] =	sst s7  }
0x10: {  	[smem:$0x3FAB] =	sst s8  }
0x11: {  	[smem:$0x3FAC] =	sst s9;
	s0 =	simm.s32 @!p0 $0x0  }
0x12: {  	s1 =	sld [smem:$0x3F92];
	s0 =	simm.s32 @p0 $0x1  }
0x13: {  	[smem:$0x3FAD] =	sst s0;
	s0 =	simm.s32 @!p1 $0x0  }
0x14: {  	s2 =	sld [smem:$0x3F91];
	s0 =	simm.s32 @p1 $0x1  }
0x15: {  	[smem:$0x3FAE] =	sst s0;
	s0 =	simm.s32 @!p2 $0x0  }
0x16: {  	s3 =	sld [smem:$0x3FDB];
	s0 =	simm.s32 @p2 $0x1  }
0x17: {  	s4 =	simm.s32 $0x1BF5;
	[smem:$0x3FB0] =	sst s0  }
0x18: {  	s0 =	sld [smem:$0x3F93];
	_ =	swait.ge [sflag:s4], $0x0  }
0x19: {  	s7 =	sld [smem:$0x3F94]  }
0x1a: {  	s8 =	sadd.s32 $0xFFFFE003, lr  }
0x1b: {  	s9 =	sadd.s32 $0xFFFFFEF7, lr;
	s5 =	simm.s32 $0xFFFFFFFF;
	p2 =	slt.u32 s8, $0xFFFFF086  }
0x1c: {  	p1 =	slt.u32 s9, $0xF7A;
	s5 =	simm.s32 @!p2 $0x0  }
0x1d: {  	s5 =	simm.s32 @p1 $0x1;
	p0 =	seq.s32 s7, s2  }
0x1e: {  	s7 =	smul.u32 @!p0 $0xF7A, s2;
	p2 =	seq.s32 @!p0 s5, $0x0  }
0x1f: {  	s9 =	smul.u32 $0xF7A, s1;
	s8 =	simm.s32 @!p0 $0x1BF5;
	p2 =	por !p2, p0  }
0x20: {  	[sflag:s8] =	ssyncset.s32 @!p0 $0xFFFFF086;
	s6 =	sadd.s32 @!p0 s3, s7;
	s7 =	simm.s32 @!p0 $0x108  }
0x21: {  	s3 =	sadd.s32 s3, s9;
	s6 =	sadd.s32 @!p0 $0x88, s6;
	s7 =	simm.s32 @p2 $0x1082  }
0x22: {  	[simem:s7], [sflag:s8] =	dma.local @!p0 [hbm:s6], $0xF7A  }
0x23: {  	s9 =	sor.u32 $0xD0000000, s2;
	s6 =	simm.s32 $0x108;
	_ =	swait.ge @!p0 [sflag:s8], $0x0  }
0x24: {  	s3 =	sadd.s32 $0x88, s3;
	s6 =	simm.s32 @!p1 $0x1082;
	[sflag:s4] =	ssyncset.s32 $0xFFFFF086  }
0x25: {  	[simem:s6], [sflag:s4] =	dma.local [hbm:s3], $0xF7A  }
0x26: {  	[smem:$0x3F94] =	sst s1;
	(tag) =	ssettag s2;
	_ =	strace s9  }
0x27: {  	s1 =	sld [smem:$0x3FA4]  }
0x28: {  	s2 =	sld [smem:$0x3FA5]  }
0x29: {  	s4 =	sld [smem:$0x3FA7]  }
0x2a: {  	p0 =	seq.s32 s5, $0x0;
	s5 =	sld [smem:$0x3FA8]  }
0x2b: {  	s6 =	sld [smem:$0x3FA9]  }
0x2c: {  	s7 =	sld [smem:$0x3FAA]  }
0x2d: {  	s3 =	simm.s32 $0x108;
	s8 =	sld [smem:$0x3FAB]  }
0x2e: {  	s3 =	simm.s32 @!p0 $0x1082;
	s9 =	sld [smem:$0x3FAC]  }
0x2f: {  	lr =	sadd.s32 s0, s3;
	s0 =	sld [smem:$0x3FA3]  }
0x30: {  	s3 =	sld [smem:$0x3FA6]  }
0x31: {  	[smem:$0x3FAF] =	sst s10  }
0x32: {  	s10 =	sld [smem:$0x3FAD];
	_ =	sdelay $0x3  }
0x33: {  	p0 =	seq.s32 s10, $0x1;
	s10 =	sld [smem:$0x3FAF];
	_ =	sdelay $0x3  }
0x34: {  	[smem:$0x3FAF] =	sst s10  }
0x35: {  	s10 =	sld [smem:$0x3FAE];
	_ =	sdelay $0x3  }
0x36: {  	p1 =	seq.s32 s10, $0x1;
	s10 =	sld [smem:$0x3FAF];
	_ =	sdelay $0x3  }
0x37: {  	[smem:$0x3FAF] =	sst s10  }
0x38: {  	s10 =	sld [smem:$0x3FB0]  }
0x39: {  	_ = 	snop;
	(pc) =	sbr.ind lr, $3  }
0x3a: {  	_ = 	snop  }
0x3b: {  	_ = 	snop  }
0x3c: {  	p2 =	seq.s32 s10, $0x1;
	s10 =	sld [smem:$0x3FAF]  }
0x3d: {  	_ =	shalt  }
0x3e: {  	_ =	shalt  }
0x3f: {  	_ =	shalt  }
0x40: {  	_ =	shalt  }
0x41: {  	_ =	shalt  }
0x42: {  	_ =	shalt  }
0x43: {  	_ =	shalt  }
0x44: {  	_ =	shalt  }
0x45: {  	_ =	shalt  }
0x46: {  	_ =	shalt  }
0x47: {  	_ =	shalt  }
0x48: {  	_ =	shalt  }
0x49: {  	_ =	shalt  }
0x4a: {  	_ =	shalt  }
0x4b: {  	_ =	shalt  }
0x4c: {  	_ =	shalt  }
0x4d: {  	_ =	shalt  }
0x4e: {  	_ =	shalt  }
0x4f: {  	_ =	shalt  }
0x50: {  	_ =	shalt  }
0x51: {  	_ =	shalt  }
0x52: {  	_ =	shalt  }
0x53: {  	_ =	shalt  }
0x54: {  	_ =	shalt  }
0x55: {  	_ =	shalt  }
0x56: {  	_ =	shalt  }
0x57: {  	_ =	shalt  }
0x58: {  	_ =	shalt  }
0x59: {  	_ =	shalt  }
0x5a: {  	_ =	shalt  }
0x5b: {  	_ =	shalt  }
0x5c: {  	_ =	shalt  }
0x5d: {  	_ =	shalt  }
0x5e: {  	_ =	shalt  }
0x5f: {  	_ =	shalt  }
0x60: {  	_ =	shalt  }
0x61: {  	_ =	shalt  }
0x62: {  	_ =	shalt  }
0x63: {  	_ =	shalt  }
0x64: {  	_ =	shalt  }
0x65: {  	_ =	shalt  }
0x66: {  	_ =	shalt  }
0x67: {  	_ =	shalt  }
0x68: {  	_ =	shalt  }
0x69: {  	_ =	shalt  }
0x6a: {  	_ =	shalt  }
0x6b: {  	_ =	shalt  }
0x6c: {  	_ =	shalt  }
0x6d: {  	_ =	shalt  }
0x6e: {  	_ =	shalt  }
0x6f: {  	_ =	shalt  }
0x70: {  	_ =	shalt  }
0x71: {  	_ =	shalt  }
0x72: {  	_ =	shalt  }
0x73: {  	_ =	shalt  }
0x74: {  	_ =	shalt  }
0x75: {  	_ =	shalt  }
0x76: {  	_ =	shalt  }
0x77: {  	_ =	shalt  }
0x78: {  	_ =	shalt  }
0x79: {  	_ =	shalt  }
0x7a: {  	_ =	shalt  }
0x7b: {  	_ =	shalt  }
0x7c: {  	_ =	shalt  }
0x7d: {  	_ =	shalt  }
0x7e: {  	_ =	shalt  }
0x7f: {  	_ =	shalt  }
0x80: {  	_ =	shalt  }
0x81: {  	_ =	shalt  }
0x82: {  	_ =	shalt  }
0x83: {  	_ =	shalt  }
0x84: {  	_ =	shalt  }
0x85: {  	_ =	shalt  }
0x86: {  	_ =	shalt  }
0x87: {  	_ =	shalt  }
.Lfunc_end0:
.L_simem_size_0:
called_computation_lowered:
.L_overlay_start_0:
0x88: {  	s2 =	sld [smem:$0x3FD9]  }
0x89: {  	s3 =	sld [smem:$0x3FFE];
	_ =	sdelay $0x1  }
0x8a: {  	s1 =	srdreg.scid  }
0x8b: {  	s0 =	sand.u32 $0x1, s1  }
0x8c: {  	s16 =	sshll.u32 s0, $0xA;
	s2 =	sadd.s32 s3, s2  }
0x8d: {  	s2 =	sadd.s32 s2, s16  }
0x8e: {  	[smem:$0x3FBB] =	sst s2  }
0x8f: {  	_ = 	snop  }
0x90: {  	(tm) =	ssettm $0x1  }
0x91: {  	s17 =	sld [smem:$0x3FFB];
	_ =	sdelay $0x3  }
0x92: {  	_ =	strace s17  }
0x93: {  	s2 =	sld [smem:$0x3FFC];
	_ =	sdelay $0x3  }
0x94: {  	_ =	strace s2  }
0x95: {  	s2 =	sld [smem:$0x3FFD];
	_ =	sdelay $0x3  }
0x96: {  	_ =	strace s2  }
0x97: {  	_ =	strace $0x8FFFFFFF  }
0x98: {  	s18 =	sld [smem:$0x3FDB];
	_ =	sdelay $0x1  }
0x99: {  	s19 =	simm.s32 $_scs_section_size  }
0x9a: {  	s4 =	simm.s32 $_size__tile_overlayer_lowered;
	s5 =	simm.s32 $_tile_overlayer_lowered  }
0x9b: {  	s22 =	simm.s32 $0x1BFF;
	s21 =	sshll.u32 s5, $0x1;
	s2 =	sadd.s32 s19, s18  }
0x9c: {  	s6 =	simm.s32 $0x0;
	s20 =	sshll.u32 s4, $0x1;
	s4 =	sadd.s32 s21, s2  }
0x9d: {  	[timem:s6], [sflag:s22] =	dma.local [hbm:s4], s20  }
0x9e: {  	_ =	swait.ge [sflag:s22], s20  }
0x9f: {  	s3 =	ssub.s32 $0x0, s20;
	[sflag:s22] =	ssyncset.done $0x0  }
0xa0: {  	[sflag:s22] =	ssyncadd.s32 s3;
	_ =	sdelay $0x1  }
0xa1: {  	s23 =	simm.s32 $0x1B8B  }
0xa2: {  	_ =	swait.ge [sflag:s23], $0x1  }
0xa3: {  	[sflag:s23] =	ssyncset.done $0x0  }
0xa4: {  	s25 =	simm.s32 $0x1B8E;
	s24 =	sld [smem:$0x3FFE];
	[sflag:s23] =	ssyncadd.s32 $0xFFFFFFFF  }
0xa5: {  	s26 =	simm.s32 $execute0_lowered;
	[smem:$0x3FD2] =	sst s25  }
0xa6: {  	s4 =	sshll.u32 s26, $0x1;
	_ =	strace $0x80000046;
	[dreg:$0x1] =	wrdreg $0xFFFFFFFF  }
0xa7: {  	s28 =	simm.s32 $_size_execute0_lowered;
	s2 =	sadd.s32 s2, s4;
	[dreg:$0x0] =	wrdreg $0x0  }
0xa8: {  	s4 =	sshll.u32 s28, $0x1;
	[dreg:$0x2] =	wrdreg s2  }
0xa9: {  	[dreg:$0x3] =	wrdreg s4  }
0xaa: {  	[dreg:$0x4] =	wrdreg $0xC0  }
0xab: {  	_ =	task [dreg:s6], $0x5FFFF  }
0xac: {  	[dreg:$0x1] =	wrdreg $0xFFFFFFFF  }
0xad: {  	[dreg:$0x0] =	wrdreg $0x60  }
0xae: {  	[dreg:$0x2] =	wrdreg s24  }
0xaf: {  	[dreg:$0x3] =	wrdreg $0x9  }
0xb0: {  	_ =	task.clear_ibuf [dreg:s6], $0x4FFFF;
	_ =	strace $0x90000046  }
0xb1: {  	s29 =	simm.s32 $0x9;
	_ =	strace $0x80000048  }
0xb2: {  	_ =	swait.ge [sflag:s29], $0x1  }
0xb3: {  	[sflag:s29] =	ssyncadd.s32 $0xFFFFFFFF  }
0xb4: {  	_ =	strace $0x90000048  }
0xb5: {  	_ =	sfence  }
0xb6: {  	s30 =	sld [smem:$0x0];
	_ =	sdelay $0x2  }
0xb7: {  	s31 =	sshll.u32 s1, $0xD;
	s1 =	sshrl.u32 s1, $0x2  }
0xb8: {  	s3 =	sand.u32 $0x4000, s31;
	s1 =	sadd.s32 s1, s30  }
0xb9: {  	s0 =	sor.u32 s3, s0;
	s1 =	sshll.u32 s1, $0x11  }
0xba: {  	s0 =	sor.u32 s1, s0  }
0xbb: {  	s0 =	sadd.s32 $0x8F2B, s0  }
0xbc: {  	[sflag:s0] =	ssyncadd.remote.s32 $0x1  }
0xbd: {  	_ =	sfence.sel $0xFFFF  }
0xbe: {  	[dreg:$0x0] =	wrdreg $0xFFFFFFFF;
	(pc) =	sbr.abs _section_cstart, $3  }
0xbf: {  	[dreg:$0x1] =	wrdreg $0xFFFFFFFF  }
0xc0: {  	_ =	task.clear_ibuf [dreg:s6], $0x2FFFF;
	_ =	strace $0x9FFFFFFF  }
0xc1: {  	(tm) =	ssettm $0x7FFFFFFF  }
tec
execute0_lowered:
.L_overlay_start_1:
0x0: {  	(tag) =	ssettag $0x1  }
0x1: {  	s0 =	rddreg [dreg:$0x0]  }
0x2: {  	s1 =	simm.s32 $0x0;
	s30 =	srdreg.scid;
	s13 =	stileid.u32  }
0x3: {  	s14 =	simm.s32 $0x1;
	s15 =	simm.s32 $0x13880;
	s16 =	simm.s32 $0x14080  }
0x4: {  	s17 =	simm.s32 $0x16800;
	s18 =	simm.s32 $0x14880;
	s19 =	simm.s32 $0x15050  }
0x5: {  	s20 =	simm.s32 $0x15820;
	s21 =	simm.s32 $0x15FF0;
	s22 =	simm.s32 $0x18780  }
0x6: {  	s23 =	simm.s32 $0x18F50;
	s24 =	simm.s32 $0x19720;
	s25 =	simm.s32 $0x19EF0  }
0x7: {  	s26 =	simm.s32 $0x0;
	[smem:$0x7FF] =	sst s1;
	s2 =	sadd.s32 $0x15000, s0  }
0x8: {  	s3 =	sadd.s32 $0xB000, s0;
	s4 =	sadd.s32 $0x1200, s0;
	s5 =	sadd.s32 $0x17800, s0  }
0x9: {  	_ =	strace $0x80000047;
	[dreg:$0x2] =	wrdreg s2;
	s2 =	sand.u32 $0x1, s30  }
0xa: {  	s6 =	sadd.s32 $0x21600, s0;
	s7 =	sadd.s32 $0x2B400, s0;
	s8 =	ssub.s32 $0x2, s2  }
0xb: {  	s9 =	sadd.s32 $0x35200, s0;
	s2 =	sshll.u32 s2, $0x4;
	s12 =	sshrl.u32 s8, $0x1  }
0xc: {  	v0 =	vlaneseq.u32;
	s10 =	sadd.s32 $0x521000, s0;
	s2 =	sor.u32 s13, s2;
	s31 =	ssub.s32 s8, s12  }
0xd: {  	s11 =	sadd.s32 $0x548200, s0;
	v0 =	vmul.u32 $0x4, v0;
	s12 =	smul.u32 $0x2710, s2;
	s13 =	smax.u32 s31, $0x1  }
.LBB2_1:
0xe: {  	s0 =	rddreg [dreg:$0x2]  }
0xf: {  	[tilespmem:s1], [sflag:$0x1] =	stream.linear.gather [hbm4b:s0+s1], $0x13880, $0x38;
	[tilespmem:$0x1A700] =	vst v63  }
0x10: {  	_ =	swait.ge [sflag:s14], $0x13880  }
0x11: {  	[sflag:s14] =	ssyncset.done $0x0  }
0x12: {  	s28 =	simm.s32 $0x0;
	[sflag:s14] =	ssyncadd.s32 $0xFFFEC780  }
.LBB2_2:
0x13: {  	s0 =	smul.u32 $0x7D0, s28;
	_ =	sdelay $0x1  }
0x14: {  	s0 =	sadd.s32 s12, s0  }
0x15: {  	s29 =	sshrl.u32 s0, $0x3  }
0x16: {  	s8 =	simm.s32 $0x0;
	s2 =	sadd.s32 s3, s29  }
0x17: {  	[tilespmem:s15], [sflag:$0x1] =	stream.linear.gather [hbm4b:s2+s8], $0x7D0, $0x38;
	[tilespmem:$0x1A700] =	vst v63  }
0x18: {  	_ =	swait.ge [sflag:s14], $0x7D0  }
0x19: {  	[sflag:s14] =	ssyncset.done $0x0  }
0x1a: {  	s2 =	sadd.s32 s4, s29;
	[sflag:s14] =	ssyncadd.s32 $0xFFFFF830  }
0x1b: {  	[tilespmem:s16], [sflag:$0x1] =	stream.linear.gather [hbm4b:s2+s8], $0x7D0, $0x38;
	[tilespmem:$0x1A700] =	vst v63  }
0x1c: {  	_ =	swait.ge [sflag:s14], $0x7D0  }
0x1d: {  	s0 =	sshrl.u32 s0, $0x1;
	[sflag:s14] =	ssyncset.done $0x0  }
0x1e: {  	s0 =	sadd.s32 s10, s0;
	[sflag:s14] =	ssyncadd.s32 $0xFFFFF830  }
0x1f: {  	[tilespmem:s17], [sflag:$0x1] =	stream.linear.gather [hbm4b:s0+s8], $0x1F40, $0x38;
	[tilespmem:$0x1A700] =	vst v63  }
0x20: {  	_ =	swait.ge [sflag:s14], $0x1F40  }
0x21: {  	[sflag:s14] =	ssyncset.done $0x0  }
0x22: {  	s2 =	sadd.s32 s5, s29;
	[sflag:s14] =	ssyncadd.s32 $0xFFFFE0C0  }
0x23: {  	[tilespmem:s18], [sflag:$0x1] =	stream.linear.gather [hbm4b:s2+s8], $0x7D0, $0x38;
	[tilespmem:$0x1A700] =	vst v63  }
0x24: {  	_ =	swait.ge [sflag:s14], $0x7D0  }
0x25: {  	[sflag:s14] =	ssyncset.done $0x0  }
0x26: {  	s2 =	sadd.s32 s6, s29;
	[sflag:s14] =	ssyncadd.s32 $0xFFFFF830  }
0x27: {  	[tilespmem:s19], [sflag:$0x1] =	stream.linear.gather [hbm4b:s2+s8], $0x7D0, $0x38;
	[tilespmem:$0x1A700] =	vst v63  }
0x28: {  	_ =	swait.ge [sflag:s14], $0x7D0  }
0x29: {  	[sflag:s14] =	ssyncset.done $0x0  }
0x2a: {  	s2 =	sadd.s32 s7, s29;
	[sflag:s14] =	ssyncadd.s32 $0xFFFFF830  }
0x2b: {  	[tilespmem:s20], [sflag:$0x1] =	stream.linear.gather [hbm4b:s2+s8], $0x7D0, $0x38;
	[tilespmem:$0x1A700] =	vst v63  }
0x2c: {  	_ =	swait.ge [sflag:s14], $0x7D0  }
0x2d: {  	[sflag:s14] =	ssyncset.done $0x0  }
0x2e: {  	s2 =	sadd.s32 s9, s29;
	[sflag:s14] =	ssyncadd.s32 $0xFFFFF830  }
0x2f: {  	[tilespmem:s21], [sflag:$0x1] =	stream.linear.gather [hbm4b:s2+s8], $0x7D0, $0x38;
	[tilespmem:$0x1A700] =	vst v63  }
0x30: {  	_ =	swait.ge [sflag:s14], $0x7D0  }
0x31: {  	[sflag:s14] =	ssyncset.done $0x0  }
0x32: {  	s30 =	simm.s32 $0x0;
	[sflag:s14] =	ssyncadd.s32 $0xFFFFF830  }
0x33: {  	v1 =	vld [tilespmem:s30+$0x14080]  }
0x34: {  	v2 =	vld [tilespmem:s30+$0x13880];
	_ =	sdelay $0x4  }
0x35: {  	v1 =	vshll.u32 v1, $0x3;
	v2 =	vshll.u32 v2, $0x3  }
0x36: {  	v3 =	vor.u32 $0x4, v1;
	_ =	sdelay $0x3  }
0x37: {  	v4 =	vor.u32 s8, v0;
	v5 =	vld.idx.msk [tilespmem:v2+s1+$0x0], $0xffff  }
0x38: {  	v3 =	vld.idx.msk [tilespmem:v3+s1+$0x0], $0xffff;
	_ =	sdelay $0x1  }
0x39: {  	v6 =	vld [tilespmem:s30+$0x14880];
	_ =	sdelay $0x1  }
0x3a: {  	v4 =	vld.idx.msk [tilespmem:v4+s17+$0x0], $0xffff  }
0x3b: {  	v3 =	vadd.f32 v3, v5;
	_ =	sdelay $0x1  }
0x3c: {  	v5 =	vor.u32 $0x1, v2;
	v3 =	vadd.f32 v6, v3  }
0x3d: {  	v6 =	vor.u32 $0x5, v1  }
0x3e: {  	v3 =	vadd.f32 v4, v3;
	_ =	sdelay $0x1  }
0x3f: {  	s8 =	simm.s32 $0x1;
	[tilespmem:s30+$0x18780] =	vst v3  }
0x40: {  	v4 =	vor.u32 s8, v0;
	v3 =	vld.idx.msk [tilespmem:v5+s1+$0x0], $0xffff  }
0x41: {  	v5 =	vld.idx.msk [tilespmem:v6+s1+$0x0], $0xffff;
	_ =	sdelay $0x1  }
0x42: {  	v6 =	vld [tilespmem:s30+$0x15050];
	_ =	sdelay $0x1  }
0x43: {  	v4 =	vld.idx.msk [tilespmem:v4+s17+$0x0], $0xffff  }
0x44: {  	v3 =	vadd.f32 v5, v3;
	_ =	sdelay $0x1  }
0x45: {  	v5 =	vor.u32 $0x2, v2;
	v3 =	vadd.f32 v6, v3  }
0x46: {  	v6 =	vor.u32 $0x6, v1  }
0x47: {  	v3 =	vadd.f32 v4, v3;
	_ =	sdelay $0x1  }
0x48: {  	s2 =	simm.s32 $0x2;
	[tilespmem:s30+$0x18F50] =	vst v3  }
0x49: {  	v4 =	vor.u32 s2, v0;
	v3 =	vld.idx.msk [tilespmem:v5+s1+$0x0], $0xffff  }
0x4a: {  	v5 =	vld.idx.msk [tilespmem:v6+s1+$0x0], $0xffff;
	_ =	sdelay $0x1  }
0x4b: {  	v6 =	vld [tilespmem:s30+$0x15820];
	_ =	sdelay $0x1  }
0x4c: {  	v4 =	vld.idx.msk [tilespmem:v4+s17+$0x0], $0xffff  }
0x4d: {  	v3 =	vadd.f32 v5, v3;
	_ =	sdelay $0x1  }
0x4e: {  	v2 =	vor.u32 $0x3, v2;
	v3 =	vadd.f32 v6, v3  }
0x4f: {  	v1 =	vor.u32 $0x7, v1  }
0x50: {  	v3 =	vadd.f32 v4, v3;
	_ =	sdelay $0x1  }
0x51: {  	[tilespmem:s30+$0x19720] =	vst v3  }
0x52: {  	s8 =	simm.s32 $0x3;
	v5 =	vld.idx.msk [tilespmem:v2+s1+$0x0], $0xffff  }
0x53: {  	v3 =	vor.u32 s8, v0;
	s8 =	simm.s32 $0x10;
	v1 =	vld.idx.msk [tilespmem:v1+s1+$0x0], $0xffff  }
0x54: {  	v6 =	vld [tilespmem:s8+$0x14080]  }
0x55: {  	v2 =	vld [tilespmem:s30+$0x15FF0]  }
0x56: {  	v4 =	vld [tilespmem:s8+$0x13880];
	_ =	sdelay $0x1  }
0x57: {  	v3 =	vld.idx.msk [tilespmem:v3+s17+$0x0], $0xffff  }
0x58: {  	v5 =	vadd.f32 v1, v5  }
0x59: {  	s31 =	simm.s32 $0x40;
	s0 =	simm.s32 $0x80;
	v1 =	vshll.u32 v6, $0x3  }
.LBB2_3:
0x5a: {  	p0 =	sne.s32 s0, $0x1F00;
	v4 =	vshll.u32 v4, $0x3;
	v6 =	vor.u32 $0x4, v1;
	v2 =	vadd.f32 v2, v5;
	s2 =	smov.u32 s0;
	s0 =	sadd.s32 $0x40, s0  }
0x5b: {  	_ = 	snop  }
0x5c: {  	v2 =	vadd.f32 v3, v2;
	_ =	sdelay $0x1  }
0x5d: {  	[tilespmem:s30+$0x19EF0] =	vst v2;
	s30 =	smov.u32 s8  }
0x5e: {  	v3 =	vor.u32 s31, v0;
	v2 =	vld.idx.msk [tilespmem:v6+s1+$0x0], $0xffff  }
0x5f: {  	v5 =	vld.idx.msk [tilespmem:v4+s1+$0x0], $0xffff;
	_ =	sdelay $0x2  }
0x60: {  	v6 =	vld [tilespmem:s30+$0x14880]  }
0x61: {  	v3 =	vld.idx.msk [tilespmem:v3+s17+$0x0], $0xffff;
	_ =	sdelay $0x1  }
0x62: {  	v2 =	vadd.f32 v2, v5;
	_ =	sdelay $0x1  }
0x63: {  	v5 =	vor.u32 $0x1, v4;
	v2 =	vadd.f32 v6, v2  }
0x64: {  	v6 =	vor.u32 $0x5, v1  }
0x65: {  	v2 =	vadd.f32 v3, v2;
	_ =	sdelay $0x1  }
0x66: {  	s8 =	sadd.s32 $0x1, s31;
	[tilespmem:s30+$0x18780] =	vst v2  }
0x67: {  	v3 =	vor.u32 s8, v0;
	v2 =	vld.idx.msk [tilespmem:v5+s1+$0x0], $0xffff  }
0x68: {  	v5 =	vld.idx.msk [tilespmem:v6+s1+$0x0], $0xffff;
	_ =	sdelay $0x2  }
0x69: {  	v6 =	vld [tilespmem:s30+$0x15050]  }
0x6a: {  	v3 =	vld.idx.msk [tilespmem:v3+s17+$0x0], $0xffff;
	_ =	sdelay $0x1  }
0x6b: {  	v2 =	vadd.f32 v5, v2;
	_ =	sdelay $0x1  }
0x6c: {  	v5 =	vor.u32 $0x2, v4;
	v2 =	vadd.f32 v6, v2  }
0x6d: {  	v6 =	vor.u32 $0x6, v1  }
0x6e: {  	v2 =	vadd.f32 v3, v2;
	_ =	sdelay $0x1  }
0x6f: {  	s8 =	sadd.s32 $0x2, s31;
	[tilespmem:s30+$0x18F50] =	vst v2  }
0x70: {  	v3 =	vor.u32 s8, v0;
	v2 =	vld.idx.msk [tilespmem:v5+s1+$0x0], $0xffff  }
0x71: {  	v5 =	vld.idx.msk [tilespmem:v6+s1+$0x0], $0xffff;
	_ =	sdelay $0x2  }
0x72: {  	v6 =	vld [tilespmem:s30+$0x15820]  }
0x73: {  	v3 =	vld.idx.msk [tilespmem:v3+s17+$0x0], $0xffff;
	_ =	sdelay $0x1  }
0x74: {  	v2 =	vadd.f32 v5, v2;
	_ =	sdelay $0x1  }
0x75: {  	v4 =	vor.u32 $0x3, v4;
	v1 =	vor.u32 $0x7, v1;
	v2 =	vadd.f32 v6, v2  }
0x76: {  	s8 =	sadd.s32 $0x3, s31;
	s31 =	smov.u32 s2  }
0x77: {  	v2 =	vadd.f32 v3, v2;
	v3 =	vor.u32 s8, v0;
	_ =	sdelay $0x1  }
0x78: {  	[tilespmem:s30+$0x19720] =	vst v2;
	v2 =	vld [tilespmem:s30+$0x15FF0]  }
0x79: {  	v5 =	vld.idx.msk [tilespmem:v4+s1+$0x0], $0xffff  }
0x7a: {  	v1 =	vld.idx.msk [tilespmem:v1+s1+$0x0], $0xffff  }
0x7b: {  	s8 =	sshra.s32 s31, $0x2;
	v3 =	vld.idx.msk [tilespmem:v3+s17+$0x0], $0xffff  }
0x7c: {  	v6 =	vld [tilespmem:s8+$0x14080]  }
.Ltmp0:
0x7d: {  	v4 =	vld [tilespmem:s8+$0x13880];
	(pc) =	sbr.rel @p0 .LBB2_3-.Ltmp0, $3  }
0x7e: {  	_ =	sdelay $0x1  }
0x7f: {  	v5 =	vadd.f32 v1, v5  }
0x80: {  	v1 =	vshll.u32 v6, $0x3  }
0x81: {  	v6 =	vor.u32 $0x4, v1;
	v2 =	vadd.f32 v2, v5  }
0x82: {  	v4 =	vshll.u32 v4, $0x3  }
0x83: {  	v2 =	vadd.f32 v3, v2;
	_ =	sdelay $0x1  }
0x84: {  	[tilespmem:s30+$0x19EF0] =	vst v2  }
0x85: {  	v3 =	vor.u32 s31, v0;
	v2 =	vld.idx.msk [tilespmem:v6+s1+$0x0], $0xffff  }
0x86: {  	v53 =	vld.idx.msk [tilespmem:v4+s1+$0x0], $0xffff;
	_ =	sdelay $0x1  }
0x87: {  	v54 =	vld [tilespmem:s8+$0x14880];
	_ =	sdelay $0x1  }
0x88: {  	v3 =	vld.idx.msk [tilespmem:v3+s17+$0x0], $0xffff  }
0x89: {  	v2 =	vadd.f32 v2, v53;
	_ =	sdelay $0x1  }
0x8a: {  	v55 =	vor.u32 $0x1, v4;
	v2 =	vadd.f32 v54, v2  }
0x8b: {  	v56 =	vor.u32 $0x5, v1  }
0x8c: {  	v2 =	vadd.f32 v3, v2;
	_ =	sdelay $0x1  }
0x8d: {  	s0 =	sadd.s32 $0x1, s31;
	[tilespmem:s8+$0x18780] =	vst v2  }
0x8e: {  	v3 =	vor.u32 s0, v0;
	v2 =	vld.idx.msk [tilespmem:v55+s1+$0x0], $0xffff  }
0x8f: {  	v57 =	vld.idx.msk [tilespmem:v56+s1+$0x0], $0xffff;
	_ =	sdelay $0x1  }
0x90: {  	v58 =	vld [tilespmem:s8+$0x15050];
	_ =	sdelay $0x1  }
0x91: {  	v3 =	vld.idx.msk [tilespmem:v3+s17+$0x0], $0xffff  }
0x92: {  	v2 =	vadd.f32 v57, v2;
	_ =	sdelay $0x1  }
0x93: {  	v59 =	vor.u32 $0x2, v4;
	v2 =	vadd.f32 v58, v2  }
0x94: {  	v60 =	vor.u32 $0x6, v1  }
0x95: {  	v2 =	vadd.f32 v3, v2;
	_ =	sdelay $0x1  }
0x96: {  	s30 =	sadd.s32 $0x2, s31;
	[tilespmem:s8+$0x18F50] =	vst v2  }
0x97: {  	v3 =	vor.u32 s30, v0;
	v2 =	vld.idx.msk [tilespmem:v59+s1+$0x0], $0xffff  }
0x98: {  	v61 =	vld.idx.msk [tilespmem:v60+s1+$0x0], $0xffff;
	_ =	sdelay $0x1  }
0x99: {  	v62 =	vld [tilespmem:s8+$0x15820];
	_ =	sdelay $0x1  }
0x9a: {  	v3 =	vld.idx.msk [tilespmem:v3+s17+$0x0], $0xffff  }
0x9b: {  	v2 =	vadd.f32 v61, v2;
	_ =	sdelay $0x1  }
0x9c: {  	v4 =	vor.u32 $0x3, v4;
	v2 =	vadd.f32 v62, v2  }
0x9d: {  	v1 =	vor.u32 $0x7, v1  }
0x9e: {  	v2 =	vadd.f32 v3, v2;
	_ =	sdelay $0x1  }
0x9f: {  	s2 =	sadd.s32 $0x3, s31;
	[tilespmem:s8+$0x19720] =	vst v2  }
0xa0: {  	v2 =	vor.u32 s2, v0;
	v3 =	vld.idx.msk [tilespmem:v4+s1+$0x0], $0xffff  }
0xa1: {  	v1 =	vld.idx.msk [tilespmem:v1+s1+$0x0], $0xffff;
	_ =	sdelay $0x1  }
0xa2: {  	v63 =	vld [tilespmem:s8+$0x15FF0];
	_ =	sdelay $0x1  }
0xa3: {  	v2 =	vld.idx.msk [tilespmem:v2+s17+$0x0], $0xffff  }
0xa4: {  	v1 =	vadd.f32 v1, v3;
	_ =	sdelay $0x1  }
0xa5: {  	v1 =	vadd.f32 v63, v1;
	_ =	sdelay $0x1  }
0xa6: {  	v1 =	vadd.f32 v2, v1;
	_ =	sdelay $0x1  }
0xa7: {  	s30 =	sadd.s32 s11, s29;
	[tilespmem:s8+$0x19EF0] =	vst v1  }
0xa8: {  	[hbm4b:s30+s1] =	stream.linear.scatter [tilespmem:s22], [sflag:$0x1], $0x7D0, $0x38;
	[tilespmem:$0x1A700] =	vst v63  }
0xa9: {  	_ =	swait.ge [sflag:s14], $0x7D0  }
0xaa: {  	[sflag:s14] =	ssyncset.done $0x0  }
0xab: {  	s2 =	sadd.s32 $0x9C40, s30;
	[sflag:s14] =	ssyncadd.s32 $0xFFFFF830  }
0xac: {  	[hbm4b:s2+s1] =	stream.linear.scatter [tilespmem:s23], [sflag:$0x1], $0x7D0, $0x38;
	[tilespmem:$0x1A700] =	vst v63  }
0xad: {  	_ =	swait.ge [sflag:s14], $0x7D0  }
0xae: {  	[sflag:s14] =	ssyncset.done $0x0  }
0xaf: {  	s31 =	sadd.s32 $0x13880, s30;
	[sflag:s14] =	ssyncadd.s32 $0xFFFFF830  }
0xb0: {  	[hbm4b:s31+s1] =	stream.linear.scatter [tilespmem:s24], [sflag:$0x1], $0x7D0, $0x38;
	[tilespmem:$0x1A700] =	vst v63  }
0xb1: {  	s28 =	sadd.s32 $0x1, s28;
	_ =	swait.ge [sflag:s14], $0x7D0  }
0xb2: {  	p0 =	sne.s32 s28, $0x5;
	[sflag:s14] =	ssyncset.done $0x0  }
.Ltmp1:
0xb3: {  	s0 =	sadd.s32 $0x1D4C0, s30;
	[sflag:s14] =	ssyncadd.s32 $0xFFFFF830;
	(pc) =	sbr.rel @p0 .LBB2_2-.Ltmp1, $4  }
0xb4: {  	[hbm4b:s0+s1] =	stream.linear.scatter [tilespmem:s25], [sflag:$0x1], $0x7D0, $0x38;
	[tilespmem:$0x1A700] =	vst v63  }
0xb5: {  	_ =	swait.ge [sflag:s14], $0x7D0  }
0xb6: {  	[sflag:s14] =	ssyncset.done $0x0  }
0xb7: {  	[sflag:s14] =	ssyncadd.s32 $0xFFFFF830  }
0xb8: {  	s26 =	sadd.s32 $0x1, s26  }
0xb9: {  	p0 =	sne.s32 s26, s13  }
.Ltmp2:
0xba: {  	_ = 	snop;
	(pc) =	sbr.rel @p0 .LBB2_1-.Ltmp2, $1  }
0xbb: {  	_ =	sdelay $0x3  }
0xbc: {  	_ =	sfence.sel $0x180000  }
0xbd: {  	[bflag:$0x0] =	sbarrier.arrive $0xFFFF  }
0xbe: {  	_ =	strace $0x90000047  }
0xbf: {  	s0 =	stileid.u32;
	[bflag:$0x2] =	sbarrier.arrive $0xFFFF  }
0xc0: {  	p0 =	sne.s32 s0, $0x0;
	s0 =	rddreg [dreg:$0x1]  }
0xc1: {  	s0 =	sadd.s32 @!p0 $0x100000, s0  }
0xc2: {  	[sflag:s0] =	ssyncadd.tile.s32 @!p0 $0x1;
	_ =	shalt  }
.Lfunc_end2:
_tile_overlayer_lowered:
.L_overlay_start_2:
0xc3: {  	(tag) =	ssettag $0x2  }
0xc4: {  	s0 =	rddreg [dreg:$0x0];
	s2 =	stileid.u32  }
0xc5: {  	s1 =	rddreg [dreg:$0x1];
	p0 =	sne.s32 s2, $0x0  }
0xc6: {  	s3 =	rddreg [dreg:$0x2];
	[bflag:$0x3] =	sbarrier.arrive $0xFFFF;
	s2 =	simm.s32 @!p0 $0x1C01  }
0xc7: {  	[timem:s3], [sflag:s2] =	dma.local @!p0 [hbm:s0], s1  }
0xc8: {  	s0 =	simm.s32 @!p0 $0x1  }
0xc9: {  	_ =	swait.ge @!p0 [sflag:s0], s1  }
0xca: {  	s1 =	ssub.s32 @!p0 $0x0, s1;
	[sflag:s0] =	ssyncset.done @!p0 $0x0  }
0xcb: {  	[sflag:s0] =	ssyncadd.s32 @!p0 s1  }
0xcc: {  	[bflag:$0x3] =	sbarrier.arrive $0xFFFF  }
0xcd: {  	_ =	shalt  }

// kernel: kernel.13.cloned.1.call-start
scs
__scs_entry_jumppad:
0x0: {  	(pc) =	sbr.rel $0x88, $3  }
0x1: {  	(tag) =	ssettag $0x0;
	lr =	simm.s32 $0x1  }
0x2: {  	[smem:$0x3F94] =	sst lr;
	_ =	strace $0xD0000000  }
0x3: {  	_ = 	snop  }
0x4: {  	_ = 	snop  }
0x5: {  	_ = 	snop  }
0x6: {  	_ = 	snop  }
0x7: {  	_ = 	snop  }
__scs_overlays_trampoline_lowered:
0x8: {  	[smem:$0x3FA3] =	sst s0  }
0x9: {  	[smem:$0x3FA4] =	sst s1  }
0xa: {  	[smem:$0x3FA5] =	sst s2  }
0xb: {  	[smem:$0x3FA6] =	sst s3  }
0xc: {  	[smem:$0x3FA7] =	sst s4  }
0xd: {  	[smem:$0x3FA8] =	sst s5  }
0xe: {  	[smem:$0x3FA9] =	sst s6  }
0xf: {  	[smem:$0x3FAA] =	sst s7  }
0x10: {  	[smem:$0x3FAB] =	sst s8  }
0x11: {  	[smem:$0x3FAC] =	sst s9;
	s0 =	simm.s32 @!p0 $0x0  }
0x12: {  	s1 =	sld [smem:$0x3F92];
	s0 =	simm.s32 @p0 $0x1  }
0x13: {  	[smem:$0x3FAD] =	sst s0;
	s0 =	simm.s32 @!p1 $0x0  }
0x14: {  	s2 =	sld [smem:$0x3F91];
	s0 =	simm.s32 @p1 $0x1  }
0x15: {  	[smem:$0x3FAE] =	sst s0;
	s0 =	simm.s32 @!p2 $0x0  }
0x16: {  	s3 =	sld [smem:$0x3FDB];
	s0 =	simm.s32 @p2 $0x1  }
0x17: {  	s4 =	simm.s32 $0x1BF5;
	[smem:$0x3FB0] =	sst s0  }
0x18: {  	s0 =	sld [smem:$0x3F93];
	_ =	swait.ge [sflag:s4], $0x0  }
0x19: {  	s7 =	sld [smem:$0x3F94]  }
0x1a: {  	s8 =	sadd.s32 $0xFFFFE003, lr  }
0x1b: {  	s9 =	sadd.s32 $0xFFFFFEF7, lr;
	s5 =	simm.s32 $0xFFFFFFFF;
	p2 =	slt.u32 s8, $0xFFFFF086  }
0x1c: {  	p1 =	slt.u32 s9, $0xF7A;
	s5 =	simm.s32 @!p2 $0x0  }
0x1d: {  	s5 =	simm.s32 @p1 $0x1;
	p0 =	seq.s32 s7, s2  }
0x1e: {  	s7 =	smul.u32 @!p0 $0xF7A, s2;
	p2 =	seq.s32 @!p0 s5, $0x0  }
0x1f: {  	s9 =	smul.u32 $0xF7A, s1;
	s8 =	simm.s32 @!p0 $0x1BF5;
	p2 =	por !p2, p0  }
0x20: {  	[sflag:s8] =	ssyncset.s32 @!p0 $0xFFFFF086;
	s6 =	sadd.s32 @!p0 s3, s7;
	s7 =	simm.s32 @!p0 $0x108  }
0x21: {  	s3 =	sadd.s32 s3, s9;
	s6 =	sadd.s32 @!p0 $0x88, s6;
	s7 =	simm.s32 @p2 $0x1082  }
0x22: {  	[simem:s7], [sflag:s8] =	dma.local @!p0 [hbm:s6], $0xF7A  }
0x23: {  	s9 =	sor.u32 $0xD0000000, s2;
	s6 =	simm.s32 $0x108;
	_ =	swait.ge @!p0 [sflag:s8], $0x0  }
0x24: {  	s3 =	sadd.s32 $0x88, s3;
	s6 =	simm.s32 @!p1 $0x1082;
	[sflag:s4] =	ssyncset.s32 $0xFFFFF086  }
0x25: {  	[simem:s6], [sflag:s4] =	dma.local [hbm:s3], $0xF7A  }
0x26: {  	[smem:$0x3F94] =	sst s1;
	(tag) =	ssettag s2;
	_ =	strace s9  }
0x27: {  	s1 =	sld [smem:$0x3FA4]  }
0x28: {  	s2 =	sld [smem:$0x3FA5]  }
0x29: {  	s4 =	sld [smem:$0x3FA7]  }
0x2a: {  	p0 =	seq.s32 s5, $0x0;
	s5 =	sld [smem:$0x3FA8]  }
0x2b: {  	s6 =	sld [smem:$0x3FA9]  }
0x2c: {  	s7 =	sld [smem:$0x3FAA]  }
0x2d: {  	s3 =	simm.s32 $0x108;
	s8 =	sld [smem:$0x3FAB]  }
0x2e: {  	s3 =	simm.s32 @!p0 $0x1082;
	s9 =	sld [smem:$0x3FAC]  }
0x2f: {  	lr =	sadd.s32 s0, s3;
	s0 =	sld [smem:$0x3FA3]  }
0x30: {  	s3 =	sld [smem:$0x3FA6]  }
0x31: {  	[smem:$0x3FAF] =	sst s10  }
0x32: {  	s10 =	sld [smem:$0x3FAD];
	_ =	sdelay $0x3  }
0x33: {  	p0 =	seq.s32 s10, $0x1;
	s10 =	sld [smem:$0x3FAF];
	_ =	sdelay $0x3  }
0x34: {  	[smem:$0x3FAF] =	sst s10  }
0x35: {  	s10 =	sld [smem:$0x3FAE];
	_ =	sdelay $0x3  }
0x36: {  	p1 =	seq.s32 s10, $0x1;
	s10 =	sld [smem:$0x3FAF];
	_ =	sdelay $0x3  }
0x37: {  	[smem:$0x3FAF] =	sst s10  }
0x38: {  	s10 =	sld [smem:$0x3FB0]  }
0x39: {  	_ = 	snop;
	(pc) =	sbr.ind lr, $3  }
0x3a: {  	_ = 	snop  }
0x3b: {  	_ = 	snop  }
0x3c: {  	p2 =	seq.s32 s10, $0x1;
	s10 =	sld [smem:$0x3FAF]  }
0x3d: {  	_ =	shalt  }
0x3e: {  	_ =	shalt  }
0x3f: {  	_ =	shalt  }
0x40: {  	_ =	shalt  }
0x41: {  	_ =	shalt  }
0x42: {  	_ =	shalt  }
0x43: {  	_ =	shalt  }
0x44: {  	_ =	shalt  }
0x45: {  	_ =	shalt  }
0x46: {  	_ =	shalt  }
0x47: {  	_ =	shalt  }
0x48: {  	_ =	shalt  }
0x49: {  	_ =	shalt  }
0x4a: {  	_ =	shalt  }
0x4b: {  	_ =	shalt  }
0x4c: {  	_ =	shalt  }
0x4d: {  	_ =	shalt  }
0x4e: {  	_ =	shalt  }
0x4f: {  	_ =	shalt  }
0x50: {  	_ =	shalt  }
0x51: {  	_ =	shalt  }
0x52: {  	_ =	shalt  }
0x53: {  	_ =	shalt  }
0x54: {  	_ =	shalt  }
0x55: {  	_ =	shalt  }
0x56: {  	_ =	shalt  }
0x57: {  	_ =	shalt  }
0x58: {  	_ =	shalt  }
0x59: {  	_ =	shalt  }
0x5a: {  	_ =	shalt  }
0x5b: {  	_ =	shalt  }
0x5c: {  	_ =	shalt  }
0x5d: {  	_ =	shalt  }
0x5e: {  	_ =	shalt  }
0x5f: {  	_ =	shalt  }
0x60: {  	_ =	shalt  }
0x61: {  	_ =	shalt  }
0x62: {  	_ =	shalt  }
0x63: {  	_ =	shalt  }
0x64: {  	_ =	shalt  }
0x65: {  	_ =	shalt  }
0x66: {  	_ =	shalt  }
0x67: {  	_ =	shalt  }
0x68: {  	_ =	shalt  }
0x69: {  	_ =	shalt  }
0x6a: {  	_ =	shalt  }
0x6b: {  	_ =	shalt  }
0x6c: {  	_ =	shalt  }
0x6d: {  	_ =	shalt  }
0x6e: {  	_ =	shalt  }
0x6f: {  	_ =	shalt  }
0x70: {  	_ =	shalt  }
0x71: {  	_ =	shalt  }
0x72: {  	_ =	shalt  }
0x73: {  	_ =	shalt  }
0x74: {  	_ =	shalt  }
0x75: {  	_ =	shalt  }
0x76: {  	_ =	shalt  }
0x77: {  	_ =	shalt  }
0x78: {  	_ =	shalt  }
0x79: {  	_ =	shalt  }
0x7a: {  	_ =	shalt  }
0x7b: {  	_ =	shalt  }
0x7c: {  	_ =	shalt  }
0x7d: {  	_ =	shalt  }
0x7e: {  	_ =	shalt  }
0x7f: {  	_ =	shalt  }
0x80: {  	_ =	shalt  }
0x81: {  	_ =	shalt  }
0x82: {  	_ =	shalt  }
0x83: {  	_ =	shalt  }
0x84: {  	_ =	shalt  }
0x85: {  	_ =	shalt  }
0x86: {  	_ =	shalt  }
0x87: {  	_ =	shalt  }
.Lfunc_end0:
.L_simem_size_0:
called_computation.1_lowered:
.L_overlay_start_0:
0x88: {  	s2 =	sld [smem:$0x3FD9]  }
0x89: {  	s3 =	sld [smem:$0x3FFE];
	_ =	sdelay $0x1  }
0x8a: {  	s1 =	srdreg.scid  }
0x8b: {  	s0 =	sand.u32 $0x1, s1  }
0x8c: {  	s17 =	sshll.u32 s0, $0xA;
	s2 =	sadd.s32 s3, s2  }
0x8d: {  	s2 =	sadd.s32 s2, s17  }
0x8e: {  	[smem:$0x3FBB] =	sst s2  }
0x8f: {  	_ = 	snop  }
0x90: {  	s18 =	sld [smem:$0x3FD0];
	(tm) =	ssettm $0x1  }
0x91: {  	s19 =	sld [smem:$0x3FFB];
	_ =	sdelay $0x3  }
0x92: {  	_ =	strace s19  }
0x93: {  	s2 =	sld [smem:$0x3FFC];
	_ =	sdelay $0x3  }
0x94: {  	_ =	strace s2  }
0x95: {  	s2 =	sld [smem:$0x3FFD];
	_ =	sdelay $0x3  }
0x96: {  	_ =	strace s2  }
0x97: {  	_ =	strace $0x8FFFFFFF  }
0x98: {  	s20 =	sld [smem:$0x3FDB];
	_ =	sdelay $0x1  }
0x99: {  	s4 =	simm.s32 $_scs_section_size  }
0x9a: {  	s5 =	simm.s32 $_size__tile_overlayer_lowered;
	s6 =	simm.s32 $_tile_overlayer_lowered  }
0x9b: {  	s7 =	simm.s32 $0x1BFF;
	s21 =	sshll.u32 s6, $0x1;
	s4 =	sadd.s32 s4, s20  }
0x9c: {  	s22 =	simm.s32 $0x0;
	s5 =	sshll.u32 s5, $0x1;
	s6 =	sadd.s32 s21, s4  }
0x9d: {  	[timem:s22], [sflag:s7] =	dma.local [hbm:s6], s5  }
0x9e: {  	_ =	swait.ge [sflag:s7], s5  }
0x9f: {  	s5 =	ssub.s32 $0x0, s5;
	[sflag:s7] =	ssyncset.done $0x0  }
0xa0: {  	[sflag:s7] =	ssyncadd.s32 s5;
	_ =	sdelay $0x1  }
0xa1: {  	s23 =	simm.s32 $0x1B8B  }
0xa2: {  	_ =	swait.ge [sflag:s23], $0x1  }
0xa3: {  	[sflag:s23] =	ssyncset.done $0x0  }
0xa4: {  	[sflag:s23] =	ssyncadd.s32 $0xFFFFFFFF  }
0xa5: {  	s5 =	sld [smem:$0x0]  }
0xa6: {  	s6 =	sand.u32 $0xFFFFFFFE, s1  }
0xa7: {  	p0 =	sne.s32 s1, s6  }
0xa8: {  	s6 =	sshll.u32 @p0 s6, $0xE  }
0xa9: {  	s6 =	sadd.s32 @p0 $0x11B8D, s6;
	s7 =	sshll.u32 @p0 s5, $0x11  }
0xaa: {  	s6 =	sor.u32 @p0 s7, s6  }
0xab: {  	[sflag:s6] =	ssyncadd.remote.s32 @p0 $0x1;
	_ =	sdelay $0x1  }
0xac: {  	s6 =	simm.s32 @p0 $0x1B8D  }
0xad: {  	_ =	swait.eq @p0 [sflag:s6], $0x1  }
0xae: {  	[sflag:s6] =	ssyncadd.s32 @p0 $0xFFFFFFFF  }
0xaf: {  	s7 =	sshll.u32 @!p0 s1, $0xE  }
0xb0: {  	s7 =	sor.u32 @!p0 $0x4000, s7;
	s6 =	simm.s32 @!p0 $0x1B8D  }
0xb1: {  	s5 =	sshll.u32 @!p0 s5, $0x11;
	s7 =	sadd.s32 @!p0 $0x11B8D, s7;
	_ =	swait.eq @!p0 [sflag:s6], $0x1  }
0xb2: {  	s5 =	sor.u32 @!p0 s5, s7;
	[sflag:s6] =	ssyncadd.s32 @!p0 $0xFFFFFFFF  }
0xb3: {  	s25 =	simm.s32 $0x1B8E;
	s24 =	sld [smem:$0x3FFE];
	[sflag:s5] =	ssyncadd.remote.s32 @!p0 $0x1  }
0xb4: {  	s26 =	simm.s32 $execute0_lowered;
	[smem:$0x3FD2] =	sst s25  }
0xb5: {  	s6 =	sshll.u32 s26, $0x1;
	_ =	strace $0x8000004C;
	[dreg:$0x1] =	wrdreg $0xFFFFFFFF  }
0xb6: {  	s28 =	simm.s32 $_size_execute0_lowered;
	s4 =	sadd.s32 s4, s6;
	[dreg:$0x0] =	wrdreg $0x0  }
0xb7: {  	s6 =	sshll.u32 s28, $0x1;
	[dreg:$0x2] =	wrdreg s4  }
0xb8: {  	[dreg:$0x3] =	wrdreg s6  }
0xb9: {  	[dreg:$0x4] =	wrdreg $0xC0  }
0xba: {  	_ =	task [dreg:s22], $0x5FFFF  }
0xbb: {  	[dreg:$0x1] =	wrdreg $0xFFFFFFFF  }
0xbc: {  	[dreg:$0x0] =	wrdreg $0x60  }
0xbd: {  	[dreg:$0x2] =	wrdreg s18  }
0xbe: {  	[dreg:$0x3] =	wrdreg s24  }
0xbf: {  	[dreg:$0x4] =	wrdreg $0x0  }
0xc0: {  	[dreg:$0x5] =	wrdreg $0x9  }
0xc1: {  	_ =	task.clear_ibuf [dreg:s22], $0x6FFFF;
	_ =	strace $0x9000004C  }
0xc2: {  	s29 =	simm.s32 $0x9;
	_ =	strace $0x8000004E  }
0xc3: {  	_ =	swait.ge [sflag:s29], $0x1  }
0xc4: {  	[sflag:s29] =	ssyncadd.s32 $0xFFFFFFFF  }
0xc5: {  	_ =	strace $0x9000004E  }
0xc6: {  	_ =	sfence  }
0xc7: {  	s30 =	sld [smem:$0x0];
	_ =	sdelay $0x2  }
0xc8: {  	s31 =	sshll.u32 s1, $0xD;
	s1 =	sshrl.u32 s1, $0x2  }
0xc9: {  	s4 =	sand.u32 $0x4000, s31;
	s1 =	sadd.s32 s1, s30  }
0xca: {  	s0 =	sor.u32 s4, s0;
	s1 =	sshll.u32 s1, $0x11  }
0xcb: {  	s0 =	sor.u32 s1, s0  }
0xcc: {  	s0 =	sadd.s32 $0x8F2B, s0  }
0xcd: {  	[sflag:s0] =	ssyncadd.remote.s32 $0x1  }
0xce: {  	_ =	sfence.sel $0xFFFF  }
0xcf: {  	[dreg:$0x0] =	wrdreg $0xFFFFFFFF;
	(pc) =	sbr.abs _section_cstart, $3  }
0xd0: {  	[dreg:$0x1] =	wrdreg $0xFFFFFFFF  }
0xd1: {  	_ =	task.clear_ibuf [dreg:s22], $0x2FFFF;
	_ =	strace $0x9FFFFFFF  }
0xd2: {  	(tm) =	ssettm $0x7FFFFFFF  }
0xd3: {  	_ =	shalt  }
tec
execute0_lowered:
.L_overlay_start_1:
0x0: {  	(tag) =	ssettag $0x1  }
0x1: {  	s1 =	rddreg [dreg:$0x0]  }
0x2: {  	s0 =	rddreg [dreg:$0x1]  }
0x3: {  	s2 =	rddreg [dreg:$0x2];
	s4 =	simm.s32 $0x0  }
0x4: {  	s3 =	srdreg.scid;
	s17 =	stileid.u32;
	s28 =	simm.s32 $0x13880  }
0x5: {  	s29 =	simm.s32 $0x1;
	s30 =	simm.s32 $0x13980;
	s31 =	simm.s32 $0x13A80  }
0x6: {  	[smem:$0x7FF] =	sst s4;
	s8 =	smul.u32 $0x4F000, s17;
	s5 =	sadd.s32 $0xB000, s0  }
0x7: {  	s6 =	sadd.s32 $0x1200, s0;
	s7 =	sadd.s32 $0x15000, s0;
	s0 =	sadd.s32 $0x6D000, s0  }
0x8: {  	s3 =	sand.u32 $0x1, s3;
	s12 =	sadd.s32 $0x128400, s2;
	s13 =	sadd.s32 $0x12E800, s2  }
0x9: {  	s21 =	smul.u32 $0x13C00, s17;
	p0 =	seq.s32 s17, $0xF;
	_ =	strace $0x8000004D  }
0xa: {  	s9 =	ssub.s32 $0x2, s3;
	s18 =	sshll.u32 s3, $0x4;
	s3 =	smul.u32 $0x138800, s3  }
0xb: {  	s10 =	sshrl.u32 s9, $0x1;
	s8 =	sshrl.u32 s8, $0x2;
	s15 =	sadd.s32 $0x6400, s21  }
0xc: {  	s9 =	ssub.s32 s9, s10;
	s8 =	sadd.s32 s8, s2;
	s10 =	sor.u32 s17, s18  }
0xd: {  	s22 =	sadd.s32 s21, s3;
	s16 =	sadd.s32 s3, s15;
	s18 =	sadd.s32 $0xC800, s21  }
0xe: {  	s15 =	sadd.s32 s15, s2;
	s11 =	sadd.s32 $0x6400, s8;
	s19 =	sadd.s32 $0xC800, s8  }
0xf: {  	s20 =	sadd.s32 $0x12C00, s8;
	s14 =	smul.u32 $0x2710, s10;
	s10 =	sshrl.u32 s22, $0x3  }
0x10: {  	s23 =	sshrl.u32 s16, $0x3;
	s24 =	sadd.s32 s3, s18;
	[dreg:$0x4] =	wrdreg s11  }
0x11: {  	s16 =	sadd.s32 s18, s2;
	s22 =	smax.u32 s9, $0x1;
	[dreg:$0x5] =	wrdreg s19  }
0x12: {  	[dreg:$0x6] =	wrdreg s20;
	s10 =	sadd.s32 s0, s10;
	s25 =	sshrl.u32 s24, $0x3  }
0x13: {  	s11 =	sadd.s32 $0x12C00, s21;
	s24 =	sshrl.u32 @!p0 s16, $0x3;
	[dreg:$0x7] =	wrdreg s10  }
0x14: {  	s10 =	sadd.s32 s0, s23;
	s26 =	sadd.s32 s3, s11;
	s3 =	sshrl.u32 s3, $0x3  }
0x15: {  	s23 =	sshrl.u32 @!p0 s15, $0x3;
	[dreg:$0x8] =	wrdreg s10;
	s10 =	sadd.s32 s0, s25  }
0x16: {  	[dreg:$0x9] =	wrdreg s10;
	s10 =	sshrl.u32 s26, $0x3;
	s26 =	sadd.s32 $0x134C00, s2  }
0x17: {  	s18 =	sadd.s32 s0, s10;
	s10 =	sadd.s32 s11, s2;
	s0 =	sadd.s32 s0, s3  }
0x18: {  	s3 =	simm.s32 $0x13B80;
	s19 =	sadd.s32 $0x25080, s0;
	s20 =	sadd.s32 $0x25D00, s0  }
0x19: {  	v0 =	vimm.f32 $0.0e+00;
	s21 =	sadd.s32 $0x26980, s0;
	s25 =	sshrl.u32 @!p0 s10, $0x3;
	s0 =	simm.s32 $0xC8  }
.LBB2_1:
0x1a: {  	s9 =	simm.s32 $0x0;
	s10 =	simm.s32 $0x200  }
.LBB2_2:
0x1b: {  	p1 =	sne.s32 s10, $0x18E00;
	[tilespmem:s9+$0x13BF0] =	vst v0  }
0x1c: {  	[tilespmem:s9+$0x13B80] =	vst v0  }
0x1d: {  	[tilespmem:s9+$0x13B90] =	vst v0  }
.Ltmp0:
0x1e: {  	[tilespmem:s9+$0x13BA0] =	vst v0;
	(pc) =	sbr.rel @p1 .LBB2_2-.Ltmp0, $4  }
0x1f: {  	[tilespmem:s9+$0x13BB0] =	vst v0  }
0x20: {  	[tilespmem:s9+$0x13BC0] =	vst v0  }
0x21: {  	[tilespmem:s9+$0x13BD0] =	vst v0  }
0x22: {  	[tilespmem:s9+$0x13BE0] =	vst v0;
	s9 =	sshra.s32 s10, $0x2;
	s10 =	sadd.s32 $0x200, s10  }
0x23: {  	[tilespmem:s9+$0x13BF0] =	vst v0  }
0x24: {  	[tilespmem:s9+$0x13B80] =	vst v0  }
0x25: {  	[tilespmem:s9+$0x13B90] =	vst v0  }
0x26: {  	[tilespmem:s9+$0x13BA0] =	vst v0  }
0x27: {  	[tilespmem:s9+$0x13BB0] =	vst v0  }
0x28: {  	[tilespmem:s9+$0x13BC0] =	vst v0  }
0x29: {  	[tilespmem:s9+$0x13BD0] =	vst v0  }
0x2a: {  	[tilespmem:s9+$0x13BE0] =	vst v0;
	s9 =	simm.s32 @p0 $0x13B80;
	s10 =	simm.s32 @p0 $0x1  }
0x2b: {  	[spmem:s12] =	stream.linear.scatter @p0 [tilespmem:s9], [sflag:$0x1], $0x6400, $0x38;
	[tilespmem:$0x19F80] =	vst v63  }
0x2c: {  	_ =	swait.ge @p0 [sflag:s10], $0x6400  }
0x2d: {  	[sflag:s10] =	ssyncset.done @p0 $0x0  }
0x2e: {  	[sflag:s10] =	ssyncadd.s32 @p0 $0xFFFF9C00  }
0x2f: {  	[spmem:s13] =	stream.linear.scatter @p0 [tilespmem:s9], [sflag:$0x1], $0x6400, $0x38;
	[tilespmem:$0x19F80] =	vst v63  }
0x30: {  	_ =	swait.ge @p0 [sflag:s10], $0x6400  }
0x31: {  	[sflag:s10] =	ssyncset.done @p0 $0x0  }
0x32: {  	[sflag:s10] =	ssyncadd.s32 @p0 $0xFFFF9C00  }
0x33: {  	[spmem:s26] =	stream.linear.scatter @p0 [tilespmem:s9], [sflag:$0x1], $0x3C00, $0x38;
	[tilespmem:$0x19F80] =	vst v63  }
0x34: {  	_ =	swait.ge @p0 [sflag:s10], $0x3C00  }
0x35: {  	[sflag:s10] =	ssyncset.done @p0 $0x0  }
0x36: {  	s9 =	simm.s32 @!p0 $0x13B80;
	[sflag:s10] =	ssyncadd.s32 @p0 $0xFFFFC400;
	s10 =	simm.s32 @!p0 $0x1  }
0x37: {  	[spmem:s8] =	stream.linear.scatter @!p0 [tilespmem:s9], [sflag:$0x1], $0x6400, $0x38;
	[tilespmem:$0x19F80] =	vst v63  }
0x38: {  	_ =	swait.ge @!p0 [sflag:s10], $0x6400  }
0x39: {  	[sflag:s10] =	ssyncset.done @!p0 $0x0  }
0x3a: {  	s11 =	rddreg [dreg:$0x4];
	[sflag:s10] =	ssyncadd.s32 @!p0 $0xFFFF9C00  }
0x3b: {  	[spmem:s11] =	stream.linear.scatter @!p0 [tilespmem:s9], [sflag:$0x1], $0x6400, $0x38;
	[tilespmem:$0x19F80] =	vst v63  }
0x3c: {  	_ =	swait.ge @!p0 [sflag:s10], $0x6400  }
0x3d: {  	[sflag:s10] =	ssyncset.done @!p0 $0x0  }
0x3e: {  	s11 =	rddreg [dreg:$0x5];
	[sflag:s10] =	ssyncadd.s32 @!p0 $0xFFFF9C00  }
0x3f: {  	[spmem:s11] =	stream.linear.scatter @!p0 [tilespmem:s9], [sflag:$0x1], $0x6400, $0x38;
	[tilespmem:$0x19F80] =	vst v63  }
0x40: {  	_ =	swait.ge @!p0 [sflag:s10], $0x6400  }
0x41: {  	[sflag:s10] =	ssyncset.done @!p0 $0x0  }
0x42: {  	s11 =	rddreg [dreg:$0x6];
	[sflag:s10] =	ssyncadd.s32 @!p0 $0xFFFF9C00  }
0x43: {  	[spmem:s11] =	stream.linear.scatter @!p0 [tilespmem:s9], [sflag:$0x1], $0x1000, $0x38;
	[tilespmem:$0x19F80] =	vst v63  }
0x44: {  	_ =	swait.ge @!p0 [sflag:s10], $0x1000  }
0x45: {  	[sflag:s10] =	ssyncset.done @!p0 $0x0  }
0x46: {  	[sflag:s10] =	ssyncadd.s32 @!p0 $0xFFFFF000  }
0x47: {  	s9 =	simm.s32 $0x0;
	s10 =	simm.s32 $0x0;
	[bflag:$0x0] =	sbarrier.arrive $0xFFFF  }
.LBB2_4:
0x48: {  	s11 =	smul.u32 $0xC8, s10;
	_ =	sdelay $0x1  }
0x49: {  	s11 =	sadd.s32 s14, s11  }
0x4a: {  	s11 =	sshrl.u32 s11, $0x3  }
0x4b: {  	s15 =	sadd.s32 s5, s11  }
0x4c: {  	[tilespmem:s28], [sflag:$0x1] =	stream.linear.gather [hbm4b:s15+s9], $0xC8, $0x38;
	[tilespmem:$0x19F80] =	vst v63  }
0x4d: {  	_ =	swait.ge [sflag:s29], $0xC8  }
0x4e: {  	[sflag:s29] =	ssyncset.done $0x0  }
0x4f: {  	s17 =	sadd.s32 s6, s11;
	[sflag:s29] =	ssyncadd.s32 $0xFFFFFF38  }
0x50: {  	[tilespmem:s30], [sflag:$0x1] =	stream.linear.gather [hbm4b:s17+s9], $0xC8, $0x38;
	[tilespmem:$0x19F80] =	vst v63  }
0x51: {  	_ =	swait.ge [sflag:s29], $0xC8  }
0x52: {  	[sflag:s29] =	ssyncset.done $0x0  }
0x53: {  	s11 =	sadd.s32 s7, s11;
	[sflag:s29] =	ssyncadd.s32 $0xFFFFFF38  }
0x54: {  	[tilespmem:s31], [sflag:$0x1] =	stream.linear.gather [hbm4b:s11+s9], $0xC8, $0x38;
	[tilespmem:$0x19F80] =	vst v63  }
0x55: {  	_ =	swait.ge [sflag:s29], $0xC8  }
0x56: {  	[sflag:s29] =	ssyncset.done $0x0  }
0x57: {  	[sflag:s29] =	ssyncadd.s32 $0xFFFFFF38  }
0x58: {  	[tilespmem:s3], [sflag:$0x1] =	stream.indirect.gather [hbm4b:s1+s0], $0x80, s28, s0, $0xb8;
	[tilespmem:$0x19F80] =	vst v63  }
0x59: {  	_ =	swait.ge [sflag:s29], $0x6400  }
0x5a: {  	v1 =	vmov s9;
	[sflag:s29] =	ssyncset.done $0x0  }
0x5b: {  	s11 =	simm.s32 $0x13BC0;
	[sflag:s29] =	ssyncadd.s32 $0xFFFF9C00  }
0x5c: {  	v5 =	vld [tilespmem:s11+$0x30]  }
0x5d: {  	v8 =	vld [tilespmem:s11+$0x10]  }
0x5e: {  	v6 =	vld [tilespmem:s11+$0xFFFFFFC0]  }
0x5f: {  	v2 =	vld.idx.msk [tilespmem:v1+s31+$0x0], $0xffff  }
0x60: {  	v10 =	vld [tilespmem:s11+$0xFFFFFFE0]  }
0x61: {  	v1 =	vld [tilespmem:s11+$0xFFFFFFF0]  }
0x62: {  	v3 =	vld [tilespmem:s11+$0x20]  }
0x63: {  	v4 =	vld [tilespmem:s11+$0xFFFFFFD0]  }
0x64: {  	v9 =	vmul.f32 v5, v2;
	v5 =	vld [tilespmem:s11+$0x0]  }
0x65: {  	v7 =	vmul.f32 v6, v2  }
0x66: {  	s16 =	simm.s32 $0x13BC0;
	s15 =	simm.s32 $0x1;
	v6 =	vmul.f32 v10, v2;
	v8 =	vmul.f32 v8, v2  }
.LBB2_5:
0x67: {  	p1 =	sne.s32 s15, $0xC7  }
0x68: {  	v4 =	vmul.f32 v4, v2;
	v3 =	vmul.f32 v3, v2;
	[tilespmem:s11+$0x30] =	vst v9;
	s16 =	sadd.s32 $0x80, s16;
	s17 =	smov.u32 s15;
	s15 =	sadd.s32 $0x1, s15  }
0x69: {  	[tilespmem:s11+$0xFFFFFFC0] =	vst v7;
	v7 =	vmul.f32 v1, v2;
	v2 =	vmul.f32 v5, v2  }
0x6a: {  	[tilespmem:s11+$0x10] =	vst v8  }
0x6b: {  	v5 =	vmov s17;
	[tilespmem:s11+$0xFFFFFFE0] =	vst v6  }
0x6c: {  	v1 =	vld [tilespmem:s16+$0xFFFFFFF0];
	[tilespmem:s11+$0xFFFFFFF0] =	vst v7  }
0x6d: {  	v6 =	vld [tilespmem:s16+$0x30];
	[tilespmem:s11+$0x0] =	vst v2  }
0x6e: {  	v8 =	vld [tilespmem:s16+$0x10];
	[tilespmem:s11+$0x20] =	vst v3  }
0x6f: {  	v7 =	vld [tilespmem:s16+$0xFFFFFFC0];
	[tilespmem:s11+$0xFFFFFFD0] =	vst v4;
	s11 =	smov.u32 s16  }
0x70: {  	v2 =	vld.idx.msk [tilespmem:v5+s31+$0x0], $0xffff  }
0x71: {  	v10 =	vld [tilespmem:s16+$0xFFFFFFE0]  }
0x72: {  	v3 =	vld [tilespmem:s16+$0x20]  }
.Ltmp1:
0x73: {  	v4 =	vld [tilespmem:s16+$0xFFFFFFD0];
	(pc) =	sbr.rel @p1 .LBB2_5-.Ltmp1, $3  }
0x74: {  	v5 =	vld [tilespmem:s16+$0x0];
	_ =	sdelay $0x1  }
0x75: {  	v7 =	vmul.f32 v7, v2;
	v9 =	vmul.f32 v6, v2  }
0x76: {  	v8 =	vmul.f32 v8, v2;
	v6 =	vmul.f32 v10, v2  }
0x77: {  	[tilespmem:s11+$0x30] =	vst v9  }
0x78: {  	[tilespmem:s11+$0xFFFFFFC0] =	vst v7  }
0x79: {  	v1 =	vmul.f32 v1, v2;
	[tilespmem:s11+$0x10] =	vst v8  }
0x7a: {  	v3 =	vmul.f32 v3, v2;
	[tilespmem:s11+$0xFFFFFFE0] =	vst v6  }
0x7b: {  	v5 =	vmul.f32 v5, v2;
	[tilespmem:s11+$0xFFFFFFF0] =	vst v1  }
0x7c: {  	s10 =	sadd.s32 $0x1, s10;
	v1 =	vmul.f32 v4, v2;
	[tilespmem:s11+$0x20] =	vst v3  }
0x7d: {  	p1 =	sne.s32 s10, $0x32;
	[tilespmem:s11+$0x0] =	vst v5  }
.Ltmp2:
0x7e: {  	[tilespmem:s11+$0xFFFFFFD0] =	vst v1;
	(pc) =	sbr.rel @p1 .LBB2_4-.Ltmp2, $4  }
0x7f: {  	[spmem:s2] =	stream.indirect.scatter.add.f32 [tilespmem:s3], [sflag:$0x1], $0x80, s30, s0, $0xb8;
	[tilespmem:$0x19F80] =	vst v63  }
0x80: {  	_ =	swait.ge [sflag:s29], $0x6400  }
0x81: {  	[sflag:s29] =	ssyncset.done $0x0  }
0x82: {  	[sflag:s29] =	ssyncadd.s32 $0xFFFF9C00  }
0x83: {  	[bflag:$0x0] =	sbarrier.arrive $0xFFFF;
	s9 =	sshrl.u32 @p0 s12, $0x3;
	s10 =	simm.s32 @p0 $0x1FC1  }
0x84: {  	[hbm:s19], [sflag:s10] =	dma.local @p0 [spmem:s9], $0xC80  }
0x85: {  	s9 =	simm.s32 @p0 $0x1  }
0x86: {  	_ =	swait.ge @p0 [sflag:s9], $0xC80  }
0x87: {  	[sflag:s9] =	ssyncset.done @p0 $0x0  }
0x88: {  	s11 =	sshrl.u32 @p0 s13, $0x3;
	[sflag:s9] =	ssyncadd.s32 @p0 $0xFFFFF380  }
0x89: {  	[hbm:s20], [sflag:s10] =	dma.local @p0 [spmem:s11], $0xC80  }
0x8a: {  	_ =	swait.ge @p0 [sflag:s9], $0xC80  }
0x8b: {  	[sflag:s9] =	ssyncset.done @p0 $0x0  }
0x8c: {  	s11 =	sshrl.u32 @p0 s26, $0x3;
	[sflag:s9] =	ssyncadd.s32 @p0 $0xFFFFF380  }
0x8d: {  	[hbm:s21], [sflag:s10] =	dma.local @p0 [spmem:s11], $0x780  }
0x8e: {  	s10 =	stileid.u32;
	_ =	swait.ge @p0 [sflag:s9], $0x780  }
0x8f: {  	s10 =	sshll.u32 @!p0 s10, $0x6;
	[sflag:s9] =	ssyncset.done @p0 $0x0;
	s11 =	rddreg [dreg:$0x7]  }
0x90: {  	[sflag:s9] =	ssyncadd.s32 @p0 $0xFFFFF880;
	s9 =	sor.u32 @!p0 $0x1C01, s10;
	s10 =	sshrl.u32 @!p0 s8, $0x3  }
0x91: {  	[hbm:s11], [sflag:s9] =	dma.local @!p0 [spmem:s10], $0xC80  }
0x92: {  	s10 =	simm.s32 @!p0 $0x1  }
0x93: {  	_ =	swait.ge @!p0 [sflag:s10], $0xC80  }
0x94: {  	[sflag:s10] =	ssyncset.done @!p0 $0x0  }
0x95: {  	s11 =	rddreg [dreg:$0x8];
	[sflag:s10] =	ssyncadd.s32 @!p0 $0xFFFFF380  }
0x96: {  	[hbm:s11], [sflag:s9] =	dma.local @!p0 [spmem:s23], $0xC80  }
0x97: {  	_ =	swait.ge @!p0 [sflag:s10], $0xC80  }
0x98: {  	[sflag:s10] =	ssyncset.done @!p0 $0x0  }
0x99: {  	s11 =	rddreg [dreg:$0x9];
	[sflag:s10] =	ssyncadd.s32 @!p0 $0xFFFFF380  }
0x9a: {  	[hbm:s11], [sflag:s9] =	dma.local @!p0 [spmem:s24], $0xC80  }
0x9b: {  	s4 =	sadd.s32 $0x1, s4;
	_ =	swait.ge @!p0 [sflag:s10], $0xC80  }
0x9c: {  	p1 =	sne.s32 s4, s22;
	[sflag:s10] =	ssyncset.done @!p0 $0x0  }
.Ltmp3:
0x9d: {  	[sflag:s10] =	ssyncadd.s32 @!p0 $0xFFFFF380;
	(pc) =	sbr.rel @p1 .LBB2_1-.Ltmp3, $4  }
0x9e: {  	[hbm:s18], [sflag:s9] =	dma.local @!p0 [spmem:s25], $0x200  }
0x9f: {  	_ =	swait.ge @!p0 [sflag:s10], $0x200  }
0xa0: {  	[sflag:s10] =	ssyncset.done @!p0 $0x0  }
0xa1: {  	[sflag:s10] =	ssyncadd.s32 @!p0 $0xFFFFFE00  }
0xa2: {  	_ =	sfence.sel $0x180000  }
0xa3: {  	[bflag:$0x0] =	sbarrier.arrive $0xFFFF  }
0xa4: {  	_ =	strace $0x9000004D  }
0xa5: {  	s0 =	stileid.u32;
	[bflag:$0x2] =	sbarrier.arrive $0xFFFF  }
0xa6: {  	p0 =	sne.s32 s0, $0x0;
	s0 =	rddreg [dreg:$0x3]  }
0xa7: {  	s0 =	sadd.s32 @!p0 $0x100000, s0  }
0xa8: {  	[sflag:s0] =	ssyncadd.tile.s32 @!p0 $0x1;
	_ =	shalt  }
.Lfunc_end2:
_tile_overlayer_lowered:
.L_overlay_start_2:
0xa9: {  	(tag) =	ssettag $0x2  }
0xaa: {  	s0 =	rddreg [dreg:$0x0];
	s2 =	stileid.u32  }
0xab: {  	s1 =	rddreg [dreg:$0x1];
	p0 =	sne.s32 s2, $0x0  }
0xac: {  	s3 =	rddreg [dreg:$0x2];
	[bflag:$0x3] =	sbarrier.arrive $0xFFFF;
	s2 =	simm.s32 @!p0 $0x1C01  }
0xad: {  	[timem:s3], [sflag:s2] =	dma.local @!p0 [hbm:s0], s1  }
0xae: {  	s0 =	simm.s32 @!p0 $0x1  }
0xaf: {  	_ =	swait.ge @!p0 [sflag:s0], s1  }
0xb0: {  	s1 =	ssub.s32 @!p0 $0x0, s1;
	[sflag:s0] =	ssyncset.done @!p0 $0x0  }
0xb1: {  	[sflag:s0] =	ssyncadd.s32 @!p0 s1  }
0xb2: {  	[bflag:$0x3] =	sbarrier.arrive $0xFFFF  }
0xb3: {  	_ =	shalt  }

// kernel: kernel.16.cloned.1.call-start
scs
__scs_entry_jumppad:
0x0: {  	(pc) =	sbr.rel $0x88, $3  }
0x1: {  	(tag) =	ssettag $0x0;
	lr =	simm.s32 $0x1  }
0x2: {  	[smem:$0x3F94] =	sst lr;
	_ =	strace $0xD0000000  }
0x3: {  	_ = 	snop  }
0x4: {  	_ = 	snop  }
0x5: {  	_ = 	snop  }
0x6: {  	_ = 	snop  }
0x7: {  	_ = 	snop  }
__scs_overlays_trampoline_lowered:
0x8: {  	[smem:$0x3FA3] =	sst s0  }
0x9: {  	[smem:$0x3FA4] =	sst s1  }
0xa: {  	[smem:$0x3FA5] =	sst s2  }
0xb: {  	[smem:$0x3FA6] =	sst s3  }
0xc: {  	[smem:$0x3FA7] =	sst s4  }
0xd: {  	[smem:$0x3FA8] =	sst s5  }
0xe: {  	[smem:$0x3FA9] =	sst s6  }
0xf: {  	[smem:$0x3FAA] =	sst s7  }
0x10: {  	[smem:$0x3FAB] =	sst s8  }
0x11: {  	[smem:$0x3FAC] =	sst s9;
	s0 =	simm.s32 @!p0 $0x0  }
0x12: {  	s1 =	sld [smem:$0x3F92];
	s0 =	simm.s32 @p0 $0x1  }
0x13: {  	[smem:$0x3FAD] =	sst s0;
	s0 =	simm.s32 @!p1 $0x0  }
0x14: {  	s2 =	sld [smem:$0x3F91];
	s0 =	simm.s32 @p1 $0x1  }
0x15: {  	[smem:$0x3FAE] =	sst s0;
	s0 =	simm.s32 @!p2 $0x0  }
0x16: {  	s3 =	sld [smem:$0x3FDB];
	s0 =	simm.s32 @p2 $0x1  }
0x17: {  	s4 =	simm.s32 $0x1BF5;
	[smem:$0x3FB0] =	sst s0  }
0x18: {  	s0 =	sld [smem:$0x3F93];
	_ =	swait.ge [sflag:s4], $0x0  }
0x19: {  	s7 =	sld [smem:$0x3F94]  }
0x1a: {  	s8 =	sadd.s32 $0xFFFFE003, lr  }
0x1b: {  	s9 =	sadd.s32 $0xFFFFFEF7, lr;
	s5 =	simm.s32 $0xFFFFFFFF;
	p2 =	slt.u32 s8, $0xFFFFF086  }
0x1c: {  	p1 =	slt.u32 s9, $0xF7A;
	s5 =	simm.s32 @!p2 $0x0  }
0x1d: {  	s5 =	simm.s32 @p1 $0x1;
	p0 =	seq.s32 s7, s2  }
0x1e: {  	s7 =	smul.u32 @!p0 $0xF7A, s2;
	p2 =	seq.s32 @!p0 s5, $0x0  }
0x1f: {  	s9 =	smul.u32 $0xF7A, s1;
	s8 =	simm.s32 @!p0 $0x1BF5;
	p2 =	por !p2, p0  }
0x20: {  	[sflag:s8] =	ssyncset.s32 @!p0 $0xFFFFF086;
	s6 =	sadd.s32 @!p0 s3, s7;
	s7 =	simm.s32 @!p0 $0x108  }
0x21: {  	s3 =	sadd.s32 s3, s9;
	s6 =	sadd.s32 @!p0 $0x88, s6;
	s7 =	simm.s32 @p2 $0x1082  }
0x22: {  	[simem:s7], [sflag:s8] =	dma.local @!p0 [hbm:s6], $0xF7A  }
0x23: {  	s9 =	sor.u32 $0xD0000000, s2;
	s6 =	simm.s32 $0x108;
	_ =	swait.ge @!p0 [sflag:s8], $0x0  }
0x24: {  	s3 =	sadd.s32 $0x88, s3;
	s6 =	simm.s32 @!p1 $0x1082;
	[sflag:s4] =	ssyncset.s32 $0xFFFFF086  }
0x25: {  	[simem:s6], [sflag:s4] =	dma.local [hbm:s3], $0xF7A  }
0x26: {  	[smem:$0x3F94] =	sst s1;
	(tag) =	ssettag s2;
	_ =	strace s9  }
0x27: {  	s1 =	sld [smem:$0x3FA4]  }
0x28: {  	s2 =	sld [smem:$0x3FA5]  }
0x29: {  	s4 =	sld [smem:$0x3FA7]  }
0x2a: {  	p0 =	seq.s32 s5, $0x0;
	s5 =	sld [smem:$0x3FA8]  }
0x2b: {  	s6 =	sld [smem:$0x3FA9]  }
0x2c: {  	s7 =	sld [smem:$0x3FAA]  }
0x2d: {  	s3 =	simm.s32 $0x108;
	s8 =	sld [smem:$0x3FAB]  }
0x2e: {  	s3 =	simm.s32 @!p0 $0x1082;
	s9 =	sld [smem:$0x3FAC]  }
0x2f: {  	lr =	sadd.s32 s0, s3;
	s0 =	sld [smem:$0x3FA3]  }
0x30: {  	s3 =	sld [smem:$0x3FA6]  }
0x31: {  	[smem:$0x3FAF] =	sst s10  }
0x32: {  	s10 =	sld [smem:$0x3FAD];
	_ =	sdelay $0x3  }
0x33: {  	p0 =	seq.s32 s10, $0x1;
	s10 =	sld [smem:$0x3FAF];
	_ =	sdelay $0x3  }
0x34: {  	[smem:$0x3FAF] =	sst s10  }
0x35: {  	s10 =	sld [smem:$0x3FAE];
	_ =	sdelay $0x3  }
0x36: {  	p1 =	seq.s32 s10, $0x1;
	s10 =	sld [smem:$0x3FAF];
	_ =	sdelay $0x3  }
0x37: {  	[smem:$0x3FAF] =	sst s10  }
0x38: {  	s10 =	sld [smem:$0x3FB0]  }
0x39: {  	_ = 	snop;
	(pc) =	sbr.ind lr, $3  }
0x3a: {  	_ = 	snop  }
0x3b: {  	_ = 	snop  }
0x3c: {  	p2 =	seq.s32 s10, $0x1;
	s10 =	sld [smem:$0x3FAF]  }
0x3d: {  	_ =	shalt  }
0x3e: {  	_ =	shalt  }
0x3f: {  	_ =	shalt  }
0x40: {  	_ =	shalt  }
0x41: {  	_ =	shalt  }
0x42: {  	_ =	shalt  }
0x43: {  	_ =	shalt  }
0x44: {  	_ =	shalt  }
0x45: {  	_ =	shalt  }
0x46: {  	_ =	shalt  }
0x47: {  	_ =	shalt  }
0x48: {  	_ =	shalt  }
0x49: {  	_ =	shalt  }
0x4a: {  	_ =	shalt  }
0x4b: {  	_ =	shalt  }
0x4c: {  	_ =	shalt  }
0x4d: {  	_ =	shalt  }
0x4e: {  	_ =	shalt  }
0x4f: {  	_ =	shalt  }
0x50: {  	_ =	shalt  }
0x51: {  	_ =	shalt  }
0x52: {  	_ =	shalt  }
0x53: {  	_ =	shalt  }
0x54: {  	_ =	shalt  }
0x55: {  	_ =	shalt  }
0x56: {  	_ =	shalt  }
0x57: {  	_ =	shalt  }
0x58: {  	_ =	shalt  }
0x59: {  	_ =	shalt  }
0x5a: {  	_ =	shalt  }
0x5b: {  	_ =	shalt  }
0x5c: {  	_ =	shalt  }
0x5d: {  	_ =	shalt  }
0x5e: {  	_ =	shalt  }
0x5f: {  	_ =	shalt  }
0x60: {  	_ =	shalt  }
0x61: {  	_ =	shalt  }
0x62: {  	_ =	shalt  }
0x63: {  	_ =	shalt  }
0x64: {  	_ =	shalt  }
0x65: {  	_ =	shalt  }
0x66: {  	_ =	shalt  }
0x67: {  	_ =	shalt  }
0x68: {  	_ =	shalt  }
0x69: {  	_ =	shalt  }
0x6a: {  	_ =	shalt  }
0x6b: {  	_ =	shalt  }
0x6c: {  	_ =	shalt  }
0x6d: {  	_ =	shalt  }
0x6e: {  	_ =	shalt  }
0x6f: {  	_ =	shalt  }
0x70: {  	_ =	shalt  }
0x71: {  	_ =	shalt  }
0x72: {  	_ =	shalt  }
0x73: {  	_ =	shalt  }
0x74: {  	_ =	shalt  }
0x75: {  	_ =	shalt  }
0x76: {  	_ =	shalt  }
0x77: {  	_ =	shalt  }
0x78: {  	_ =	shalt  }
0x79: {  	_ =	shalt  }
0x7a: {  	_ =	shalt  }
0x7b: {  	_ =	shalt  }
0x7c: {  	_ =	shalt  }
0x7d: {  	_ =	shalt  }
0x7e: {  	_ =	shalt  }
0x7f: {  	_ =	shalt  }
0x80: {  	_ =	shalt  }
0x81: {  	_ =	shalt  }
0x82: {  	_ =	shalt  }
0x83: {  	_ =	shalt  }
0x84: {  	_ =	shalt  }
0x85: {  	_ =	shalt  }
0x86: {  	_ =	shalt  }
0x87: {  	_ =	shalt  }
.Lfunc_end0:
.L_simem_size_0:
called_computation.2_lowered:
.L_overlay_start_0:
0x88: {  	s2 =	sld [smem:$0x3FD9]  }
0x89: {  	s3 =	sld [smem:$0x3FFE];
	_ =	sdelay $0x1  }
0x8a: {  	s1 =	srdreg.scid  }
0x8b: {  	s0 =	sand.u32 $0x1, s1  }
0x8c: {  	s17 =	sshll.u32 s0, $0xA;
	s2 =	sadd.s32 s3, s2  }
0x8d: {  	s2 =	sadd.s32 s2, s17  }
0x8e: {  	[smem:$0x3FBB] =	sst s2  }
0x8f: {  	_ = 	snop  }
0x90: {  	s2 =	sld [smem:$0x3FC6];
	(tm) =	ssettm $0x1  }
0x91: {  	s18 =	sld [smem:$0x3FFB];
	_ =	sdelay $0x3  }
0x92: {  	_ =	strace s18  }
0x93: {  	s3 =	sld [smem:$0x3FFC];
	_ =	sdelay $0x3  }
0x94: {  	_ =	strace s3  }
0x95: {  	s3 =	sld [smem:$0x3FFD];
	_ =	sdelay $0x3  }
0x96: {  	_ =	strace s3  }
0x97: {  	_ =	strace $0x8FFFFFFF  }
0x98: {  	s19 =	sld [smem:$0x3FDB];
	_ =	sdelay $0x1  }
0x99: {  	s4 =	simm.s32 $_scs_section_size  }
0x9a: {  	s5 =	simm.s32 $_size__tile_overlayer_lowered;
	s6 =	simm.s32 $_tile_overlayer_lowered  }
0x9b: {  	s22 =	simm.s32 $0x1BFF;
	s21 =	sshll.u32 s6, $0x1;
	s3 =	sadd.s32 s4, s19  }
0x9c: {  	s7 =	simm.s32 $0x0;
	s20 =	sshll.u32 s5, $0x1;
	s5 =	sadd.s32 s21, s3  }
0x9d: {  	[timem:s7], [sflag:s22] =	dma.local [hbm:s5], s20  }
0x9e: {  	_ =	swait.ge [sflag:s22], s20  }
0x9f: {  	s4 =	ssub.s32 $0x0, s20;
	[sflag:s22] =	ssyncset.done $0x0  }
0xa0: {  	[sflag:s22] =	ssyncadd.s32 s4;
	_ =	sdelay $0x1  }
0xa1: {  	s23 =	simm.s32 $0x1B8B  }
0xa2: {  	_ =	swait.ge [sflag:s23], $0x1  }
0xa3: {  	[sflag:s23] =	ssyncset.done $0x0  }
0xa4: {  	s25 =	simm.s32 $0x1B8E;
	s24 =	sld [smem:$0x3FFE];
	[sflag:s23] =	ssyncadd.s32 $0xFFFFFFFF  }
0xa5: {  	s26 =	simm.s32 $execute0_lowered;
	[smem:$0x3FD2] =	sst s25  }
0xa6: {  	s5 =	sshll.u32 s26, $0x1;
	_ =	strace $0x80000049;
	[dreg:$0x1] =	wrdreg $0xFFFFFFFF  }
0xa7: {  	s28 =	simm.s32 $_size_execute0_lowered;
	s3 =	sadd.s32 s3, s5;
	[dreg:$0x0] =	wrdreg $0x0  }
0xa8: {  	s5 =	sshll.u32 s28, $0x1;
	[dreg:$0x2] =	wrdreg s3  }
0xa9: {  	[dreg:$0x3] =	wrdreg s5  }
0xaa: {  	[dreg:$0x4] =	wrdreg $0xC0  }
0xab: {  	_ =	task [dreg:s7], $0x5FFFF  }
0xac: {  	[dreg:$0x1] =	wrdreg $0xFFFFFFFF  }
0xad: {  	[dreg:$0x0] =	wrdreg $0x60  }
0xae: {  	[dreg:$0x2] =	wrdreg s24  }
0xaf: {  	[dreg:$0x3] =	wrdreg s2  }
0xb0: {  	[dreg:$0x4] =	wrdreg $0x0  }
0xb1: {  	[dreg:$0x5] =	wrdreg $0xA  }
0xb2: {  	_ =	task.clear_ibuf [dreg:s7], $0x6FFFF;
	_ =	strace $0x90000049  }
0xb3: {  	s29 =	simm.s32 $0xA;
	_ =	strace $0x8000004B  }
0xb4: {  	_ =	swait.ge [sflag:s29], $0x1  }
0xb5: {  	[sflag:s29] =	ssyncadd.s32 $0xFFFFFFFF  }
0xb6: {  	_ =	strace $0x9000004B  }
0xb7: {  	_ =	sfence  }
0xb8: {  	s30 =	sld [smem:$0x0];
	_ =	sdelay $0x2  }
0xb9: {  	s31 =	sshll.u32 s1, $0xD;
	s1 =	sshrl.u32 s1, $0x2  }
0xba: {  	s3 =	sand.u32 $0x4000, s31;
	s1 =	sadd.s32 s1, s30  }
0xbb: {  	s0 =	sor.u32 s3, s0;
	s1 =	sshll.u32 s1, $0x11  }
0xbc: {  	s0 =	sor.u32 s1, s0  }
0xbd: {  	s0 =	sadd.s32 $0x8F2B, s0  }
0xbe: {  	[sflag:s0] =	ssyncadd.remote.s32 $0x1  }
0xbf: {  	_ =	sfence.sel $0xFFFF  }
0xc0: {  	[dreg:$0x0] =	wrdreg $0xFFFFFFFF;
	(pc) =	sbr.abs _section_cstart, $3  }
0xc1: {  	[dreg:$0x1] =	wrdreg $0xFFFFFFFF  }
0xc2: {  	_ =	task.clear_ibuf [dreg:s7], $0x2FFFF;
	_ =	strace $0x9FFFFFFF  }
0xc3: {  	(tm) =	ssettm $0x7FFFFFFF  }
tec
execute0_lowered:
.L_overlay_start_1:
0x0: {  	(tag) =	ssettag $0x1  }
0x1: {  	s0 =	rddreg [dreg:$0x0]  }
0x2: {  	s1 =	rddreg [dreg:$0x1]  }
0x3: {  	s2 =	rddreg [dreg:$0x2]  }
0x4: {  	s3 =	simm.s32 $0x0;
	s14 =	srdreg.scid;
	s16 =	stileid.u32  }
0x5: {  	s30 =	simm.s32 $0x1;
	s31 =	simm.s32 $0x13880;
	s29 =	simm.s32 $0x14880  }
0x6: {  	[smem:$0x7FF] =	sst s3;
	s5 =	sadd.s32 $0x1200, s0;
	s3 =	sand.u32 $0x1, s14  }
0x7: {  	s6 =	sadd.s32 $0x15000, s0;
	s8 =	smul.u32 $0x4F000, s16;
	s7 =	sadd.s32 $0x56F400, s0  }
0x8: {  	s9 =	sadd.s32 $0x14E00, s0;
	s0 =	sadd.s32 $0x1EE00, s0;
	s13 =	sadd.s32 $0x128400, s2  }
0x9: {  	s19 =	smul.u32 $0x13C00, s16;
	p0 =	seq.s32 s16, $0xF;
	s28 =	sadd.s32 $0x134C00, s2  }
0xa: {  	_ =	strace $0x8000004A;
	s4 =	ssub.s32 $0x2, s3;
	[dreg:$0x4] =	wrdreg s9  }
0xb: {  	s10 =	sshll.u32 s3, $0x4;
	s3 =	smul.u32 $0x138800, s3;
	s15 =	sshrl.u32 s4, $0x1  }
0xc: {  	s8 =	sshrl.u32 s8, $0x2;
	s17 =	sor.u32 s16, s10;
	s22 =	sadd.s32 $0x6400, s19  }
0xd: {  	s10 =	sadd.s32 $0x12C00, s19;
	s4 =	ssub.s32 s4, s15;
	s9 =	sadd.s32 s8, s2  }
0xe: {  	s14 =	smul.u32 $0x2710, s17;
	s21 =	sadd.s32 s19, s3;
	s12 =	sadd.s32 s3, s22  }
0xf: {  	s15 =	sadd.s32 $0xC800, s19;
	s26 =	sadd.s32 s3, s10;
	s18 =	sadd.s32 $0x6400, s9  }
0x10: {  	s11 =	sadd.s32 $0xC800, s9;
	s20 =	sadd.s32 $0x12C00, s9;
	s8 =	sshrl.u32 s21, $0x3  }
0x11: {  	s23 =	sshrl.u32 s12, $0x3;
	s24 =	sadd.s32 s3, s15;
	[dreg:$0x5] =	wrdreg s18  }
0x12: {  	s12 =	sadd.s32 s15, s2;
	s3 =	sshrl.u32 s3, $0x3;
	[dreg:$0x6] =	wrdreg s11  }
0x13: {  	[dreg:$0x7] =	wrdreg s20;
	s8 =	sadd.s32 s0, s8;
	s25 =	sshrl.u32 s24, $0x3  }
0x14: {  	s11 =	sadd.s32 s22, s2;
	[dreg:$0x8] =	wrdreg s8;
	s8 =	sadd.s32 s0, s23  }
0x15: {  	s22 =	smax.u32 s4, $0x1;
	[dreg:$0x9] =	wrdreg s8;
	s8 =	sadd.s32 s0, s25  }
0x16: {  	s24 =	sshrl.u32 @!p0 s12, $0x3;
	[dreg:$0xa] =	wrdreg s8;
	s8 =	sshrl.u32 s26, $0x3  }
0x17: {  	s4 =	simm.s32 $0xC8;
	s23 =	sshrl.u32 @!p0 s11, $0x3;
	s8 =	sadd.s32 s0, s8  }
0x18: {  	s26 =	sadd.s32 $0x12E800, s2;
	s0 =	sadd.s32 s0, s3;
	[dreg:$0xb] =	wrdreg s8  }
0x19: {  	s8 =	sadd.s32 s10, s2;
	s3 =	sadd.s32 $0x25080, s0;
	s20 =	sadd.s32 $0x25D00, s0  }
0x1a: {  	v0 =	vimm.f32 $0.0e+00;
	vm0 =	vcmask $0x300;
	s21 =	sadd.s32 $0x26980, s0;
	s0 =	simm.s32 $0x13980;
	[dreg:$0xc] =	wrdreg s3  }
0x1b: {  	v1 =	vsel vm0, $0x3F800000, v0;
	s25 =	sshrl.u32 @!p0 s8, $0x3;
	s3 =	simm.s32 $0x13A80;
	s8 =	simm.s32 $0x0  }
.LBB2_1:
0x1c: {  	s10 =	simm.s32 $0x0;
	s11 =	rddreg [dreg:$0x4];
	s12 =	simm.s32 $0x14800  }
0x1d: {  	[tilespmem:s12], [sflag:$0x1] =	stream.linear.gather [hbm4b:s11+s10], $0x80, $0x38;
	[tilespmem:$0x1AC80] =	vst v63  }
0x1e: {  	_ =	swait.ge [sflag:s30], $0x80  }
0x1f: {  	[sflag:s30] =	ssyncset.done $0x0  }
0x20: {  	[sflag:s30] =	ssyncadd.s32 $0xFFFFFF80  }
0x21: {  	s10 =	simm.s32 $0x0;
	s11 =	simm.s32 $0x200;
	v2 =	vld [tilespmem:$0x14800]  }
.LBB2_2:
0x22: {  	p1 =	sne.s32 s11, $0x18E00;
	[tilespmem:s10+$0x148F0] =	vst v0  }
0x23: {  	[tilespmem:s10+$0x14880] =	vst v0  }
0x24: {  	[tilespmem:s10+$0x14890] =	vst v0  }
.Ltmp0:
0x25: {  	[tilespmem:s10+$0x148A0] =	vst v0;
	(pc) =	sbr.rel @p1 .LBB2_2-.Ltmp0, $4  }
0x26: {  	[tilespmem:s10+$0x148B0] =	vst v0  }
0x27: {  	[tilespmem:s10+$0x148C0] =	vst v0  }
0x28: {  	[tilespmem:s10+$0x148D0] =	vst v0  }
0x29: {  	[tilespmem:s10+$0x148E0] =	vst v0;
	s10 =	sshra.s32 s11, $0x2;
	s11 =	sadd.s32 $0x200, s11  }
0x2a: {  	[tilespmem:s10+$0x148F0] =	vst v0  }
0x2b: {  	[tilespmem:s10+$0x14880] =	vst v0  }
0x2c: {  	[tilespmem:s10+$0x14890] =	vst v0  }
0x2d: {  	[tilespmem:s10+$0x148A0] =	vst v0  }
0x2e: {  	[tilespmem:s10+$0x148B0] =	vst v0  }
0x2f: {  	[tilespmem:s10+$0x148C0] =	vst v0  }
0x30: {  	[tilespmem:s10+$0x148D0] =	vst v0  }
0x31: {  	[tilespmem:s10+$0x148E0] =	vst v0;
	s10 =	simm.s32 @p0 $0x14880;
	s11 =	simm.s32 @p0 $0x1  }
0x32: {  	[spmem:s13] =	stream.linear.scatter @p0 [tilespmem:s10], [sflag:$0x1], $0x6400, $0x38;
	[tilespmem:$0x1AC80] =	vst v63  }
0x33: {  	_ =	swait.ge @p0 [sflag:s11], $0x6400  }
0x34: {  	[sflag:s11] =	ssyncset.done @p0 $0x0  }
0x35: {  	[sflag:s11] =	ssyncadd.s32 @p0 $0xFFFF9C00  }
0x36: {  	[spmem:s26] =	stream.linear.scatter @p0 [tilespmem:s10], [sflag:$0x1], $0x6400, $0x38;
	[tilespmem:$0x1AC80] =	vst v63  }
0x37: {  	_ =	swait.ge @p0 [sflag:s11], $0x6400  }
0x38: {  	[sflag:s11] =	ssyncset.done @p0 $0x0  }
0x39: {  	[sflag:s11] =	ssyncadd.s32 @p0 $0xFFFF9C00  }
0x3a: {  	[spmem:s28] =	stream.linear.scatter @p0 [tilespmem:s10], [sflag:$0x1], $0x3C00, $0x38;
	[tilespmem:$0x1AC80] =	vst v63  }
0x3b: {  	_ =	swait.ge @p0 [sflag:s11], $0x3C00  }
0x3c: {  	[sflag:s11] =	ssyncset.done @p0 $0x0  }
0x3d: {  	s10 =	simm.s32 @!p0 $0x14880;
	[sflag:s11] =	ssyncadd.s32 @p0 $0xFFFFC400;
	s11 =	simm.s32 @!p0 $0x1  }
0x3e: {  	[spmem:s9] =	stream.linear.scatter @!p0 [tilespmem:s10], [sflag:$0x1], $0x6400, $0x38;
	[tilespmem:$0x1AC80] =	vst v63  }
0x3f: {  	_ =	swait.ge @!p0 [sflag:s11], $0x6400  }
0x40: {  	[sflag:s11] =	ssyncset.done @!p0 $0x0  }
0x41: {  	s12 =	rddreg [dreg:$0x5];
	[sflag:s11] =	ssyncadd.s32 @!p0 $0xFFFF9C00  }
0x42: {  	[spmem:s12] =	stream.linear.scatter @!p0 [tilespmem:s10], [sflag:$0x1], $0x6400, $0x38;
	[tilespmem:$0x1AC80] =	vst v63  }
0x43: {  	_ =	swait.ge @!p0 [sflag:s11], $0x6400  }
0x44: {  	[sflag:s11] =	ssyncset.done @!p0 $0x0  }
0x45: {  	s12 =	rddreg [dreg:$0x6];
	[sflag:s11] =	ssyncadd.s32 @!p0 $0xFFFF9C00  }
0x46: {  	[spmem:s12] =	stream.linear.scatter @!p0 [tilespmem:s10], [sflag:$0x1], $0x6400, $0x38;
	[tilespmem:$0x1AC80] =	vst v63  }
0x47: {  	_ =	swait.ge @!p0 [sflag:s11], $0x6400  }
0x48: {  	[sflag:s11] =	ssyncset.done @!p0 $0x0  }
0x49: {  	s12 =	rddreg [dreg:$0x7];
	[sflag:s11] =	ssyncadd.s32 @!p0 $0xFFFF9C00  }
0x4a: {  	[spmem:s12] =	stream.linear.scatter @!p0 [tilespmem:s10], [sflag:$0x1], $0x1000, $0x38;
	[tilespmem:$0x1AC80] =	vst v63  }
0x4b: {  	_ =	swait.ge @!p0 [sflag:s11], $0x1000  }
0x4c: {  	[sflag:s11] =	ssyncset.done @!p0 $0x0  }
0x4d: {  	[sflag:s11] =	ssyncadd.s32 @!p0 $0xFFFFF000  }
0x4e: {  	v2 =	vsub.f32 $0.0e+00, v2;
	s10 =	simm.s32 $0x0;
	s11 =	simm.s32 $0x0;
	[bflag:$0x0] =	sbarrier.arrive $0xFFFF  }
.LBB2_4:
0x4f: {  	s12 =	smul.u32 $0xC8, s11;
	_ =	sdelay $0x1  }
0x50: {  	s12 =	sadd.s32 s14, s12  }
0x51: {  	s15 =	sshrl.u32 s12, $0x3  }
0x52: {  	s16 =	sadd.s32 s5, s15  }
0x53: {  	[tilespmem:s31], [sflag:$0x1] =	stream.linear.gather [hbm4b:s16+s10], $0xC8, $0x38;
	[tilespmem:$0x1AC80] =	vst v63  }
0x54: {  	_ =	swait.ge [sflag:s30], $0xC8  }
0x55: {  	[sflag:s30] =	ssyncset.done $0x0  }
0x56: {  	s17 =	sadd.s32 s6, s15;
	[sflag:s30] =	ssyncadd.s32 $0xFFFFFF38  }
0x57: {  	[tilespmem:s0], [sflag:$0x1] =	stream.linear.gather [hbm4b:s17+s10], $0xC8, $0x38;
	[tilespmem:$0x1AC80] =	vst v63  }
0x58: {  	_ =	swait.ge [sflag:s30], $0xC8  }
0x59: {  	[sflag:s30] =	ssyncset.done $0x0  }
0x5a: {  	s15 =	sadd.s32 s1, s15;
	[sflag:s30] =	ssyncadd.s32 $0xFFFFFF38  }
0x5b: {  	[tilespmem:s3], [sflag:$0x1] =	stream.linear.gather [hbm4b:s15+s10], $0xC8, $0x38;
	[tilespmem:$0x1AC80] =	vst v63  }
0x5c: {  	_ =	swait.ge [sflag:s30], $0xC8  }
0x5d: {  	s12 =	sshll.u32 s12, $0x1;
	[sflag:s30] =	ssyncset.done $0x0  }
0x5e: {  	v3 =	vmov s10;
	s18 =	sadd.s32 s7, s12;
	s12 =	simm.s32 $0x13B80;
	[sflag:s30] =	ssyncadd.s32 $0xFFFFFF38  }
0x5f: {  	[tilespmem:s12], [sflag:$0x1] =	stream.linear.gather [hbm4b:s18+s10], $0xC80, $0x38;
	[tilespmem:$0x1AC80] =	vst v63  }
0x60: {  	_ =	swait.ge [sflag:s30], $0xC80  }
0x61: {  	[sflag:s30] =	ssyncset.done $0x0  }
0x62: {  	[sflag:s30] =	ssyncadd.s32 $0xFFFFF380  }
0x63: {  	v4 =	vld.idx.msk [tilespmem:v3+s3+$0x0], $0xffff;
	_ =	sdelay $0x4  }
0x64: {  	v4 =	vmax.f32 v4, $0.0e+00  }
0x65: {  	v4 =	vmul.f32 v4, v2;
	_ =	sdelay $0x1  }
0x66: {  	v4 =	vmul.f32 $1.442695020e+00, v4;
	_ =	sdelay $0x1  }
0x67: {  	(erf) = vpow2.f32 v4;
	_ =	sdelay $0x2  }
0x68: {  	v5 =	vld [tilespmem:s12+$0x0]  }
0x69: {  	v4 =	vld.idx.msk [tilespmem:v3+s0+$0x0], $0xffff;
	_ =	sdelay $0x3  }
0x6a: {  	s19 =	simm.s32 $0x1  }
0x6b: {  	s16 =	simm.s32 $0x148A0;
	s17 =	simm.s32 $0x2;
	s15 =	simm.s32 $0x148A0;
	v3 =	vmov s19;
	v6 =	vmul.f32 v5, v4;
	v5 =	vmul.f32 v1, v4;
	v7 =	vpop (erf)  }
.LBB2_5:
0x6c: {  	s12 =	sadd.s32 $0x10, s12  }
0x6d: {  	[tilespmem:s16+$0xFFFFFFE0] =	vst v6;
	v4 =	vmul.f32 v7, v4;
	s15 =	sadd.s32 $0x80, s15;
	s18 =	smov.u32 s17;
	s19 =	sadd.s32 $0x1, s17  }
0x6e: {  	p1 =	sne.s32 s17, $0xC7;
	[tilespmem:s16+$0x0] =	vst v5  }
0x6f: {  	[tilespmem:s16+$0xFFFFFFF0] =	vst v4;
	s16 =	smov.u32 s15  }
0x70: {  	v4 =	vld.idx.msk [tilespmem:v3+s3+$0x0], $0xffff;
	_ =	sdelay $0x5  }
0x71: {  	v4 =	vmax.f32 v4, $0.0e+00  }
0x72: {  	v4 =	vmul.f32 v4, v2;
	_ =	sdelay $0x1  }
0x73: {  	v4 =	vmul.f32 $1.442695020e+00, v4;
	_ =	sdelay $0x1  }
0x74: {  	(erf) = vpow2.f32 v4;
	_ =	sdelay $0x1  }
0x75: {  	v4 =	vld.idx.msk [tilespmem:v3+s0+$0x0], $0xffff  }
0x76: {  	v5 =	vld [tilespmem:s12+$0x0];
	_ =	sdelay $0x1  }
.Ltmp1:
0x77: {  	(pc) =	sbr.rel @p1 .LBB2_5-.Ltmp1, $3  }
0x78: {  	v3 =	vmov s18;
	_ =	sdelay $0x1  }
0x79: {  	v6 =	vmul.f32 v5, v4  }
0x7a: {  	s17 =	smov.u32 s19;
	v5 =	vmul.f32 v1, v4;
	v7 =	vpop (erf)  }
0x7b: {  	_ = 	snop  }
0x7c: {  	[tilespmem:s16+$0xFFFFFFE0] =	vst v6;
	v4 =	vmul.f32 v7, v4  }
0x7d: {  	[tilespmem:s16+$0x0] =	vst v5  }
0x7e: {  	[tilespmem:s16+$0xFFFFFFF0] =	vst v4  }
0x7f: {  	v4 =	vld.idx.msk [tilespmem:v3+s3+$0x0], $0xffff;
	_ =	sdelay $0x4  }
0x80: {  	v4 =	vmax.f32 v4, $0.0e+00  }
0x81: {  	v4 =	vmul.f32 v4, v2;
	_ =	sdelay $0x1  }
0x82: {  	v4 =	vmul.f32 $1.442695020e+00, v4;
	_ =	sdelay $0x1  }
0x83: {  	(erf) = vpow2.f32 v4;
	_ =	sdelay $0x2  }
0x84: {  	s12 =	sadd.s32 $0x10, s12;
	v3 =	vld.idx.msk [tilespmem:v3+s0+$0x0], $0xffff  }
0x85: {  	v61 =	vld [tilespmem:s12+$0x0];
	_ =	sdelay $0x3  }
0x86: {  	v62 =	vmul.f32 v1, v3  }
0x87: {  	s19 =	sadd.s32 $0x80, s15;
	v4 =	vmul.f32 v61, v3;
	v63 =	vpop (erf)  }
0x88: {  	s11 =	sadd.s32 $0x1, s11;
	[tilespmem:s19+$0x0] =	vst v62;
	v3 =	vmul.f32 v63, v3  }
0x89: {  	p1 =	sne.s32 s11, $0x32;
	[tilespmem:s19+$0xFFFFFFE0] =	vst v4  }
.Ltmp2:
0x8a: {  	[tilespmem:s19+$0xFFFFFFF0] =	vst v3;
	(pc) =	sbr.rel @p1 .LBB2_4-.Ltmp2, $4  }
0x8b: {  	[spmem:s2] =	stream.indirect.scatter.add.f32 [tilespmem:s29], [sflag:$0x1], $0x80, s31, s4, $0xb8;
	[tilespmem:$0x1AC80] =	vst v63  }
0x8c: {  	_ =	swait.ge [sflag:s30], $0x6400  }
0x8d: {  	[sflag:s30] =	ssyncset.done $0x0  }
0x8e: {  	[sflag:s30] =	ssyncadd.s32 $0xFFFF9C00  }
0x8f: {  	[bflag:$0x0] =	sbarrier.arrive $0xFFFF  }
0x90: {  	s10 =	sshrl.u32 @p0 s13, $0x3;
	s11 =	simm.s32 @p0 $0x1FC1;
	s12 =	rddreg [dreg:$0xc]  }
0x91: {  	[hbm:s12], [sflag:s11] =	dma.local @p0 [spmem:s10], $0xC80  }
0x92: {  	s10 =	simm.s32 @p0 $0x1  }
0x93: {  	_ =	swait.ge @p0 [sflag:s10], $0xC80  }
0x94: {  	[sflag:s10] =	ssyncset.done @p0 $0x0  }
0x95: {  	s12 =	sshrl.u32 @p0 s26, $0x3;
	[sflag:s10] =	ssyncadd.s32 @p0 $0xFFFFF380  }
0x96: {  	[hbm:s20], [sflag:s11] =	dma.local @p0 [spmem:s12], $0xC80  }
0x97: {  	_ =	swait.ge @p0 [sflag:s10], $0xC80  }
0x98: {  	[sflag:s10] =	ssyncset.done @p0 $0x0  }
0x99: {  	s12 =	sshrl.u32 @p0 s28, $0x3;
	[sflag:s10] =	ssyncadd.s32 @p0 $0xFFFFF380  }
0x9a: {  	[hbm:s21], [sflag:s11] =	dma.local @p0 [spmem:s12], $0x780  }
0x9b: {  	s11 =	stileid.u32;
	_ =	swait.ge @p0 [sflag:s10], $0x780  }
0x9c: {  	s11 =	sshll.u32 @!p0 s11, $0x6;
	[sflag:s10] =	ssyncset.done @p0 $0x0;
	s12 =	rddreg [dreg:$0x8]  }
0x9d: {  	[sflag:s10] =	ssyncadd.s32 @p0 $0xFFFFF880;
	s10 =	sor.u32 @!p0 $0x1C01, s11;
	s11 =	sshrl.u32 @!p0 s9, $0x3  }
0x9e: {  	[hbm:s12], [sflag:s10] =	dma.local @!p0 [spmem:s11], $0xC80  }
0x9f: {  	s11 =	simm.s32 @!p0 $0x1  }
0xa0: {  	_ =	swait.ge @!p0 [sflag:s11], $0xC80  }
0xa1: {  	[sflag:s11] =	ssyncset.done @!p0 $0x0  }
0xa2: {  	s12 =	rddreg [dreg:$0x9];
	[sflag:s11] =	ssyncadd.s32 @!p0 $0xFFFFF380  }
0xa3: {  	[hbm:s12], [sflag:s10] =	dma.local @!p0 [spmem:s23], $0xC80  }
0xa4: {  	_ =	swait.ge @!p0 [sflag:s11], $0xC80  }
0xa5: {  	[sflag:s11] =	ssyncset.done @!p0 $0x0  }
0xa6: {  	s12 =	rddreg [dreg:$0xa];
	[sflag:s11] =	ssyncadd.s32 @!p0 $0xFFFFF380  }
0xa7: {  	[hbm:s12], [sflag:s10] =	dma.local @!p0 [spmem:s24], $0xC80  }
0xa8: {  	s8 =	sadd.s32 $0x1, s8;
	_ =	swait.ge @!p0 [sflag:s11], $0xC80  }
0xa9: {  	p1 =	sne.s32 s8, s22;
	[sflag:s11] =	ssyncset.done @!p0 $0x0  }
.Ltmp3:
0xaa: {  	s12 =	rddreg [dreg:$0xb];
	[sflag:s11] =	ssyncadd.s32 @!p0 $0xFFFFF380;
	(pc) =	sbr.rel @p1 .LBB2_1-.Ltmp3, $4  }
0xab: {  	[hbm:s12], [sflag:s10] =	dma.local @!p0 [spmem:s25], $0x200  }
0xac: {  	_ =	swait.ge @!p0 [sflag:s11], $0x200  }
0xad: {  	[sflag:s11] =	ssyncset.done @!p0 $0x0  }
0xae: {  	[sflag:s11] =	ssyncadd.s32 @!p0 $0xFFFFFE00  }
0xaf: {  	_ =	sfence.sel $0x180000  }
0xb0: {  	[bflag:$0x0] =	sbarrier.arrive $0xFFFF  }
0xb1: {  	_ =	strace $0x9000004A  }
0xb2: {  	s0 =	stileid.u32;
	[bflag:$0x2] =	sbarrier.arrive $0xFFFF  }
0xb3: {  	p0 =	sne.s32 s0, $0x0;
	s0 =	rddreg [dreg:$0x3]  }
0xb4: {  	s0 =	sadd.s32 @!p0 $0x100000, s0  }
0xb5: {  	[sflag:s0] =	ssyncadd.tile.s32 @!p0 $0x1;
	_ =	shalt  }
.Lfunc_end2:
_tile_overlayer_lowered:
.L_overlay_start_2:
0xb6: {  	(tag) =	ssettag $0x2  }
0xb7: {  	s0 =	rddreg [dreg:$0x0];
	s2 =	stileid.u32  }
0xb8: {  	s1 =	rddreg [dreg:$0x1];
	p0 =	sne.s32 s2, $0x0  }
0xb9: {  	s3 =	rddreg [dreg:$0x2];
	[bflag:$0x3] =	sbarrier.arrive $0xFFFF;
	s2 =	simm.s32 @!p0 $0x1C01  }
0xba: {  	[timem:s3], [sflag:s2] =	dma.local @!p0 [hbm:s0], s1  }
0xbb: {  	s0 =	simm.s32 @!p0 $0x1  }
0xbc: {  	_ =	swait.ge @!p0 [sflag:s0], s1  }
0xbd: {  	s1 =	ssub.s32 @!p0 $0x0, s1;
	[sflag:s0] =	ssyncset.done @!p0 $0x0  }
0xbe: {  	[sflag:s0] =	ssyncadd.s32 @!p0 s1  }
0xbf: {  	[bflag:$0x3] =	sbarrier.arrive $0xFFFF  }
0xc0: {  	_ =	shalt  }

</sc_bundles>
